<compile_context>
chip_gen: v7x
topology: tpu7x:2x2x1
jax: 0.10.2.dev20260603
libtpu: 0.0.44.dev20260713+nightly
codegen_flags: <defaults>
</compile_context>

<pallas_src>
import functools

import jax
import jax.numpy as jnp
from jax import lax
from jax.experimental import pallas as pl
from jax.experimental.pallas import tpu as pltpu
from jax.experimental.pallas import tpu_sc as plsc

N_SAMPLES = 3200000
N_RAYS = 100000
NC = 2
NS = 16
NW = NC * NS
RPW = 3128
ACC = RPW * 3
ACC_PAD = 9392
CH = 8192
GRP = CH // 16
SEARCH_ROUNDS = 10


def _sc_body(
    w_hbm, x_hbm, y_hbm, z_hbm, i_hbm, out_hbm,
    w_va, x_va, y_va, z_va, i_va,
    w_vb, x_vb, y_vb, z_vb, i_vb,
    acc_v, probe_v, sem_a, sem_b, sem_p,
):
    wid = lax.axis_index("s") * NC + lax.axis_index("c")
    ray_lo = wid * RPW
    rpw_w = jnp.minimum(RPW, N_RAYS - ray_lo)

    lane = lax.iota(jnp.int32, 16)
    sh_dn = jnp.maximum(lane - 1, 0)
    sh_up = jnp.minimum(lane + 1, 15)
    lane0 = lane == 0
    lane15 = lane == 15
    lhalf = lane < 8
    rhalf = lane >= 8

    tv = jnp.where(lhalf, ray_lo, ray_lo + rpw_w)

    def search_round(_, st):
        lo1, hi1, lo2, hi2 = st
        st1 = (hi1 - lo1 + 7) // 8
        st2 = (hi2 - lo2 + 7) // 8
        q = jnp.where(lhalf, lo1 + lane * st1, lo2 + (lane - 8) * st2)
        pc = jnp.minimum(q, N_SAMPLES - 1)
        pltpu.async_copy(i_hbm.at[pc], probe_v, sem_p).wait()
        pv = probe_v[pl.ds(0, 16)]
        bel = (pv < tv) & (q < N_SAMPLES)
        c1 = plsc.all_reduce_population_count(bel & lhalf)[0]
        c2 = plsc.all_reduce_population_count(bel & rhalf)[0]
        lo1n = jnp.where(c1 == 0, lo1, lo1 + (c1 - 1) * st1 + 1)
        hi1n = jnp.where(c1 >= 8, hi1, jnp.minimum(hi1, lo1 + c1 * st1))
        lo2n = jnp.where(c2 == 0, lo2, lo2 + (c2 - 1) * st2 + 1)
        hi2n = jnp.where(c2 >= 8, hi2, jnp.minimum(hi2, lo2 + c2 * st2))
        return lo1n, hi1n, lo2n, hi2n

    z = jnp.int32(0)
    n = jnp.int32(N_SAMPLES)
    start, _, end, _ = lax.fori_loop(
        0, SEARCH_ROUNDS, search_round, (z, n, z, n)
    )

    zeros16 = jnp.zeros((16,), jnp.float32)

    @plsc.parallel_loop(0, ACC_PAD // 16)
    def _(k):
        acc_v[pl.ds(k * 16, 16)] = zeros16

    base0 = start & (-8)
    nchunks = (end - base0 + CH - 1) // CH

    hbms = (w_hbm, x_hbm, y_hbm, z_hbm, i_hbm)
    set_a = (w_va, x_va, y_va, z_va, i_va)
    set_b = (w_vb, x_vb, y_vb, z_vb, i_vb)

    def chunk_base(ci):
        ub = base0 + ci * CH
        b = pl.multiple_of(jnp.minimum(ub, N_SAMPLES - CH), 8)
        return ub, b

    def start_dma(ci, bufs, sem):
        _, b = chunk_base(ci)
        for h, v in zip(hbms, bufs):
            pltpu.async_copy(h.at[pl.ds(b, CH)], v, sem)

    def wait_dma(bufs, sem):
        for h, v in zip(hbms, bufs):
            pltpu.make_async_copy(h.at[pl.ds(0, CH)], v, sem).wait()

    def compute(ci, bufs):
        w_v, x_v, y_v, z_v, i_v = bufs
        ub, b = chunk_base(ci)
        d = ub - b

        @plsc.parallel_loop(0, GRP, unroll=4)
        def _(j):
            j16 = j * 16
            idx16 = i_v[pl.ds(j16, 16)]
            w16 = w_v[pl.ds(j16, 16)]
            pos_ok = (j16 + lane) >= d
            w16z = jnp.where(pos_ok, w16, 0.0)
            lv = idx16 - ray_lo
            ray_ok = (lv >= 0) & (lv < rpw_w)
            tgt0 = jnp.clip(lv, 0, RPW - 1)
            prev_idx = idx16.at[sh_dn].get(mode="promise_in_bounds")
            is_start = (idx16 != prev_idx) | lane0
            sp = plsc.cummax(jnp.where(is_start, lane, 0))
            endv = jnp.where(is_start, 1, 0).at[sh_up].get(
                mode="promise_in_bounds"
            )
            seg_end = (endv == 1) | lane15
            base_i = jnp.maximum(sp - 1, 0)
            has_prev = sp > 0
            m = seg_end & ray_ok
            for ch, c_v in enumerate((x_v, y_v, z_v)):
                oc = c_v[pl.ds(j16, 16)]
                cs = plsc.cumsum(w16z * oc)
                pb = cs.at[base_i].get(mode="promise_in_bounds")
                run = cs - jnp.where(has_prev, pb, 0.0)
                plsc.addupdate_scatter(
                    acc_v, [tgt0 + ch * RPW], run, mask=m
                )

    pl.when(nchunks > 0)(lambda: start_dma(0, set_a, sem_a))
    npairs = (nchunks + 1) // 2

    def pair_body(cp, carry):
        ci0 = 2 * cp
        ci1 = ci0 + 1
        pl.when(ci1 < nchunks)(lambda: start_dma(ci1, set_b, sem_b))
        wait_dma(set_a, sem_a)
        compute(ci0, set_a)

        def second():
            pl.when(ci1 + 1 < nchunks)(
                lambda: start_dma(ci1 + 1, set_a, sem_a)
            )
            wait_dma(set_b, sem_b)
            compute(ci1, set_b)

        pl.when(ci1 < nchunks)(second)
        return carry

    lax.fori_loop(0, npairs, pair_body, None)

    for ch in range(3):
        pltpu.sync_copy(
            acc_v.at[pl.ds(ch * RPW, RPW)],
            out_hbm.at[
                pl.ds(pl.multiple_of(ch * (NW * RPW) + wid * RPW, 8), RPW)
            ],
        )


@jax.jit
def _run(w_flat, ox, oy, oz, ray_indices):
    mesh = plsc.VectorSubcoreMesh(core_axis_name="c", subcore_axis_name="s")
    f32buf = pltpu.VMEM((CH,), jnp.float32)
    i32buf = pltpu.VMEM((CH,), jnp.int32)
    k = functools.partial(
        pl.kernel,
        mesh=mesh,
        out_type=jax.ShapeDtypeStruct((NW * ACC,), jnp.float32),
        scratch_types=[
            f32buf, f32buf, f32buf, f32buf, i32buf,
            f32buf, f32buf, f32buf, f32buf, i32buf,
            pltpu.VMEM((ACC_PAD,), jnp.float32),
            pltpu.VMEM((16,), jnp.int32),
            pltpu.SemaphoreType.DMA,
            pltpu.SemaphoreType.DMA,
            pltpu.SemaphoreType.DMA,
        ],
        compiler_params=pltpu.CompilerParams(needs_layout_passes=False),
    )(_sc_body)
    return k(w_flat, ox, oy, oz, ray_indices)


def kernel(weights, offsets, ray_indices, num_rays):
    w_flat = weights[:, 0]
    ox, oy, oz = offsets[:, 0], offsets[:, 1], offsets[:, 2]
    out = _run(w_flat, ox, oy, oz, ray_indices)
    out3 = out.reshape(3, NW * RPW)[:, :N_RAYS]
    return jnp.swapaxes(out3, 0, 1)

# --- scband reference (transcript-rebuilt; emitter-appended) ---
"""Pipeline reference for scband-deformation-renderer-40157944217664 (READ-ONLY COPY).

The authoritative reference and input builder live on the scoring server;
editing this copy changes nothing except your own understanding.
"""

import jax, jax.numpy as jnp
import numpy as np

N = 3200000
NUM_RAYS = 100000

def setup_inputs(seed: int = 0) -> dict:
    key = jax.random.key(seed)
    k1, k2, k3 = jax.random.split(key, 3)
    weights = jax.random.uniform(k1, (N, 1), dtype=jnp.float32)
    offsets = jax.random.normal(k2, (N, 3), dtype=jnp.float32)
    ray_indices = jnp.sort(jax.random.randint(k3, (N,), 0, NUM_RAYS, dtype=jnp.int32))
    return {
        "weights": weights,
        "offsets": offsets,
        "ray_indices": ray_indices,
        "num_rays": NUM_RAYS,
    }

def reference(weights, offsets, ray_indices, num_rays):
    # Packed-ray branch of DeformationRenderer.forward:
    # nerfacc.accumulate_along_rays(weights.squeeze(1), values=offsets,
    #                               ray_indices=ray_indices, n_rays=num_rays)
    # == segment_sum over rays of weights[:, None] * offsets
    w = jnp.squeeze(weights, axis=1)            # [N]
    src = w[:, None] * offsets                  # [N, 3]
    ray_indices = jnp.minimum(ray_indices, num_rays - 1)
    deformation_per_ray = jax.ops.segment_sum(src, ray_indices, num_segments=NUM_RAYS)  # [num_rays, 3]
    return deformation_per_ray

if __name__ == "__main__":
    import jax
    _d = setup_inputs()
    print(jax.jit(kernel)(*tuple(_d.values())))

</pallas_src>

<mosaic_0001>
#map = affine_map<(d0, d1) -> (0)>
module attributes {stable_mosaic.version = 14 : i64} {
  func.func @_sc_body(%arg0: i32, %arg1: i32, %arg2: memref<3200000xf32, #tpu.memory_space<hbm>>, %arg3: memref<3200000xf32, #tpu.memory_space<hbm>>, %arg4: memref<3200000xf32, #tpu.memory_space<hbm>>, %arg5: memref<3200000xf32, #tpu.memory_space<hbm>>, %arg6: memref<3200000xi32, #tpu.memory_space<hbm>>, %arg7: memref<300288xf32, #tpu.memory_space<hbm>>, %arg8: memref<8192xf32, #tpu.memory_space<vmem>>, %arg9: memref<8192xf32, #tpu.memory_space<vmem>>, %arg10: memref<8192xf32, #tpu.memory_space<vmem>>, %arg11: memref<8192xf32, #tpu.memory_space<vmem>>, %arg12: memref<8192xi32, #tpu.memory_space<vmem>>, %arg13: memref<8192xf32, #tpu.memory_space<vmem>>, %arg14: memref<8192xf32, #tpu.memory_space<vmem>>, %arg15: memref<8192xf32, #tpu.memory_space<vmem>>, %arg16: memref<8192xf32, #tpu.memory_space<vmem>>, %arg17: memref<8192xi32, #tpu.memory_space<vmem>>, %arg18: memref<9392xf32, #tpu.memory_space<vmem>>, %arg19: memref<16xi32, #tpu.memory_space<vmem>>, %arg20: memref<!tpu.dma_semaphore, #tpu.memory_space<semaphore_mem>>, %arg21: memref<!tpu.dma_semaphore, #tpu.memory_space<semaphore_mem>>, %arg22: memref<!tpu.dma_semaphore, #tpu.memory_space<semaphore_mem>>) attributes {dimension_semantics = [#tpu.dimension_semantics<core_parallel>, #tpu.dimension_semantics<subcore_parallel>], iteration_bounds = array<i64: 2, 16>, scalar_prefetch = 0 : i64, scratch_operands = 15 : i64, tpu.core_type = #tpu.core_type<sc_vector_subcore>, window_params = [{transform_indices = #map}, {transform_indices = #map}, {transform_indices = #map}, {transform_indices = #map}, {transform_indices = #map}, {transform_indices = #map}]} {
    %mul3A = arith.constant 2 : i32
    %mul3A_0 = arith.muli %arg1, %mul3A : i32
    %add3A = arith.addi %mul3A_0, %arg0 : i32
    %mul3A_1 = arith.constant 3128 : i32
    %mul3A_2 = arith.muli %add3A, %mul3A_1 : i32
    %sub3A = arith.constant 100000 : i32
    %sub3A_3 = arith.subi %sub3A, %mul3A_2 : i32
    %min3A = arith.constant 3128 : i32
    %min3A_4 = arith.minsi %min3A, %sub3A_3 : i32
    %iota3A = tpu.iota {dimensions = array<i32: 0>} : vector<16xi32>
    %sub3A_5 = arith.constant 1 : i32
    %sub3A_6 = vector.broadcast %sub3A_5 : i32 to vector<16xi32>
    %sub3A_7 = arith.subi %iota3A, %sub3A_6 : vector<16xi32>
    %max3A = arith.constant 0 : i32
    %max3A_8 = vector.broadcast %max3A : i32 to vector<16xi32>
    %max3A_9 = arith.maxsi %sub3A_7, %max3A_8 : vector<16xi32>
    %add3A_10 = arith.constant 1 : i32
    %add3A_11 = vector.broadcast %add3A_10 : i32 to vector<16xi32>
    %add3A_12 = arith.addi %iota3A, %add3A_11 : vector<16xi32>
    %min3A_13 = arith.constant 15 : i32
    %min3A_14 = vector.broadcast %min3A_13 : i32 to vector<16xi32>
    %min3A_15 = arith.minsi %add3A_12, %min3A_14 : vector<16xi32>
    %eq3A = arith.constant 0 : i32
    %eq3A_16 = vector.broadcast %eq3A : i32 to vector<16xi32>
    %eq3A_17 = arith.cmpi eq, %iota3A, %eq3A_16 : vector<16xi32>
    %eq3A_18 = arith.constant 15 : i32
    %eq3A_19 = vector.broadcast %eq3A_18 : i32 to vector<16xi32>
    %eq3A_20 = arith.cmpi eq, %iota3A, %eq3A_19 : vector<16xi32>
    %lt3A = arith.constant 8 : i32
    %lt3A_21 = vector.broadcast %lt3A : i32 to vector<16xi32>
    %lt3A_22 = arith.cmpi slt, %iota3A, %lt3A_21 : vector<16xi32>
    %ge3A = arith.constant 8 : i32
    %ge3A_23 = vector.broadcast %ge3A : i32 to vector<16xi32>
    %ge3A_24 = arith.cmpi sge, %iota3A, %ge3A_23 : vector<16xi32>
    %add3A_25 = arith.addi %mul3A_2, %min3A_4 : i32
    %broadcast_in_dim3A = vector.broadcast %mul3A_2 : i32 to vector<16xi32>
    %broadcast_in_dim3A_26 = vector.broadcast %add3A_25 : i32 to vector<16xi32>
    %select_n3A = arith.select %lt3A_22, %broadcast_in_dim3A, %broadcast_in_dim3A_26 : vector<16xi1>, vector<16xi32>
    %scan3A = arith.constant 0 : i32
    %scan3A_27 = arith.constant 3200000 : i32
    %scan3A_28 = arith.constant 0 : i32
    %scan3A_29 = arith.constant 3200000 : i32
    %scan3A_30 = arith.constant 0 : i32
    %scan3A_31 = arith.constant 10 : i32
    %scan3A_32 = arith.addi %scan3A_30, %scan3A_31 : i32
    %scan3A_33 = arith.constant 1 : i32
    %scan3A_34:4 = scf.for %scan3A_115 = %scan3A_30 to %scan3A_32 step %scan3A_33 iter_args(%scan3A_116 = %scan3A, %scan3A_117 = %scan3A_27, %scan3A_118 = %scan3A_28, %scan3A_119 = %scan3A_29) -> (i32, i32, i32, i32)  : i32 {
      %sub3A_120 = arith.subi %scan3A_117, %scan3A_116 : i32
      %add3A_121 = arith.constant 7 : i32
      %add3A_122 = arith.addi %sub3A_120, %add3A_121 : i32
      %jit3A_123 = arith.constant 8 : i32
      %div3A_124 = arith.divsi %add3A_122, %jit3A_123 : i32
      %sign3A_125 = arith.constant 0 : i32
      %sign3A_126 = arith.cmpi sgt, %add3A_122, %sign3A_125 : i32
      %sign3A_127 = arith.extui %sign3A_126 : i1 to i32
      %sign3A_128 = arith.constant 0 : i32
      %sign3A_129 = arith.cmpi slt, %add3A_122, %sign3A_128 : i32
      %sign3A_130 = arith.extui %sign3A_129 : i1 to i32
      %sign3A_131 = arith.subi %sign3A_127, %sign3A_130 : i32
      %sign3A_132 = arith.constant 0 : i32
      %sign3A_133 = arith.cmpi sgt, %jit3A_123, %sign3A_132 : i32
      %sign3A_134 = arith.extui %sign3A_133 : i1 to i32
      %sign3A_135 = arith.constant 0 : i32
      %sign3A_136 = arith.cmpi slt, %jit3A_123, %sign3A_135 : i32
      %sign3A_137 = arith.extui %sign3A_136 : i1 to i32
      %sign3A_138 = arith.subi %sign3A_134, %sign3A_137 : i32
      %ne3A_139 = arith.cmpi ne, %sign3A_131, %sign3A_138 : i32
      %rem3A_140 = arith.remsi %add3A_122, %jit3A_123 : i32
      %ne3A_141 = arith.constant 0 : i32
      %ne3A_142 = arith.cmpi ne, %rem3A_140, %ne3A_141 : i32
      %and3A_143 = arith.andi %ne3A_139, %ne3A_142 : i1
      %sub3A_144 = arith.constant 1 : i32
      %sub3A_145 = arith.subi %div3A_124, %sub3A_144 : i32
      %select_n3A_146 = arith.select %and3A_143, %sub3A_145, %div3A_124 : i32
      %sub3A_147 = arith.subi %scan3A_119, %scan3A_118 : i32
      %add3A_148 = arith.constant 7 : i32
      %add3A_149 = arith.addi %sub3A_147, %add3A_148 : i32
      %jit3A_150 = arith.constant 8 : i32
      %div3A_151 = arith.divsi %add3A_149, %jit3A_150 : i32
      %sign3A_152 = arith.constant 0 : i32
      %sign3A_153 = arith.cmpi sgt, %add3A_149, %sign3A_152 : i32
      %sign3A_154 = arith.extui %sign3A_153 : i1 to i32
      %sign3A_155 = arith.constant 0 : i32
      %sign3A_156 = arith.cmpi slt, %add3A_149, %sign3A_155 : i32
      %sign3A_157 = arith.extui %sign3A_156 : i1 to i32
      %sign3A_158 = arith.subi %sign3A_154, %sign3A_157 : i32
      %sign3A_159 = arith.constant 0 : i32
      %sign3A_160 = arith.cmpi sgt, %jit3A_150, %sign3A_159 : i32
      %sign3A_161 = arith.extui %sign3A_160 : i1 to i32
      %sign3A_162 = arith.constant 0 : i32
      %sign3A_163 = arith.cmpi slt, %jit3A_150, %sign3A_162 : i32
      %sign3A_164 = arith.extui %sign3A_163 : i1 to i32
      %sign3A_165 = arith.subi %sign3A_161, %sign3A_164 : i32
      %ne3A_166 = arith.cmpi ne, %sign3A_158, %sign3A_165 : i32
      %rem3A_167 = arith.remsi %add3A_149, %jit3A_150 : i32
      %ne3A_168 = arith.constant 0 : i32
      %ne3A_169 = arith.cmpi ne, %rem3A_167, %ne3A_168 : i32
      %and3A_170 = arith.andi %ne3A_166, %ne3A_169 : i1
      %sub3A_171 = arith.constant 1 : i32
      %sub3A_172 = arith.subi %div3A_151, %sub3A_171 : i32
      %select_n3A_173 = arith.select %and3A_170, %sub3A_172, %div3A_151 : i32
      %mul3A_174 = vector.broadcast %select_n3A_146 : i32 to vector<16xi32>
      %mul3A_175 = arith.muli %iota3A, %mul3A_174 : vector<16xi32>
      %add3A_176 = vector.broadcast %scan3A_116 : i32 to vector<16xi32>
      %add3A_177 = arith.addi %add3A_176, %mul3A_175 : vector<16xi32>
      %sub3A_178 = arith.constant 8 : i32
      %sub3A_179 = vector.broadcast %sub3A_178 : i32 to vector<16xi32>
      %sub3A_180 = arith.subi %iota3A, %sub3A_179 : vector<16xi32>
      %mul3A_181 = vector.broadcast %select_n3A_173 : i32 to vector<16xi32>
      %mul3A_182 = arith.muli %sub3A_180, %mul3A_181 : vector<16xi32>
      %add3A_183 = vector.broadcast %scan3A_118 : i32 to vector<16xi32>
      %add3A_184 = arith.addi %add3A_183, %mul3A_182 : vector<16xi32>
      %select_n3A_185 = arith.select %lt3A_22, %add3A_177, %add3A_184 : vector<16xi1>, vector<16xi32>
      %min3A_186 = arith.constant 3199999 : i32
      %min3A_187 = vector.broadcast %min3A_186 : i32 to vector<16xi32>
      %min3A_188 = arith.minsi %select_n3A_185, %min3A_187 : vector<16xi32>
      %dma_start3A = arith.constant 0 : i32
      %dma_start3A_189 = tpu.memref_slice %arg6[%dma_start3A] : memref<3200000xi32, #tpu.memory_space<hbm>> -> memref<3200000xi32, #tpu.memory_space<hbm>>
      tpu.enqueue_indirect_dma source(%dma_start3A_189 : memref<3200000xi32, #tpu.memory_space<hbm>>) target(%arg19 : memref<16xi32, #tpu.memory_space<vmem>>) offsets(%min3A_188 : vector<16xi32>) semaphore(%arg22 : memref<!tpu.dma_semaphore, #tpu.memory_space<semaphore_mem>>)
      %dma_wait3A = arith.constant 0 : i32
      %dma_wait3A_190 = tpu.memref_slice %arg6[%dma_wait3A] : memref<3200000xi32, #tpu.memory_space<hbm>> -> memref<3200000xi32, #tpu.memory_space<hbm>>
      tpu.wait_indirect_dma semaphore(%arg22 : memref<!tpu.dma_semaphore, #tpu.memory_space<semaphore_mem>>) src(%dma_wait3A_190 : memref<3200000xi32, #tpu.memory_space<hbm>>) dst(%arg19 : memref<16xi32, #tpu.memory_space<vmem>>)
      %get3A = arith.constant 0 : index
      %get3A_191 = tpu.vector_load %arg19[%get3A] {strides = array<i32>} : memref<16xi32, #tpu.memory_space<vmem>>, vector<16xi32>,
      %lt3A_192 = arith.cmpi slt, %get3A_191, %select_n3A : vector<16xi32>
      %lt3A_193 = arith.constant 3200000 : i32
      %lt3A_194 = vector.broadcast %lt3A_193 : i32 to vector<16xi32>
      %lt3A_195 = arith.cmpi slt, %select_n3A_185, %lt3A_194 : vector<16xi32>
      %and3A_196 = arith.andi %lt3A_192, %lt3A_195 : vector<16xi1>
      %and3A_197 = arith.andi %and3A_196, %lt3A_22 : vector<16xi1>
      %all_reduce_population_count3A = tpu.all_reduce %and3A_197 {dim = 0 : i64, kind = #tpu.reduction_kind<sum>} : vector<16xi1> -> vector<16xi32>
      %slice3A = vector.extract_strided_slice %all_reduce_population_count3A {offsets = [0], sizes = [1], strides = [1]} : vector<16xi32> to vector<1xi32>
      %squeeze3A = vector.extract %slice3A[0] : i32 from vector<1xi32>
      %and3A_198 = arith.andi %and3A_196, %ge3A_24 : vector<16xi1>
      %all_reduce_population_count3A_199 = tpu.all_reduce %and3A_198 {dim = 0 : i64, kind = #tpu.reduction_kind<sum>} : vector<16xi1> -> vector<16xi32>
      %slice3A_200 = vector.extract_strided_slice %all_reduce_population_count3A_199 {offsets = [0], sizes = [1], strides = [1]} : vector<16xi32> to vector<1xi32>
      %squeeze3A_201 = vector.extract %slice3A_200[0] : i32 from vector<1xi32>
      %eq3A_202 = arith.constant 0 : i32
      %eq3A_203 = arith.cmpi eq, %squeeze3A, %eq3A_202 : i32
      %sub3A_204 = arith.constant 1 : i32
      %sub3A_205 = arith.subi %squeeze3A, %sub3A_204 : i32
      %mul3A_206 = arith.muli %sub3A_205, %select_n3A_146 : i32
      %add3A_207 = arith.addi %scan3A_116, %mul3A_206 : i32
      %add3A_208 = arith.constant 1 : i32
      %add3A_209 = arith.addi %add3A_207, %add3A_208 : i32
      %select_n3A_210 = arith.select %eq3A_203, %scan3A_116, %add3A_209 : i32
      %ge3A_211 = arith.constant 8 : i32
      %ge3A_212 = arith.cmpi sge, %squeeze3A, %ge3A_211 : i32
      %mul3A_213 = arith.muli %squeeze3A, %select_n3A_146 : i32
      %add3A_214 = arith.addi %scan3A_116, %mul3A_213 : i32
      %min3A_215 = arith.minsi %scan3A_117, %add3A_214 : i32
      %select_n3A_216 = arith.select %ge3A_212, %scan3A_117, %min3A_215 : i32
      %eq3A_217 = arith.constant 0 : i32
      %eq3A_218 = arith.cmpi eq, %squeeze3A_201, %eq3A_217 : i32
      %sub3A_219 = arith.constant 1 : i32
      %sub3A_220 = arith.subi %squeeze3A_201, %sub3A_219 : i32
      %mul3A_221 = arith.muli %sub3A_220, %select_n3A_173 : i32
      %add3A_222 = arith.addi %scan3A_118, %mul3A_221 : i32
      %add3A_223 = arith.constant 1 : i32
      %add3A_224 = arith.addi %add3A_222, %add3A_223 : i32
      %select_n3A_225 = arith.select %eq3A_218, %scan3A_118, %add3A_224 : i32
      %ge3A_226 = arith.constant 8 : i32
      %ge3A_227 = arith.cmpi sge, %squeeze3A_201, %ge3A_226 : i32
      %mul3A_228 = arith.muli %squeeze3A_201, %select_n3A_173 : i32
      %add3A_229 = arith.addi %scan3A_118, %mul3A_228 : i32
      %min3A_230 = arith.minsi %scan3A_119, %add3A_229 : i32
      %select_n3A_231 = arith.select %ge3A_227, %scan3A_119, %min3A_230 : i32
      scf.yield %select_n3A_210, %select_n3A_216, %select_n3A_225, %select_n3A_231 : i32, i32, i32, i32
    }
    %scan3A_35 = arith.constant 10 : i32
    %broadcast_in_dim3A_36 = arith.constant 0.000000e+00 : f32
    %broadcast_in_dim3A_37 = vector.broadcast %broadcast_in_dim3A_36 : f32 to vector<16xf32>
    %parallel_loop3A = arith.constant 0 : i32
    %parallel_loop3A_38 = arith.constant 587 : i32
    %parallel_loop3A_39 = arith.constant 1 : i32
    scf.for %parallel_loop3A_115 = %parallel_loop3A to %parallel_loop3A_38 step %parallel_loop3A_39  : i32 {
      %parallel_loop3A_116 = arith.constant 16 : i32
      %parallel_loop3A_117 = arith.muli %parallel_loop3A_115, %parallel_loop3A_116 : i32
      %parallel_loop3A_118 = arith.index_cast %parallel_loop3A_117 : i32 to index
      %parallel_loop3A_119 = tpu.vector_load %arg18[%parallel_loop3A_118] {strides = array<i32>} : memref<9392xf32, #tpu.memory_space<vmem>>, vector<16xf32>,
      tpu.vector_store %arg18[%parallel_loop3A_118], %broadcast_in_dim3A_37 {strides = array<i32>} : memref<9392xf32, #tpu.memory_space<vmem>>, vector<16xf32>,
    } {sc.loop_unroll_factor = 1 : i64, sc.parallel_access}
    %and3A = arith.constant -8 : i32
    %and3A_40 = arith.andi %scan3A_34#0, %and3A : i32
    %sub3A_41 = arith.subi %scan3A_34#2, %and3A_40 : i32
    %add3A_42 = arith.constant 8192 : i32
    %add3A_43 = arith.addi %sub3A_41, %add3A_42 : i32
    %sub3A_44 = arith.constant 1 : i32
    %sub3A_45 = arith.subi %add3A_43, %sub3A_44 : i32
    %jit3A = arith.constant 8192 : i32
    %div3A = arith.divsi %sub3A_45, %jit3A : i32
    %sign3A = arith.constant 0 : i32
    %sign3A_46 = arith.cmpi sgt, %sub3A_45, %sign3A : i32
    %sign3A_47 = arith.extui %sign3A_46 : i1 to i32
    %sign3A_48 = arith.constant 0 : i32
    %sign3A_49 = arith.cmpi slt, %sub3A_45, %sign3A_48 : i32
    %sign3A_50 = arith.extui %sign3A_49 : i1 to i32
    %sign3A_51 = arith.subi %sign3A_47, %sign3A_50 : i32
    %sign3A_52 = arith.constant 0 : i32
    %sign3A_53 = arith.cmpi sgt, %jit3A, %sign3A_52 : i32
    %sign3A_54 = arith.extui %sign3A_53 : i1 to i32
    %sign3A_55 = arith.constant 0 : i32
    %sign3A_56 = arith.cmpi slt, %jit3A, %sign3A_55 : i32
    %sign3A_57 = arith.extui %sign3A_56 : i1 to i32
    %sign3A_58 = arith.subi %sign3A_54, %sign3A_57 : i32
    %ne3A = arith.cmpi ne, %sign3A_51, %sign3A_58 : i32
    %rem3A = arith.remsi %sub3A_45, %jit3A : i32
    %ne3A_59 = arith.constant 0 : i32
    %ne3A_60 = arith.cmpi ne, %rem3A, %ne3A_59 : i32
    %and3A_61 = arith.andi %ne3A, %ne3A_60 : i1
    %sub3A_62 = arith.constant 1 : i32
    %sub3A_63 = arith.subi %div3A, %sub3A_62 : i32
    %select_n3A_64 = arith.select %and3A_61, %sub3A_63, %div3A : i32
    %gt3A = arith.constant 0 : i32
    %gt3A_65 = arith.cmpi sgt, %select_n3A_64, %gt3A : i32
    %convert_element_type3A = arith.extui %gt3A_65 : i1 to i32
    %cond3A = arith.constant 0 : i32
    %cond3A_66 = arith.cmpi ne, %convert_element_type3A, %cond3A : i32
    scf.if %cond3A_66 {
      %add3A_115 = arith.constant 0 : i32
      %add3A_116 = arith.addi %and3A_40, %add3A_115 : i32
      %min3A_117 = arith.constant 3191808 : i32
      %min3A_118 = arith.minsi %add3A_116, %min3A_117 : i32
      %multiple_of3A_119 = tpu.assume_multiple %min3A_118, 8 : i32
      %dma_start3A = tpu.memref_slice %arg2[%multiple_of3A_119] : memref<3200000xf32, #tpu.memory_space<hbm>> -> memref<8192xf32, #tpu.memory_space<hbm>>
      %dma_start3A_120 = tpu.memref_slice %arg2[%multiple_of3A_119] : memref<3200000xf32, #tpu.memory_space<hbm>> -> memref<8192xf32, #tpu.memory_space<hbm>>
      tpu.enqueue_dma source(%dma_start3A_120 : memref<8192xf32, #tpu.memory_space<hbm>>) target(%arg8 : memref<8192xf32, #tpu.memory_space<vmem>>) target_semaphore(%arg20 : memref<!tpu.dma_semaphore, #tpu.memory_space<semaphore_mem>>)
      %dma_start3A_121 = tpu.memref_slice %arg3[%multiple_of3A_119] : memref<3200000xf32, #tpu.memory_space<hbm>> -> memref<8192xf32, #tpu.memory_space<hbm>>
      %dma_start3A_122 = tpu.memref_slice %arg3[%multiple_of3A_119] : memref<3200000xf32, #tpu.memory_space<hbm>> -> memref<8192xf32, #tpu.memory_space<hbm>>
      tpu.enqueue_dma source(%dma_start3A_122 : memref<8192xf32, #tpu.memory_space<hbm>>) target(%arg9 : memref<8192xf32, #tpu.memory_space<vmem>>) target_semaphore(%arg20 : memref<!tpu.dma_semaphore, #tpu.memory_space<semaphore_mem>>)
      %dma_start3A_123 = tpu.memref_slice %arg4[%multiple_of3A_119] : memref<3200000xf32, #tpu.memory_space<hbm>> -> memref<8192xf32, #tpu.memory_space<hbm>>
      %dma_start3A_124 = tpu.memref_slice %arg4[%multiple_of3A_119] : memref<3200000xf32, #tpu.memory_space<hbm>> -> memref<8192xf32, #tpu.memory_space<hbm>>
      tpu.enqueue_dma source(%dma_start3A_124 : memref<8192xf32, #tpu.memory_space<hbm>>) target(%arg10 : memref<8192xf32, #tpu.memory_space<vmem>>) target_semaphore(%arg20 : memref<!tpu.dma_semaphore, #tpu.memory_space<semaphore_mem>>)
      %dma_start3A_125 = tpu.memref_slice %arg5[%multiple_of3A_119] : memref<3200000xf32, #tpu.memory_space<hbm>> -> memref<8192xf32, #tpu.memory_space<hbm>>
      %dma_start3A_126 = tpu.memref_slice %arg5[%multiple_of3A_119] : memref<3200000xf32, #tpu.memory_space<hbm>> -> memref<8192xf32, #tpu.memory_space<hbm>>
      tpu.enqueue_dma source(%dma_start3A_126 : memref<8192xf32, #tpu.memory_space<hbm>>) target(%arg11 : memref<8192xf32, #tpu.memory_space<vmem>>) target_semaphore(%arg20 : memref<!tpu.dma_semaphore, #tpu.memory_space<semaphore_mem>>)
      %dma_start3A_127 = tpu.memref_slice %arg6[%multiple_of3A_119] : memref<3200000xi32, #tpu.memory_space<hbm>> -> memref<8192xi32, #tpu.memory_space<hbm>>
      %dma_start3A_128 = tpu.memref_slice %arg6[%multiple_of3A_119] : memref<3200000xi32, #tpu.memory_space<hbm>> -> memref<8192xi32, #tpu.memory_space<hbm>>
      tpu.enqueue_dma source(%dma_start3A_128 : memref<8192xi32, #tpu.memory_space<hbm>>) target(%arg12 : memref<8192xi32, #tpu.memory_space<vmem>>) target_semaphore(%arg20 : memref<!tpu.dma_semaphore, #tpu.memory_space<semaphore_mem>>)
    } else {
    }
    %add3A_67 = arith.constant 1 : i32
    %add3A_68 = arith.addi %select_n3A_64, %add3A_67 : i32
    %jit3A_69 = arith.constant 2 : i32
    %div3A_70 = arith.divsi %add3A_68, %jit3A_69 : i32
    %sign3A_71 = arith.constant 0 : i32
    %sign3A_72 = arith.cmpi sgt, %add3A_68, %sign3A_71 : i32
    %sign3A_73 = arith.extui %sign3A_72 : i1 to i32
    %sign3A_74 = arith.constant 0 : i32
    %sign3A_75 = arith.cmpi slt, %add3A_68, %sign3A_74 : i32
    %sign3A_76 = arith.extui %sign3A_75 : i1 to i32
    %sign3A_77 = arith.subi %sign3A_73, %sign3A_76 : i32
    %sign3A_78 = arith.constant 0 : i32
    %sign3A_79 = arith.cmpi sgt, %jit3A_69, %sign3A_78 : i32
    %sign3A_80 = arith.extui %sign3A_79 : i1 to i32
    %sign3A_81 = arith.constant 0 : i32
    %sign3A_82 = arith.cmpi slt, %jit3A_69, %sign3A_81 : i32
    %sign3A_83 = arith.extui %sign3A_82 : i1 to i32
    %sign3A_84 = arith.subi %sign3A_80, %sign3A_83 : i32
    %ne3A_85 = arith.cmpi ne, %sign3A_77, %sign3A_84 : i32
    %rem3A_86 = arith.remsi %add3A_68, %jit3A_69 : i32
    %ne3A_87 = arith.constant 0 : i32
    %ne3A_88 = arith.cmpi ne, %rem3A_86, %ne3A_87 : i32
    %and3A_89 = arith.andi %ne3A_85, %ne3A_88 : i1
    %sub3A_90 = arith.constant 1 : i32
    %sub3A_91 = arith.subi %div3A_70, %sub3A_90 : i32
    %select_n3A_92 = arith.select %and3A_89, %sub3A_91, %div3A_70 : i32
    %while3A = arith.constant 0 : i32
    %while3A_93 = arith.subi %select_n3A_92, %while3A : i32
    %while3A_94 = arith.addi %while3A, %while3A_93 : i32
    %while3A_95 = arith.constant 1 : i32
    %while3A_96 = arith.divsi %while3A_93, %while3A_95 : i32
    %while3A_97 = arith.muli %while3A_96, %while3A_95 : i32
    %while3A_98 = arith.addi %while3A, %while3A_97 : i32
    %while3A_99 = arith.constant 1 : i32
    scf.for %while3A_115 = %while3A to %while3A_98 step %while3A_99  : i32 {
      %mul3A_116 = arith.constant 2 : i32
      %mul3A_117 = arith.muli %mul3A_116, %while3A_115 : i32
      %add3A_118 = arith.constant 1 : i32
      %add3A_119 = arith.addi %mul3A_117, %add3A_118 : i32
      %lt3A_120 = arith.cmpi slt, %add3A_119, %select_n3A_64 : i32
      %convert_element_type3A_121 = arith.extui %lt3A_120 : i1 to i32
      %cond3A_122 = arith.constant 0 : i32
      %cond3A_123 = arith.cmpi ne, %convert_element_type3A_121, %cond3A_122 : i32
      scf.if %cond3A_123 {
        %mul3A_157 = arith.constant 8192 : i32
        %mul3A_158 = arith.muli %add3A_119, %mul3A_157 : i32
        %add3A_159 = arith.addi %and3A_40, %mul3A_158 : i32
        %min3A_160 = arith.constant 3191808 : i32
        %min3A_161 = arith.minsi %add3A_159, %min3A_160 : i32
        %multiple_of3A_162 = tpu.assume_multiple %min3A_161, 8 : i32
        %dma_start3A = tpu.memref_slice %arg2[%multiple_of3A_162] : memref<3200000xf32, #tpu.memory_space<hbm>> -> memref<8192xf32, #tpu.memory_space<hbm>>
        %dma_start3A_163 = tpu.memref_slice %arg2[%multiple_of3A_162] : memref<3200000xf32, #tpu.memory_space<hbm>> -> memref<8192xf32, #tpu.memory_space<hbm>>
        tpu.enqueue_dma source(%dma_start3A_163 : memref<8192xf32, #tpu.memory_space<hbm>>) target(%arg13 : memref<8192xf32, #tpu.memory_space<vmem>>) target_semaphore(%arg21 : memref<!tpu.dma_semaphore, #tpu.memory_space<semaphore_mem>>)
        %dma_start3A_164 = tpu.memref_slice %arg3[%multiple_of3A_162] : memref<3200000xf32, #tpu.memory_space<hbm>> -> memref<8192xf32, #tpu.memory_space<hbm>>
        %dma_start3A_165 = tpu.memref_slice %arg3[%multiple_of3A_162] : memref<3200000xf32, #tpu.memory_space<hbm>> -> memref<8192xf32, #tpu.memory_space<hbm>>
        tpu.enqueue_dma source(%dma_start3A_165 : memref<8192xf32, #tpu.memory_space<hbm>>) target(%arg14 : memref<8192xf32, #tpu.memory_space<vmem>>) target_semaphore(%arg21 : memref<!tpu.dma_semaphore, #tpu.memory_space<semaphore_mem>>)
        %dma_start3A_166 = tpu.memref_slice %arg4[%multiple_of3A_162] : memref<3200000xf32, #tpu.memory_space<hbm>> -> memref<8192xf32, #tpu.memory_space<hbm>>
        %dma_start3A_167 = tpu.memref_slice %arg4[%multiple_of3A_162] : memref<3200000xf32, #tpu.memory_space<hbm>> -> memref<8192xf32, #tpu.memory_space<hbm>>
        tpu.enqueue_dma source(%dma_start3A_167 : memref<8192xf32, #tpu.memory_space<hbm>>) target(%arg15 : memref<8192xf32, #tpu.memory_space<vmem>>) target_semaphore(%arg21 : memref<!tpu.dma_semaphore, #tpu.memory_space<semaphore_mem>>)
        %dma_start3A_168 = tpu.memref_slice %arg5[%multiple_of3A_162] : memref<3200000xf32, #tpu.memory_space<hbm>> -> memref<8192xf32, #tpu.memory_space<hbm>>
        %dma_start3A_169 = tpu.memref_slice %arg5[%multiple_of3A_162] : memref<3200000xf32, #tpu.memory_space<hbm>> -> memref<8192xf32, #tpu.memory_space<hbm>>
        tpu.enqueue_dma source(%dma_start3A_169 : memref<8192xf32, #tpu.memory_space<hbm>>) target(%arg16 : memref<8192xf32, #tpu.memory_space<vmem>>) target_semaphore(%arg21 : memref<!tpu.dma_semaphore, #tpu.memory_space<semaphore_mem>>)
        %dma_start3A_170 = tpu.memref_slice %arg6[%multiple_of3A_162] : memref<3200000xi32, #tpu.memory_space<hbm>> -> memref<8192xi32, #tpu.memory_space<hbm>>
        %dma_start3A_171 = tpu.memref_slice %arg6[%multiple_of3A_162] : memref<3200000xi32, #tpu.memory_space<hbm>> -> memref<8192xi32, #tpu.memory_space<hbm>>
        tpu.enqueue_dma source(%dma_start3A_171 : memref<8192xi32, #tpu.memory_space<hbm>>) target(%arg17 : memref<8192xi32, #tpu.memory_space<vmem>>) target_semaphore(%arg21 : memref<!tpu.dma_semaphore, #tpu.memory_space<semaphore_mem>>)
      } else {
      }
      %dma_wait3A = arith.constant 0 : i32
      %dma_wait3A_124 = tpu.memref_slice %arg2[%dma_wait3A] : memref<3200000xf32, #tpu.memory_space<hbm>> -> memref<8192xf32, #tpu.memory_space<hbm>>
      %dma_wait3A_125 = arith.constant 0 : i32
      %dma_wait3A_126 = tpu.memref_slice %arg2[%dma_wait3A_125] : memref<3200000xf32, #tpu.memory_space<hbm>> -> memref<8192xf32, #tpu.memory_space<hbm>>
      tpu.wait_dma2 semaphore(%arg20 : memref<!tpu.dma_semaphore, #tpu.memory_space<semaphore_mem>>) src(%dma_wait3A_126 : memref<8192xf32, #tpu.memory_space<hbm>>) dst(%arg8 : memref<8192xf32, #tpu.memory_space<vmem>>)
      %dma_wait3A_127 = arith.constant 0 : i32
      %dma_wait3A_128 = tpu.memref_slice %arg3[%dma_wait3A_127] : memref<3200000xf32, #tpu.memory_space<hbm>> -> memref<8192xf32, #tpu.memory_space<hbm>>
      %dma_wait3A_129 = arith.constant 0 : i32
      %dma_wait3A_130 = tpu.memref_slice %arg3[%dma_wait3A_129] : memref<3200000xf32, #tpu.memory_space<hbm>> -> memref<8192xf32, #tpu.memory_space<hbm>>
      tpu.wait_dma2 semaphore(%arg20 : memref<!tpu.dma_semaphore, #tpu.memory_space<semaphore_mem>>) src(%dma_wait3A_130 : memref<8192xf32, #tpu.memory_space<hbm>>) dst(%arg9 : memref<8192xf32, #tpu.memory_space<vmem>>)
      %dma_wait3A_131 = arith.constant 0 : i32
      %dma_wait3A_132 = tpu.memref_slice %arg4[%dma_wait3A_131] : memref<3200000xf32, #tpu.memory_space<hbm>> -> memref<8192xf32, #tpu.memory_space<hbm>>
      %dma_wait3A_133 = arith.constant 0 : i32
      %dma_wait3A_134 = tpu.memref_slice %arg4[%dma_wait3A_133] : memref<3200000xf32, #tpu.memory_space<hbm>> -> memref<8192xf32, #tpu.memory_space<hbm>>
      tpu.wait_dma2 semaphore(%arg20 : memref<!tpu.dma_semaphore, #tpu.memory_space<semaphore_mem>>) src(%dma_wait3A_134 : memref<8192xf32, #tpu.memory_space<hbm>>) dst(%arg10 : memref<8192xf32, #tpu.memory_space<vmem>>)
      %dma_wait3A_135 = arith.constant 0 : i32
      %dma_wait3A_136 = tpu.memref_slice %arg5[%dma_wait3A_135] : memref<3200000xf32, #tpu.memory_space<hbm>> -> memref<8192xf32, #tpu.memory_space<hbm>>
      %dma_wait3A_137 = arith.constant 0 : i32
      %dma_wait3A_138 = tpu.memref_slice %arg5[%dma_wait3A_137] : memref<3200000xf32, #tpu.memory_space<hbm>> -> memref<8192xf32, #tpu.memory_space<hbm>>
      tpu.wait_dma2 semaphore(%arg20 : memref<!tpu.dma_semaphore, #tpu.memory_space<semaphore_mem>>) src(%dma_wait3A_138 : memref<8192xf32, #tpu.memory_space<hbm>>) dst(%arg11 : memref<8192xf32, #tpu.memory_space<vmem>>)
      %dma_wait3A_139 = arith.constant 0 : i32
      %dma_wait3A_140 = tpu.memref_slice %arg6[%dma_wait3A_139] : memref<3200000xi32, #tpu.memory_space<hbm>> -> memref<8192xi32, #tpu.memory_space<hbm>>
      %dma_wait3A_141 = arith.constant 0 : i32
      %dma_wait3A_142 = tpu.memref_slice %arg6[%dma_wait3A_141] : memref<3200000xi32, #tpu.memory_space<hbm>> -> memref<8192xi32, #tpu.memory_space<hbm>>
      tpu.wait_dma2 semaphore(%arg20 : memref<!tpu.dma_semaphore, #tpu.memory_space<semaphore_mem>>) src(%dma_wait3A_142 : memref<8192xi32, #tpu.memory_space<hbm>>) dst(%arg12 : memref<8192xi32, #tpu.memory_space<vmem>>)
      %mul3A_143 = arith.constant 8192 : i32
      %mul3A_144 = arith.muli %mul3A_117, %mul3A_143 : i32
      %add3A_145 = arith.addi %and3A_40, %mul3A_144 : i32
      %min3A_146 = arith.constant 3191808 : i32
      %min3A_147 = arith.minsi %add3A_145, %min3A_146 : i32
      %multiple_of3A_148 = tpu.assume_multiple %min3A_147, 8 : i32
      %sub3A_149 = arith.subi %add3A_145, %multiple_of3A_148 : i32
      %parallel_loop3A_150 = arith.constant 0 : i32
      %parallel_loop3A_151 = arith.constant 512 : i32
      %parallel_loop3A_152 = arith.constant 1 : i32
      scf.for %parallel_loop3A_157 = %parallel_loop3A_150 to %parallel_loop3A_151 step %parallel_loop3A_152  : i32 {
        %parallel_loop3A_158 = arith.constant 16 : i32
        %parallel_loop3A_159 = arith.muli %parallel_loop3A_157, %parallel_loop3A_158 : i32
        %parallel_loop3A_160 = arith.index_cast %parallel_loop3A_159 : i32 to index
        %parallel_loop3A_161 = tpu.vector_load %arg12[%parallel_loop3A_160] {strides = array<i32>} : memref<8192xi32, #tpu.memory_space<vmem>>, vector<16xi32>,
        %parallel_loop3A_162 = arith.index_cast %parallel_loop3A_159 : i32 to index
        %parallel_loop3A_163 = tpu.vector_load %arg8[%parallel_loop3A_162] {strides = array<i32>} : memref<8192xf32, #tpu.memory_space<vmem>>, vector<16xf32>,
        %parallel_loop3A_164 = vector.broadcast %parallel_loop3A_159 : i32 to vector<16xi32>
        %parallel_loop3A_165 = arith.addi %parallel_loop3A_164, %iota3A : vector<16xi32>
        %parallel_loop3A_166 = vector.broadcast %sub3A_149 : i32 to vector<16xi32>
        %parallel_loop3A_167 = arith.cmpi sge, %parallel_loop3A_165, %parallel_loop3A_166 : vector<16xi32>
        %parallel_loop3A_168 = arith.constant 0.000000e+00 : f32
        %parallel_loop3A_169 = vector.broadcast %parallel_loop3A_168 : f32 to vector<16xf32>
        %parallel_loop3A_170 = arith.select %parallel_loop3A_167, %parallel_loop3A_163, %parallel_loop3A_169 : vector<16xi1>, vector<16xf32>
        %parallel_loop3A_171 = vector.broadcast %mul3A_2 : i32 to vector<16xi32>
        %parallel_loop3A_172 = arith.subi %parallel_loop3A_161, %parallel_loop3A_171 : vector<16xi32>
        %parallel_loop3A_173 = arith.constant 0 : i32
        %parallel_loop3A_174 = vector.broadcast %parallel_loop3A_173 : i32 to vector<16xi32>
        %parallel_loop3A_175 = arith.cmpi sge, %parallel_loop3A_172, %parallel_loop3A_174 : vector<16xi32>
        %parallel_loop3A_176 = vector.broadcast %min3A_4 : i32 to vector<16xi32>
        %parallel_loop3A_177 = arith.cmpi slt, %parallel_loop3A_172, %parallel_loop3A_176 : vector<16xi32>
        %parallel_loop3A_178 = arith.andi %parallel_loop3A_175, %parallel_loop3A_177 : vector<16xi1>
        %parallel_loop3A_179 = arith.constant 0 : i32
        %parallel_loop3A_180 = arith.constant 3127 : i32
        %parallel_loop3A_181 = vector.broadcast %parallel_loop3A_179 : i32 to vector<16xi32>
        %parallel_loop3A_182 = arith.maxsi %parallel_loop3A_181, %parallel_loop3A_172 : vector<16xi32>
        %parallel_loop3A_183 = vector.broadcast %parallel_loop3A_180 : i32 to vector<16xi32>
        %parallel_loop3A_184 = arith.minsi %parallel_loop3A_183, %parallel_loop3A_182 : vector<16xi32>
        %parallel_loop3A_185 = arith.constant 0 : i32
        %parallel_loop3A_186 = vector.broadcast %parallel_loop3A_185 : i32 to vector<16xi32>
        %parallel_loop3A_187 = arith.cmpi slt, %max3A_9, %parallel_loop3A_186 : vector<16xi32>
        %parallel_loop3A_188 = arith.constant 16 : i32
        %parallel_loop3A_189 = vector.broadcast %parallel_loop3A_188 : i32 to vector<16xi32>
        %parallel_loop3A_190 = arith.addi %max3A_9, %parallel_loop3A_189 : vector<16xi32>
        %parallel_loop3A_191 = arith.select %parallel_loop3A_187, %parallel_loop3A_190, %max3A_9 : vector<16xi1>, vector<16xi32>
        %parallel_loop3A_192 = vector.shape_cast %parallel_loop3A_191 : vector<16xi32> to vector<16x1xi32>
        %parallel_loop3A_193 = vector.shape_cast %parallel_loop3A_192 : vector<16x1xi32> to vector<16xi32>
        %parallel_loop3A_194 = tpu.dynamic_gather %parallel_loop3A_161[%parallel_loop3A_193] in [0] : vector<16xi32>, vector<16xi32> -> vector<16xi32>
        %parallel_loop3A_195 = arith.cmpi ne, %parallel_loop3A_161, %parallel_loop3A_194 : vector<16xi32>
        %parallel_loop3A_196 = arith.ori %parallel_loop3A_195, %eq3A_17 : vector<16xi1>
        %parallel_loop3A_197 = arith.constant 0 : i32
        %parallel_loop3A_198 = vector.broadcast %parallel_loop3A_197 : i32 to vector<16xi32>
        %parallel_loop3A_199 = arith.select %parallel_loop3A_196, %iota3A, %parallel_loop3A_198 : vector<16xi1>, vector<16xi32>
        %parallel_loop3A_200 = arith.constant true
        %parallel_loop3A_201 = vector.broadcast %parallel_loop3A_200 : i1 to vector<16xi1>
        %parallel_loop3A_202 = arith.constant -2147483648 : i32
        %parallel_loop3A_203 = vector.broadcast %parallel_loop3A_202 : i32 to vector<16xi32>
        %parallel_loop3A_204 = arith.xori %parallel_loop3A_199, %parallel_loop3A_203 : vector<16xi32>
        %parallel_loop3A_205 = tpu.scan <max>, %parallel_loop3A_204 masked %parallel_loop3A_201 : vector<16xi32>, vector<16xi1> -> vector<16xi32>
        %parallel_loop3A_206 = arith.xori %parallel_loop3A_205, %parallel_loop3A_203 : vector<16xi32>
        %parallel_loop3A_207 = arith.constant 1 : i32
        %parallel_loop3A_208 = arith.constant 0 : i32
        %parallel_loop3A_209 = vector.broadcast %parallel_loop3A_207 : i32 to vector<16xi32>
        %parallel_loop3A_210 = vector.broadcast %parallel_loop3A_208 : i32 to vector<16xi32>
        %parallel_loop3A_211 = arith.select %parallel_loop3A_196, %parallel_loop3A_209, %parallel_loop3A_210 : vector<16xi1>, vector<16xi32>
        %parallel_loop3A_212 = arith.constant 0 : i32
        %parallel_loop3A_213 = vector.broadcast %parallel_loop3A_212 : i32 to vector<16xi32>
        %parallel_loop3A_214 = arith.cmpi slt, %min3A_15, %parallel_loop3A_213 : vector<16xi32>
        %parallel_loop3A_215 = arith.constant 16 : i32
        %parallel_loop3A_216 = vector.broadcast %parallel_loop3A_215 : i32 to vector<16xi32>
        %parallel_loop3A_217 = arith.addi %min3A_15, %parallel_loop3A_216 : vector<16xi32>
        %parallel_loop3A_218 = arith.select %parallel_loop3A_214, %parallel_loop3A_217, %min3A_15 : vector<16xi1>, vector<16xi32>
        %parallel_loop3A_219 = vector.shape_cast %parallel_loop3A_218 : vector<16xi32> to vector<16x1xi32>
        %parallel_loop3A_220 = vector.shape_cast %parallel_loop3A_219 : vector<16x1xi32> to vector<16xi32>
        %parallel_loop3A_221 = tpu.dynamic_gather %parallel_loop3A_211[%parallel_loop3A_220] in [0] : vector<16xi32>, vector<16xi32> -> vector<16xi32>
        %parallel_loop3A_222 = arith.constant 1 : i32
        %parallel_loop3A_223 = vector.broadcast %parallel_loop3A_222 : i32 to vector<16xi32>
        %parallel_loop3A_224 = arith.cmpi eq, %parallel_loop3A_221, %parallel_loop3A_223 : vector<16xi32>
        %parallel_loop3A_225 = arith.ori %parallel_loop3A_224, %eq3A_20 : vector<16xi1>
        %parallel_loop3A_226 = arith.constant 1 : i32
        %parallel_loop3A_227 = vector.broadcast %parallel_loop3A_226 : i32 to vector<16xi32>
        %parallel_loop3A_228 = arith.subi %parallel_loop3A_206, %parallel_loop3A_227 : vector<16xi32>
        %parallel_loop3A_229 = arith.constant 0 : i32
        %parallel_loop3A_230 = vector.broadcast %parallel_loop3A_229 : i32 to vector<16xi32>
        %parallel_loop3A_231 = arith.maxsi %parallel_loop3A_228, %parallel_loop3A_230 : vector<16xi32>
        %parallel_loop3A_232 = arith.constant 0 : i32
        %parallel_loop3A_233 = vector.broadcast %parallel_loop3A_232 : i32 to vector<16xi32>
        %parallel_loop3A_234 = arith.cmpi sgt, %parallel_loop3A_206, %parallel_loop3A_233 : vector<16xi32>
        %parallel_loop3A_235 = arith.andi %parallel_loop3A_225, %parallel_loop3A_178 : vector<16xi1>
        %parallel_loop3A_236 = arith.index_cast %parallel_loop3A_159 : i32 to index
        %parallel_loop3A_237 = tpu.vector_load %arg9[%parallel_loop3A_236] {strides = array<i32>} : memref<8192xf32, #tpu.memory_space<vmem>>, vector<16xf32>,
        %parallel_loop3A_238 = arith.mulf %parallel_loop3A_170, %parallel_loop3A_237 : vector<16xf32>
        %parallel_loop3A_239 = arith.constant true
        %parallel_loop3A_240 = vector.broadcast %parallel_loop3A_239 : i1 to vector<16xi1>
        %parallel_loop3A_241 = tpu.scan <sum>, %parallel_loop3A_238 masked %parallel_loop3A_240 : vector<16xf32>, vector<16xi1> -> vector<16xf32>
        %parallel_loop3A_242 = arith.constant 0 : i32
        %parallel_loop3A_243 = vector.broadcast %parallel_loop3A_242 : i32 to vector<16xi32>
        %parallel_loop3A_244 = arith.cmpi slt, %parallel_loop3A_231, %parallel_loop3A_243 : vector<16xi32>
        %parallel_loop3A_245 = arith.constant 16 : i32
        %parallel_loop3A_246 = vector.broadcast %parallel_loop3A_245 : i32 to vector<16xi32>
        %parallel_loop3A_247 = arith.addi %parallel_loop3A_231, %parallel_loop3A_246 : vector<16xi32>
        %parallel_loop3A_248 = arith.select %parallel_loop3A_244, %parallel_loop3A_247, %parallel_loop3A_231 : vector<16xi1>, vector<16xi32>
        %parallel_loop3A_249 = vector.shape_cast %parallel_loop3A_248 : vector<16xi32> to vector<16x1xi32>
        %parallel_loop3A_250 = vector.shape_cast %parallel_loop3A_249 : vector<16x1xi32> to vector<16xi32>
        %parallel_loop3A_251 = tpu.dynamic_gather %parallel_loop3A_241[%parallel_loop3A_250] in [0] : vector<16xf32>, vector<16xi32> -> vector<16xf32>
        %parallel_loop3A_252 = arith.constant 0.000000e+00 : f32
        %parallel_loop3A_253 = vector.broadcast %parallel_loop3A_252 : f32 to vector<16xf32>
        %parallel_loop3A_254 = arith.select %parallel_loop3A_234, %parallel_loop3A_251, %parallel_loop3A_253 : vector<16xi1>, vector<16xf32>
        %parallel_loop3A_255 = arith.subf %parallel_loop3A_241, %parallel_loop3A_254 : vector<16xf32>
        %parallel_loop3A_256 = arith.constant 0 : i32
        %parallel_loop3A_257 = vector.broadcast %parallel_loop3A_256 : i32 to vector<16xi32>
        %parallel_loop3A_258 = arith.addi %parallel_loop3A_184, %parallel_loop3A_257 : vector<16xi32>
        tpu.vector_store_idx %arg18[%parallel_loop3A_258], %parallel_loop3A_255 masked %parallel_loop3A_235 {add = true} : memref<9392xf32, #tpu.memory_space<vmem>>[vector<16xi32>], vector<16xf32>, vector<16xi1>
        %parallel_loop3A_259 = arith.index_cast %parallel_loop3A_159 : i32 to index
        %parallel_loop3A_260 = tpu.vector_load %arg10[%parallel_loop3A_259] {strides = array<i32>} : memref<8192xf32, #tpu.memory_space<vmem>>, vector<16xf32>,
        %parallel_loop3A_261 = arith.mulf %parallel_loop3A_170, %parallel_loop3A_260 : vector<16xf32>
        %parallel_loop3A_262 = arith.constant true
        %parallel_loop3A_263 = vector.broadcast %parallel_loop3A_262 : i1 to vector<16xi1>
        %parallel_loop3A_264 = tpu.scan <sum>, %parallel_loop3A_261 masked %parallel_loop3A_263 : vector<16xf32>, vector<16xi1> -> vector<16xf32>
        %parallel_loop3A_265 = arith.constant 0 : i32
        %parallel_loop3A_266 = vector.broadcast %parallel_loop3A_265 : i32 to vector<16xi32>
        %parallel_loop3A_267 = arith.cmpi slt, %parallel_loop3A_231, %parallel_loop3A_266 : vector<16xi32>
        %parallel_loop3A_268 = arith.constant 16 : i32
        %parallel_loop3A_269 = vector.broadcast %parallel_loop3A_268 : i32 to vector<16xi32>
        %parallel_loop3A_270 = arith.addi %parallel_loop3A_231, %parallel_loop3A_269 : vector<16xi32>
        %parallel_loop3A_271 = arith.select %parallel_loop3A_267, %parallel_loop3A_270, %parallel_loop3A_231 : vector<16xi1>, vector<16xi32>
        %parallel_loop3A_272 = vector.shape_cast %parallel_loop3A_271 : vector<16xi32> to vector<16x1xi32>
        %parallel_loop3A_273 = vector.shape_cast %parallel_loop3A_272 : vector<16x1xi32> to vector<16xi32>
        %parallel_loop3A_274 = tpu.dynamic_gather %parallel_loop3A_264[%parallel_loop3A_273] in [0] : vector<16xf32>, vector<16xi32> -> vector<16xf32>
        %parallel_loop3A_275 = arith.constant 0.000000e+00 : f32
        %parallel_loop3A_276 = vector.broadcast %parallel_loop3A_275 : f32 to vector<16xf32>
        %parallel_loop3A_277 = arith.select %parallel_loop3A_234, %parallel_loop3A_274, %parallel_loop3A_276 : vector<16xi1>, vector<16xf32>
        %parallel_loop3A_278 = arith.subf %parallel_loop3A_264, %parallel_loop3A_277 : vector<16xf32>
        %parallel_loop3A_279 = arith.constant 3128 : i32
        %parallel_loop3A_280 = vector.broadcast %parallel_loop3A_279 : i32 to vector<16xi32>
        %parallel_loop3A_281 = arith.addi %parallel_loop3A_184, %parallel_loop3A_280 : vector<16xi32>
        tpu.vector_store_idx %arg18[%parallel_loop3A_281], %parallel_loop3A_278 masked %parallel_loop3A_235 {add = true} : memref<9392xf32, #tpu.memory_space<vmem>>[vector<16xi32>], vector<16xf32>, vector<16xi1>
        %parallel_loop3A_282 = arith.index_cast %parallel_loop3A_159 : i32 to index
        %parallel_loop3A_283 = tpu.vector_load %arg11[%parallel_loop3A_282] {strides = array<i32>} : memref<8192xf32, #tpu.memory_space<vmem>>, vector<16xf32>,
        %parallel_loop3A_284 = arith.mulf %parallel_loop3A_170, %parallel_loop3A_283 : vector<16xf32>
        %parallel_loop3A_285 = arith.constant true
        %parallel_loop3A_286 = vector.broadcast %parallel_loop3A_285 : i1 to vector<16xi1>
        %parallel_loop3A_287 = tpu.scan <sum>, %parallel_loop3A_284 masked %parallel_loop3A_286 : vector<16xf32>, vector<16xi1> -> vector<16xf32>
        %parallel_loop3A_288 = arith.constant 0 : i32
        %parallel_loop3A_289 = vector.broadcast %parallel_loop3A_288 : i32 to vector<16xi32>
        %parallel_loop3A_290 = arith.cmpi slt, %parallel_loop3A_231, %parallel_loop3A_289 : vector<16xi32>
        %parallel_loop3A_291 = arith.constant 16 : i32
        %parallel_loop3A_292 = vector.broadcast %parallel_loop3A_291 : i32 to vector<16xi32>
        %parallel_loop3A_293 = arith.addi %parallel_loop3A_231, %parallel_loop3A_292 : vector<16xi32>
        %parallel_loop3A_294 = arith.select %parallel_loop3A_290, %parallel_loop3A_293, %parallel_loop3A_231 : vector<16xi1>, vector<16xi32>
        %parallel_loop3A_295 = vector.shape_cast %parallel_loop3A_294 : vector<16xi32> to vector<16x1xi32>
        %parallel_loop3A_296 = vector.shape_cast %parallel_loop3A_295 : vector<16x1xi32> to vector<16xi32>
        %parallel_loop3A_297 = tpu.dynamic_gather %parallel_loop3A_287[%parallel_loop3A_296] in [0] : vector<16xf32>, vector<16xi32> -> vector<16xf32>
        %parallel_loop3A_298 = arith.constant 0.000000e+00 : f32
        %parallel_loop3A_299 = vector.broadcast %parallel_loop3A_298 : f32 to vector<16xf32>
        %parallel_loop3A_300 = arith.select %parallel_loop3A_234, %parallel_loop3A_297, %parallel_loop3A_299 : vector<16xi1>, vector<16xf32>
        %parallel_loop3A_301 = arith.subf %parallel_loop3A_287, %parallel_loop3A_300 : vector<16xf32>
        %parallel_loop3A_302 = arith.constant 6256 : i32
        %parallel_loop3A_303 = vector.broadcast %parallel_loop3A_302 : i32 to vector<16xi32>
        %parallel_loop3A_304 = arith.addi %parallel_loop3A_184, %parallel_loop3A_303 : vector<16xi32>
        tpu.vector_store_idx %arg18[%parallel_loop3A_304], %parallel_loop3A_301 masked %parallel_loop3A_235 {add = true} : memref<9392xf32, #tpu.memory_space<vmem>>[vector<16xi32>], vector<16xf32>, vector<16xi1>
      } {sc.loop_unroll_factor = 4 : i64, sc.parallel_access}
      %lt3A_153 = arith.cmpi slt, %add3A_119, %select_n3A_64 : i32
      %convert_element_type3A_154 = arith.extui %lt3A_153 : i1 to i32
      %cond3A_155 = arith.constant 0 : i32
      %cond3A_156 = arith.cmpi ne, %convert_element_type3A_154, %cond3A_155 : i32
      scf.if %cond3A_156 {
        %add3A_157 = arith.constant 1 : i32
        %add3A_158 = arith.addi %add3A_119, %add3A_157 : i32
        %lt3A_159 = arith.cmpi slt, %add3A_158, %select_n3A_64 : i32
        %convert_element_type3A_160 = arith.extui %lt3A_159 : i1 to i32
        %cond3A_161 = arith.constant 0 : i32
        %cond3A_162 = arith.cmpi ne, %convert_element_type3A_160, %cond3A_161 : i32
        scf.if %cond3A_162 {
          %add3A_193 = arith.constant 1 : i32
          %add3A_194 = arith.addi %add3A_119, %add3A_193 : i32
          %mul3A_195 = arith.constant 8192 : i32
          %mul3A_196 = arith.muli %add3A_194, %mul3A_195 : i32
          %add3A_197 = arith.addi %and3A_40, %mul3A_196 : i32
          %min3A_198 = arith.constant 3191808 : i32
          %min3A_199 = arith.minsi %add3A_197, %min3A_198 : i32
          %multiple_of3A_200 = tpu.assume_multiple %min3A_199, 8 : i32
          %dma_start3A = tpu.memref_slice %arg2[%multiple_of3A_200] : memref<3200000xf32, #tpu.memory_space<hbm>> -> memref<8192xf32, #tpu.memory_space<hbm>>
          %dma_start3A_201 = tpu.memref_slice %arg2[%multiple_of3A_200] : memref<3200000xf32, #tpu.memory_space<hbm>> -> memref<8192xf32, #tpu.memory_space<hbm>>
          tpu.enqueue_dma source(%dma_start3A_201 : memref<8192xf32, #tpu.memory_space<hbm>>) target(%arg8 : memref<8192xf32, #tpu.memory_space<vmem>>) target_semaphore(%arg20 : memref<!tpu.dma_semaphore, #tpu.memory_space<semaphore_mem>>)
          %dma_start3A_202 = tpu.memref_slice %arg3[%multiple_of3A_200] : memref<3200000xf32, #tpu.memory_space<hbm>> -> memref<8192xf32, #tpu.memory_space<hbm>>
          %dma_start3A_203 = tpu.memref_slice %arg3[%multiple_of3A_200] : memref<3200000xf32, #tpu.memory_space<hbm>> -> memref<8192xf32, #tpu.memory_space<hbm>>
          tpu.enqueue_dma source(%dma_start3A_203 : memref<8192xf32, #tpu.memory_space<hbm>>) target(%arg9 : memref<8192xf32, #tpu.memory_space<vmem>>) target_semaphore(%arg20 : memref<!tpu.dma_semaphore, #tpu.memory_space<semaphore_mem>>)
          %dma_start3A_204 = tpu.memref_slice %arg4[%multiple_of3A_200] : memref<3200000xf32, #tpu.memory_space<hbm>> -> memref<8192xf32, #tpu.memory_space<hbm>>
          %dma_start3A_205 = tpu.memref_slice %arg4[%multiple_of3A_200] : memref<3200000xf32, #tpu.memory_space<hbm>> -> memref<8192xf32, #tpu.memory_space<hbm>>
          tpu.enqueue_dma source(%dma_start3A_205 : memref<8192xf32, #tpu.memory_space<hbm>>) target(%arg10 : memref<8192xf32, #tpu.memory_space<vmem>>) target_semaphore(%arg20 : memref<!tpu.dma_semaphore, #tpu.memory_space<semaphore_mem>>)
          %dma_start3A_206 = tpu.memref_slice %arg5[%multiple_of3A_200] : memref<3200000xf32, #tpu.memory_space<hbm>> -> memref<8192xf32, #tpu.memory_space<hbm>>
          %dma_start3A_207 = tpu.memref_slice %arg5[%multiple_of3A_200] : memref<3200000xf32, #tpu.memory_space<hbm>> -> memref<8192xf32, #tpu.memory_space<hbm>>
          tpu.enqueue_dma source(%dma_start3A_207 : memref<8192xf32, #tpu.memory_space<hbm>>) target(%arg11 : memref<8192xf32, #tpu.memory_space<vmem>>) target_semaphore(%arg20 : memref<!tpu.dma_semaphore, #tpu.memory_space<semaphore_mem>>)
          %dma_start3A_208 = tpu.memref_slice %arg6[%multiple_of3A_200] : memref<3200000xi32, #tpu.memory_space<hbm>> -> memref<8192xi32, #tpu.memory_space<hbm>>
          %dma_start3A_209 = tpu.memref_slice %arg6[%multiple_of3A_200] : memref<3200000xi32, #tpu.memory_space<hbm>> -> memref<8192xi32, #tpu.memory_space<hbm>>
          tpu.enqueue_dma source(%dma_start3A_209 : memref<8192xi32, #tpu.memory_space<hbm>>) target(%arg12 : memref<8192xi32, #tpu.memory_space<vmem>>) target_semaphore(%arg20 : memref<!tpu.dma_semaphore, #tpu.memory_space<semaphore_mem>>)
        } else {
        }
        %dma_wait3A_163 = arith.constant 0 : i32
        %dma_wait3A_164 = tpu.memref_slice %arg2[%dma_wait3A_163] : memref<3200000xf32, #tpu.memory_space<hbm>> -> memref<8192xf32, #tpu.memory_space<hbm>>
        %dma_wait3A_165 = arith.constant 0 : i32
        %dma_wait3A_166 = tpu.memref_slice %arg2[%dma_wait3A_165] : memref<3200000xf32, #tpu.memory_space<hbm>> -> memref<8192xf32, #tpu.memory_space<hbm>>
        tpu.wait_dma2 semaphore(%arg21 : memref<!tpu.dma_semaphore, #tpu.memory_space<semaphore_mem>>) src(%dma_wait3A_166 : memref<8192xf32, #tpu.memory_space<hbm>>) dst(%arg13 : memref<8192xf32, #tpu.memory_space<vmem>>)
        %dma_wait3A_167 = arith.constant 0 : i32
        %dma_wait3A_168 = tpu.memref_slice %arg3[%dma_wait3A_167] : memref<3200000xf32, #tpu.memory_space<hbm>> -> memref<8192xf32, #tpu.memory_space<hbm>>
        %dma_wait3A_169 = arith.constant 0 : i32
        %dma_wait3A_170 = tpu.memref_slice %arg3[%dma_wait3A_169] : memref<3200000xf32, #tpu.memory_space<hbm>> -> memref<8192xf32, #tpu.memory_space<hbm>>
        tpu.wait_dma2 semaphore(%arg21 : memref<!tpu.dma_semaphore, #tpu.memory_space<semaphore_mem>>) src(%dma_wait3A_170 : memref<8192xf32, #tpu.memory_space<hbm>>) dst(%arg14 : memref<8192xf32, #tpu.memory_space<vmem>>)
        %dma_wait3A_171 = arith.constant 0 : i32
        %dma_wait3A_172 = tpu.memref_slice %arg4[%dma_wait3A_171] : memref<3200000xf32, #tpu.memory_space<hbm>> -> memref<8192xf32, #tpu.memory_space<hbm>>
        %dma_wait3A_173 = arith.constant 0 : i32
        %dma_wait3A_174 = tpu.memref_slice %arg4[%dma_wait3A_173] : memref<3200000xf32, #tpu.memory_space<hbm>> -> memref<8192xf32, #tpu.memory_space<hbm>>
        tpu.wait_dma2 semaphore(%arg21 : memref<!tpu.dma_semaphore, #tpu.memory_space<semaphore_mem>>) src(%dma_wait3A_174 : memref<8192xf32, #tpu.memory_space<hbm>>) dst(%arg15 : memref<8192xf32, #tpu.memory_space<vmem>>)
        %dma_wait3A_175 = arith.constant 0 : i32
        %dma_wait3A_176 = tpu.memref_slice %arg5[%dma_wait3A_175] : memref<3200000xf32, #tpu.memory_space<hbm>> -> memref<8192xf32, #tpu.memory_space<hbm>>
        %dma_wait3A_177 = arith.constant 0 : i32
        %dma_wait3A_178 = tpu.memref_slice %arg5[%dma_wait3A_177] : memref<3200000xf32, #tpu.memory_space<hbm>> -> memref<8192xf32, #tpu.memory_space<hbm>>
        tpu.wait_dma2 semaphore(%arg21 : memref<!tpu.dma_semaphore, #tpu.memory_space<semaphore_mem>>) src(%dma_wait3A_178 : memref<8192xf32, #tpu.memory_space<hbm>>) dst(%arg16 : memref<8192xf32, #tpu.memory_space<vmem>>)
        %dma_wait3A_179 = arith.constant 0 : i32
        %dma_wait3A_180 = tpu.memref_slice %arg6[%dma_wait3A_179] : memref<3200000xi32, #tpu.memory_space<hbm>> -> memref<8192xi32, #tpu.memory_space<hbm>>
        %dma_wait3A_181 = arith.constant 0 : i32
        %dma_wait3A_182 = tpu.memref_slice %arg6[%dma_wait3A_181] : memref<3200000xi32, #tpu.memory_space<hbm>> -> memref<8192xi32, #tpu.memory_space<hbm>>
        tpu.wait_dma2 semaphore(%arg21 : memref<!tpu.dma_semaphore, #tpu.memory_space<semaphore_mem>>) src(%dma_wait3A_182 : memref<8192xi32, #tpu.memory_space<hbm>>) dst(%arg17 : memref<8192xi32, #tpu.memory_space<vmem>>)
        %mul3A_183 = arith.constant 8192 : i32
        %mul3A_184 = arith.muli %add3A_119, %mul3A_183 : i32
        %add3A_185 = arith.addi %and3A_40, %mul3A_184 : i32
        %min3A_186 = arith.constant 3191808 : i32
        %min3A_187 = arith.minsi %add3A_185, %min3A_186 : i32
        %multiple_of3A_188 = tpu.assume_multiple %min3A_187, 8 : i32
        %sub3A_189 = arith.subi %add3A_185, %multiple_of3A_188 : i32
        %parallel_loop3A_190 = arith.constant 0 : i32
        %parallel_loop3A_191 = arith.constant 512 : i32
        %parallel_loop3A_192 = arith.constant 1 : i32
        scf.for %parallel_loop3A_193 = %parallel_loop3A_190 to %parallel_loop3A_191 step %parallel_loop3A_192  : i32 {
          %parallel_loop3A_194 = arith.constant 16 : i32
          %parallel_loop3A_195 = arith.muli %parallel_loop3A_193, %parallel_loop3A_194 : i32
          %parallel_loop3A_196 = arith.index_cast %parallel_loop3A_195 : i32 to index
          %parallel_loop3A_197 = tpu.vector_load %arg17[%parallel_loop3A_196] {strides = array<i32>} : memref<8192xi32, #tpu.memory_space<vmem>>, vector<16xi32>,
          %parallel_loop3A_198 = arith.index_cast %parallel_loop3A_195 : i32 to index
          %parallel_loop3A_199 = tpu.vector_load %arg13[%parallel_loop3A_198] {strides = array<i32>} : memref<8192xf32, #tpu.memory_space<vmem>>, vector<16xf32>,
          %parallel_loop3A_200 = vector.broadcast %parallel_loop3A_195 : i32 to vector<16xi32>
          %parallel_loop3A_201 = arith.addi %parallel_loop3A_200, %iota3A : vector<16xi32>
          %parallel_loop3A_202 = vector.broadcast %sub3A_189 : i32 to vector<16xi32>
          %parallel_loop3A_203 = arith.cmpi sge, %parallel_loop3A_201, %parallel_loop3A_202 : vector<16xi32>
          %parallel_loop3A_204 = arith.constant 0.000000e+00 : f32
          %parallel_loop3A_205 = vector.broadcast %parallel_loop3A_204 : f32 to vector<16xf32>
          %parallel_loop3A_206 = arith.select %parallel_loop3A_203, %parallel_loop3A_199, %parallel_loop3A_205 : vector<16xi1>, vector<16xf32>
          %parallel_loop3A_207 = vector.broadcast %mul3A_2 : i32 to vector<16xi32>
          %parallel_loop3A_208 = arith.subi %parallel_loop3A_197, %parallel_loop3A_207 : vector<16xi32>
          %parallel_loop3A_209 = arith.constant 0 : i32
          %parallel_loop3A_210 = vector.broadcast %parallel_loop3A_209 : i32 to vector<16xi32>
          %parallel_loop3A_211 = arith.cmpi sge, %parallel_loop3A_208, %parallel_loop3A_210 : vector<16xi32>
          %parallel_loop3A_212 = vector.broadcast %min3A_4 : i32 to vector<16xi32>
          %parallel_loop3A_213 = arith.cmpi slt, %parallel_loop3A_208, %parallel_loop3A_212 : vector<16xi32>
          %parallel_loop3A_214 = arith.andi %parallel_loop3A_211, %parallel_loop3A_213 : vector<16xi1>
          %parallel_loop3A_215 = arith.constant 0 : i32
          %parallel_loop3A_216 = arith.constant 3127 : i32
          %parallel_loop3A_217 = vector.broadcast %parallel_loop3A_215 : i32 to vector<16xi32>
          %parallel_loop3A_218 = arith.maxsi %parallel_loop3A_217, %parallel_loop3A_208 : vector<16xi32>
          %parallel_loop3A_219 = vector.broadcast %parallel_loop3A_216 : i32 to vector<16xi32>
          %parallel_loop3A_220 = arith.minsi %parallel_loop3A_219, %parallel_loop3A_218 : vector<16xi32>
          %parallel_loop3A_221 = arith.constant 0 : i32
          %parallel_loop3A_222 = vector.broadcast %parallel_loop3A_221 : i32 to vector<16xi32>
          %parallel_loop3A_223 = arith.cmpi slt, %max3A_9, %parallel_loop3A_222 : vector<16xi32>
          %parallel_loop3A_224 = arith.constant 16 : i32
          %parallel_loop3A_225 = vector.broadcast %parallel_loop3A_224 : i32 to vector<16xi32>
          %parallel_loop3A_226 = arith.addi %max3A_9, %parallel_loop3A_225 : vector<16xi32>
          %parallel_loop3A_227 = arith.select %parallel_loop3A_223, %parallel_loop3A_226, %max3A_9 : vector<16xi1>, vector<16xi32>
          %parallel_loop3A_228 = vector.shape_cast %parallel_loop3A_227 : vector<16xi32> to vector<16x1xi32>
          %parallel_loop3A_229 = vector.shape_cast %parallel_loop3A_228 : vector<16x1xi32> to vector<16xi32>
          %parallel_loop3A_230 = tpu.dynamic_gather %parallel_loop3A_197[%parallel_loop3A_229] in [0] : vector<16xi32>, vector<16xi32> -> vector<16xi32>
          %parallel_loop3A_231 = arith.cmpi ne, %parallel_loop3A_197, %parallel_loop3A_230 : vector<16xi32>
          %parallel_loop3A_232 = arith.ori %parallel_loop3A_231, %eq3A_17 : vector<16xi1>
          %parallel_loop3A_233 = arith.constant 0 : i32
          %parallel_loop3A_234 = vector.broadcast %parallel_loop3A_233 : i32 to vector<16xi32>
          %parallel_loop3A_235 = arith.select %parallel_loop3A_232, %iota3A, %parallel_loop3A_234 : vector<16xi1>, vector<16xi32>
          %parallel_loop3A_236 = arith.constant true
          %parallel_loop3A_237 = vector.broadcast %parallel_loop3A_236 : i1 to vector<16xi1>
          %parallel_loop3A_238 = arith.constant -2147483648 : i32
          %parallel_loop3A_239 = vector.broadcast %parallel_loop3A_238 : i32 to vector<16xi32>
          %parallel_loop3A_240 = arith.xori %parallel_loop3A_235, %parallel_loop3A_239 : vector<16xi32>
          %parallel_loop3A_241 = tpu.scan <max>, %parallel_loop3A_240 masked %parallel_loop3A_237 : vector<16xi32>, vector<16xi1> -> vector<16xi32>
          %parallel_loop3A_242 = arith.xori %parallel_loop3A_241, %parallel_loop3A_239 : vector<16xi32>
          %parallel_loop3A_243 = arith.constant 1 : i32
          %parallel_loop3A_244 = arith.constant 0 : i32
          %parallel_loop3A_245 = vector.broadcast %parallel_loop3A_243 : i32 to vector<16xi32>
          %parallel_loop3A_246 = vector.broadcast %parallel_loop3A_244 : i32 to vector<16xi32>
          %parallel_loop3A_247 = arith.select %parallel_loop3A_232, %parallel_loop3A_245, %parallel_loop3A_246 : vector<16xi1>, vector<16xi32>
          %parallel_loop3A_248 = arith.constant 0 : i32
          %parallel_loop3A_249 = vector.broadcast %parallel_loop3A_248 : i32 to vector<16xi32>
          %parallel_loop3A_250 = arith.cmpi slt, %min3A_15, %parallel_loop3A_249 : vector<16xi32>
          %parallel_loop3A_251 = arith.constant 16 : i32
          %parallel_loop3A_252 = vector.broadcast %parallel_loop3A_251 : i32 to vector<16xi32>
          %parallel_loop3A_253 = arith.addi %min3A_15, %parallel_loop3A_252 : vector<16xi32>
          %parallel_loop3A_254 = arith.select %parallel_loop3A_250, %parallel_loop3A_253, %min3A_15 : vector<16xi1>, vector<16xi32>
          %parallel_loop3A_255 = vector.shape_cast %parallel_loop3A_254 : vector<16xi32> to vector<16x1xi32>
          %parallel_loop3A_256 = vector.shape_cast %parallel_loop3A_255 : vector<16x1xi32> to vector<16xi32>
          %parallel_loop3A_257 = tpu.dynamic_gather %parallel_loop3A_247[%parallel_loop3A_256] in [0] : vector<16xi32>, vector<16xi32> -> vector<16xi32>
          %parallel_loop3A_258 = arith.constant 1 : i32
          %parallel_loop3A_259 = vector.broadcast %parallel_loop3A_258 : i32 to vector<16xi32>
          %parallel_loop3A_260 = arith.cmpi eq, %parallel_loop3A_257, %parallel_loop3A_259 : vector<16xi32>
          %parallel_loop3A_261 = arith.ori %parallel_loop3A_260, %eq3A_20 : vector<16xi1>
          %parallel_loop3A_262 = arith.constant 1 : i32
          %parallel_loop3A_263 = vector.broadcast %parallel_loop3A_262 : i32 to vector<16xi32>
          %parallel_loop3A_264 = arith.subi %parallel_loop3A_242, %parallel_loop3A_263 : vector<16xi32>
          %parallel_loop3A_265 = arith.constant 0 : i32
          %parallel_loop3A_266 = vector.broadcast %parallel_loop3A_265 : i32 to vector<16xi32>
          %parallel_loop3A_267 = arith.maxsi %parallel_loop3A_264, %parallel_loop3A_266 : vector<16xi32>
          %parallel_loop3A_268 = arith.constant 0 : i32
          %parallel_loop3A_269 = vector.broadcast %parallel_loop3A_268 : i32 to vector<16xi32>
          %parallel_loop3A_270 = arith.cmpi sgt, %parallel_loop3A_242, %parallel_loop3A_269 : vector<16xi32>
          %parallel_loop3A_271 = arith.andi %parallel_loop3A_261, %parallel_loop3A_214 : vector<16xi1>
          %parallel_loop3A_272 = arith.index_cast %parallel_loop3A_195 : i32 to index
          %parallel_loop3A_273 = tpu.vector_load %arg14[%parallel_loop3A_272] {strides = array<i32>} : memref<8192xf32, #tpu.memory_space<vmem>>, vector<16xf32>,
          %parallel_loop3A_274 = arith.mulf %parallel_loop3A_206, %parallel_loop3A_273 : vector<16xf32>
          %parallel_loop3A_275 = arith.constant true
          %parallel_loop3A_276 = vector.broadcast %parallel_loop3A_275 : i1 to vector<16xi1>
          %parallel_loop3A_277 = tpu.scan <sum>, %parallel_loop3A_274 masked %parallel_loop3A_276 : vector<16xf32>, vector<16xi1> -> vector<16xf32>
          %parallel_loop3A_278 = arith.constant 0 : i32
          %parallel_loop3A_279 = vector.broadcast %parallel_loop3A_278 : i32 to vector<16xi32>
          %parallel_loop3A_280 = arith.cmpi slt, %parallel_loop3A_267, %parallel_loop3A_279 : vector<16xi32>
          %parallel_loop3A_281 = arith.constant 16 : i32
          %parallel_loop3A_282 = vector.broadcast %parallel_loop3A_281 : i32 to vector<16xi32>
          %parallel_loop3A_283 = arith.addi %parallel_loop3A_267, %parallel_loop3A_282 : vector<16xi32>
          %parallel_loop3A_284 = arith.select %parallel_loop3A_280, %parallel_loop3A_283, %parallel_loop3A_267 : vector<16xi1>, vector<16xi32>
          %parallel_loop3A_285 = vector.shape_cast %parallel_loop3A_284 : vector<16xi32> to vector<16x1xi32>
          %parallel_loop3A_286 = vector.shape_cast %parallel_loop3A_285 : vector<16x1xi32> to vector<16xi32>
          %parallel_loop3A_287 = tpu.dynamic_gather %parallel_loop3A_277[%parallel_loop3A_286] in [0] : vector<16xf32>, vector<16xi32> -> vector<16xf32>
          %parallel_loop3A_288 = arith.constant 0.000000e+00 : f32
          %parallel_loop3A_289 = vector.broadcast %parallel_loop3A_288 : f32 to vector<16xf32>
          %parallel_loop3A_290 = arith.select %parallel_loop3A_270, %parallel_loop3A_287, %parallel_loop3A_289 : vector<16xi1>, vector<16xf32>
          %parallel_loop3A_291 = arith.subf %parallel_loop3A_277, %parallel_loop3A_290 : vector<16xf32>
          %parallel_loop3A_292 = arith.constant 0 : i32
          %parallel_loop3A_293 = vector.broadcast %parallel_loop3A_292 : i32 to vector<16xi32>
          %parallel_loop3A_294 = arith.addi %parallel_loop3A_220, %parallel_loop3A_293 : vector<16xi32>
          tpu.vector_store_idx %arg18[%parallel_loop3A_294], %parallel_loop3A_291 masked %parallel_loop3A_271 {add = true} : memref<9392xf32, #tpu.memory_space<vmem>>[vector<16xi32>], vector<16xf32>, vector<16xi1>
          %parallel_loop3A_295 = arith.index_cast %parallel_loop3A_195 : i32 to index
          %parallel_loop3A_296 = tpu.vector_load %arg15[%parallel_loop3A_295] {strides = array<i32>} : memref<8192xf32, #tpu.memory_space<vmem>>, vector<16xf32>,
          %parallel_loop3A_297 = arith.mulf %parallel_loop3A_206, %parallel_loop3A_296 : vector<16xf32>
          %parallel_loop3A_298 = arith.constant true
          %parallel_loop3A_299 = vector.broadcast %parallel_loop3A_298 : i1 to vector<16xi1>
          %parallel_loop3A_300 = tpu.scan <sum>, %parallel_loop3A_297 masked %parallel_loop3A_299 : vector<16xf32>, vector<16xi1> -> vector<16xf32>
          %parallel_loop3A_301 = arith.constant 0 : i32
          %parallel_loop3A_302 = vector.broadcast %parallel_loop3A_301 : i32 to vector<16xi32>
          %parallel_loop3A_303 = arith.cmpi slt, %parallel_loop3A_267, %parallel_loop3A_302 : vector<16xi32>
          %parallel_loop3A_304 = arith.constant 16 : i32
          %parallel_loop3A_305 = vector.broadcast %parallel_loop3A_304 : i32 to vector<16xi32>
          %parallel_loop3A_306 = arith.addi %parallel_loop3A_267, %parallel_loop3A_305 : vector<16xi32>
          %parallel_loop3A_307 = arith.select %parallel_loop3A_303, %parallel_loop3A_306, %parallel_loop3A_267 : vector<16xi1>, vector<16xi32>
          %parallel_loop3A_308 = vector.shape_cast %parallel_loop3A_307 : vector<16xi32> to vector<16x1xi32>
          %parallel_loop3A_309 = vector.shape_cast %parallel_loop3A_308 : vector<16x1xi32> to vector<16xi32>
          %parallel_loop3A_310 = tpu.dynamic_gather %parallel_loop3A_300[%parallel_loop3A_309] in [0] : vector<16xf32>, vector<16xi32> -> vector<16xf32>
          %parallel_loop3A_311 = arith.constant 0.000000e+00 : f32
          %parallel_loop3A_312 = vector.broadcast %parallel_loop3A_311 : f32 to vector<16xf32>
          %parallel_loop3A_313 = arith.select %parallel_loop3A_270, %parallel_loop3A_310, %parallel_loop3A_312 : vector<16xi1>, vector<16xf32>
          %parallel_loop3A_314 = arith.subf %parallel_loop3A_300, %parallel_loop3A_313 : vector<16xf32>
          %parallel_loop3A_315 = arith.constant 3128 : i32
          %parallel_loop3A_316 = vector.broadcast %parallel_loop3A_315 : i32 to vector<16xi32>
          %parallel_loop3A_317 = arith.addi %parallel_loop3A_220, %parallel_loop3A_316 : vector<16xi32>
          tpu.vector_store_idx %arg18[%parallel_loop3A_317], %parallel_loop3A_314 masked %parallel_loop3A_271 {add = true} : memref<9392xf32, #tpu.memory_space<vmem>>[vector<16xi32>], vector<16xf32>, vector<16xi1>
          %parallel_loop3A_318 = arith.index_cast %parallel_loop3A_195 : i32 to index
          %parallel_loop3A_319 = tpu.vector_load %arg16[%parallel_loop3A_318] {strides = array<i32>} : memref<8192xf32, #tpu.memory_space<vmem>>, vector<16xf32>,
          %parallel_loop3A_320 = arith.mulf %parallel_loop3A_206, %parallel_loop3A_319 : vector<16xf32>
          %parallel_loop3A_321 = arith.constant true
          %parallel_loop3A_322 = vector.broadcast %parallel_loop3A_321 : i1 to vector<16xi1>
          %parallel_loop3A_323 = tpu.scan <sum>, %parallel_loop3A_320 masked %parallel_loop3A_322 : vector<16xf32>, vector<16xi1> -> vector<16xf32>
          %parallel_loop3A_324 = arith.constant 0 : i32
          %parallel_loop3A_325 = vector.broadcast %parallel_loop3A_324 : i32 to vector<16xi32>
          %parallel_loop3A_326 = arith.cmpi slt, %parallel_loop3A_267, %parallel_loop3A_325 : vector<16xi32>
          %parallel_loop3A_327 = arith.constant 16 : i32
          %parallel_loop3A_328 = vector.broadcast %parallel_loop3A_327 : i32 to vector<16xi32>
          %parallel_loop3A_329 = arith.addi %parallel_loop3A_267, %parallel_loop3A_328 : vector<16xi32>
          %parallel_loop3A_330 = arith.select %parallel_loop3A_326, %parallel_loop3A_329, %parallel_loop3A_267 : vector<16xi1>, vector<16xi32>
          %parallel_loop3A_331 = vector.shape_cast %parallel_loop3A_330 : vector<16xi32> to vector<16x1xi32>
          %parallel_loop3A_332 = vector.shape_cast %parallel_loop3A_331 : vector<16x1xi32> to vector<16xi32>
          %parallel_loop3A_333 = tpu.dynamic_gather %parallel_loop3A_323[%parallel_loop3A_332] in [0] : vector<16xf32>, vector<16xi32> -> vector<16xf32>
          %parallel_loop3A_334 = arith.constant 0.000000e+00 : f32
          %parallel_loop3A_335 = vector.broadcast %parallel_loop3A_334 : f32 to vector<16xf32>
          %parallel_loop3A_336 = arith.select %parallel_loop3A_270, %parallel_loop3A_333, %parallel_loop3A_335 : vector<16xi1>, vector<16xf32>
          %parallel_loop3A_337 = arith.subf %parallel_loop3A_323, %parallel_loop3A_336 : vector<16xf32>
          %parallel_loop3A_338 = arith.constant 6256 : i32
          %parallel_loop3A_339 = vector.broadcast %parallel_loop3A_338 : i32 to vector<16xi32>
          %parallel_loop3A_340 = arith.addi %parallel_loop3A_220, %parallel_loop3A_339 : vector<16xi32>
          tpu.vector_store_idx %arg18[%parallel_loop3A_340], %parallel_loop3A_337 masked %parallel_loop3A_271 {add = true} : memref<9392xf32, #tpu.memory_space<vmem>>[vector<16xi32>], vector<16xf32>, vector<16xi1>
        } {sc.loop_unroll_factor = 4 : i64, sc.parallel_access}
      } else {
      }
    }
    %while3A_100 = arith.constant 1 : i32
    scf.for %while3A_115 = %while3A_98 to %while3A_94 step %while3A_100  : i32 {
      %mul3A_116 = arith.constant 2 : i32
      %mul3A_117 = arith.muli %mul3A_116, %while3A_115 : i32
      %add3A_118 = arith.constant 1 : i32
      %add3A_119 = arith.addi %mul3A_117, %add3A_118 : i32
      %lt3A_120 = arith.cmpi slt, %add3A_119, %select_n3A_64 : i32
      %convert_element_type3A_121 = arith.extui %lt3A_120 : i1 to i32
      %cond3A_122 = arith.constant 0 : i32
      %cond3A_123 = arith.cmpi ne, %convert_element_type3A_121, %cond3A_122 : i32
      scf.if %cond3A_123 {
        %mul3A_157 = arith.constant 8192 : i32
        %mul3A_158 = arith.muli %add3A_119, %mul3A_157 : i32
        %add3A_159 = arith.addi %and3A_40, %mul3A_158 : i32
        %min3A_160 = arith.constant 3191808 : i32
        %min3A_161 = arith.minsi %add3A_159, %min3A_160 : i32
        %multiple_of3A_162 = tpu.assume_multiple %min3A_161, 8 : i32
        %dma_start3A = tpu.memref_slice %arg2[%multiple_of3A_162] : memref<3200000xf32, #tpu.memory_space<hbm>> -> memref<8192xf32, #tpu.memory_space<hbm>>
        %dma_start3A_163 = tpu.memref_slice %arg2[%multiple_of3A_162] : memref<3200000xf32, #tpu.memory_space<hbm>> -> memref<8192xf32, #tpu.memory_space<hbm>>
        tpu.enqueue_dma source(%dma_start3A_163 : memref<8192xf32, #tpu.memory_space<hbm>>) target(%arg13 : memref<8192xf32, #tpu.memory_space<vmem>>) target_semaphore(%arg21 : memref<!tpu.dma_semaphore, #tpu.memory_space<semaphore_mem>>)
        %dma_start3A_164 = tpu.memref_slice %arg3[%multiple_of3A_162] : memref<3200000xf32, #tpu.memory_space<hbm>> -> memref<8192xf32, #tpu.memory_space<hbm>>
        %dma_start3A_165 = tpu.memref_slice %arg3[%multiple_of3A_162] : memref<3200000xf32, #tpu.memory_space<hbm>> -> memref<8192xf32, #tpu.memory_space<hbm>>
        tpu.enqueue_dma source(%dma_start3A_165 : memref<8192xf32, #tpu.memory_space<hbm>>) target(%arg14 : memref<8192xf32, #tpu.memory_space<vmem>>) target_semaphore(%arg21 : memref<!tpu.dma_semaphore, #tpu.memory_space<semaphore_mem>>)
        %dma_start3A_166 = tpu.memref_slice %arg4[%multiple_of3A_162] : memref<3200000xf32, #tpu.memory_space<hbm>> -> memref<8192xf32, #tpu.memory_space<hbm>>
        %dma_start3A_167 = tpu.memref_slice %arg4[%multiple_of3A_162] : memref<3200000xf32, #tpu.memory_space<hbm>> -> memref<8192xf32, #tpu.memory_space<hbm>>
        tpu.enqueue_dma source(%dma_start3A_167 : memref<8192xf32, #tpu.memory_space<hbm>>) target(%arg15 : memref<8192xf32, #tpu.memory_space<vmem>>) target_semaphore(%arg21 : memref<!tpu.dma_semaphore, #tpu.memory_space<semaphore_mem>>)
        %dma_start3A_168 = tpu.memref_slice %arg5[%multiple_of3A_162] : memref<3200000xf32, #tpu.memory_space<hbm>> -> memref<8192xf32, #tpu.memory_space<hbm>>
        %dma_start3A_169 = tpu.memref_slice %arg5[%multiple_of3A_162] : memref<3200000xf32, #tpu.memory_space<hbm>> -> memref<8192xf32, #tpu.memory_space<hbm>>
        tpu.enqueue_dma source(%dma_start3A_169 : memref<8192xf32, #tpu.memory_space<hbm>>) target(%arg16 : memref<8192xf32, #tpu.memory_space<vmem>>) target_semaphore(%arg21 : memref<!tpu.dma_semaphore, #tpu.memory_space<semaphore_mem>>)
        %dma_start3A_170 = tpu.memref_slice %arg6[%multiple_of3A_162] : memref<3200000xi32, #tpu.memory_space<hbm>> -> memref<8192xi32, #tpu.memory_space<hbm>>
        %dma_start3A_171 = tpu.memref_slice %arg6[%multiple_of3A_162] : memref<3200000xi32, #tpu.memory_space<hbm>> -> memref<8192xi32, #tpu.memory_space<hbm>>
        tpu.enqueue_dma source(%dma_start3A_171 : memref<8192xi32, #tpu.memory_space<hbm>>) target(%arg17 : memref<8192xi32, #tpu.memory_space<vmem>>) target_semaphore(%arg21 : memref<!tpu.dma_semaphore, #tpu.memory_space<semaphore_mem>>)
      } else {
      }
      %dma_wait3A = arith.constant 0 : i32
      %dma_wait3A_124 = tpu.memref_slice %arg2[%dma_wait3A] : memref<3200000xf32, #tpu.memory_space<hbm>> -> memref<8192xf32, #tpu.memory_space<hbm>>
      %dma_wait3A_125 = arith.constant 0 : i32
      %dma_wait3A_126 = tpu.memref_slice %arg2[%dma_wait3A_125] : memref<3200000xf32, #tpu.memory_space<hbm>> -> memref<8192xf32, #tpu.memory_space<hbm>>
      tpu.wait_dma2 semaphore(%arg20 : memref<!tpu.dma_semaphore, #tpu.memory_space<semaphore_mem>>) src(%dma_wait3A_126 : memref<8192xf32, #tpu.memory_space<hbm>>) dst(%arg8 : memref<8192xf32, #tpu.memory_space<vmem>>)
      %dma_wait3A_127 = arith.constant 0 : i32
      %dma_wait3A_128 = tpu.memref_slice %arg3[%dma_wait3A_127] : memref<3200000xf32, #tpu.memory_space<hbm>> -> memref<8192xf32, #tpu.memory_space<hbm>>
      %dma_wait3A_129 = arith.constant 0 : i32
      %dma_wait3A_130 = tpu.memref_slice %arg3[%dma_wait3A_129] : memref<3200000xf32, #tpu.memory_space<hbm>> -> memref<8192xf32, #tpu.memory_space<hbm>>
      tpu.wait_dma2 semaphore(%arg20 : memref<!tpu.dma_semaphore, #tpu.memory_space<semaphore_mem>>) src(%dma_wait3A_130 : memref<8192xf32, #tpu.memory_space<hbm>>) dst(%arg9 : memref<8192xf32, #tpu.memory_space<vmem>>)
      %dma_wait3A_131 = arith.constant 0 : i32
      %dma_wait3A_132 = tpu.memref_slice %arg4[%dma_wait3A_131] : memref<3200000xf32, #tpu.memory_space<hbm>> -> memref<8192xf32, #tpu.memory_space<hbm>>
      %dma_wait3A_133 = arith.constant 0 : i32
      %dma_wait3A_134 = tpu.memref_slice %arg4[%dma_wait3A_133] : memref<3200000xf32, #tpu.memory_space<hbm>> -> memref<8192xf32, #tpu.memory_space<hbm>>
      tpu.wait_dma2 semaphore(%arg20 : memref<!tpu.dma_semaphore, #tpu.memory_space<semaphore_mem>>) src(%dma_wait3A_134 : memref<8192xf32, #tpu.memory_space<hbm>>) dst(%arg10 : memref<8192xf32, #tpu.memory_space<vmem>>)
      %dma_wait3A_135 = arith.constant 0 : i32
      %dma_wait3A_136 = tpu.memref_slice %arg5[%dma_wait3A_135] : memref<3200000xf32, #tpu.memory_space<hbm>> -> memref<8192xf32, #tpu.memory_space<hbm>>
      %dma_wait3A_137 = arith.constant 0 : i32
      %dma_wait3A_138 = tpu.memref_slice %arg5[%dma_wait3A_137] : memref<3200000xf32, #tpu.memory_space<hbm>> -> memref<8192xf32, #tpu.memory_space<hbm>>
      tpu.wait_dma2 semaphore(%arg20 : memref<!tpu.dma_semaphore, #tpu.memory_space<semaphore_mem>>) src(%dma_wait3A_138 : memref<8192xf32, #tpu.memory_space<hbm>>) dst(%arg11 : memref<8192xf32, #tpu.memory_space<vmem>>)
      %dma_wait3A_139 = arith.constant 0 : i32
      %dma_wait3A_140 = tpu.memref_slice %arg6[%dma_wait3A_139] : memref<3200000xi32, #tpu.memory_space<hbm>> -> memref<8192xi32, #tpu.memory_space<hbm>>
      %dma_wait3A_141 = arith.constant 0 : i32
      %dma_wait3A_142 = tpu.memref_slice %arg6[%dma_wait3A_141] : memref<3200000xi32, #tpu.memory_space<hbm>> -> memref<8192xi32, #tpu.memory_space<hbm>>
      tpu.wait_dma2 semaphore(%arg20 : memref<!tpu.dma_semaphore, #tpu.memory_space<semaphore_mem>>) src(%dma_wait3A_142 : memref<8192xi32, #tpu.memory_space<hbm>>) dst(%arg12 : memref<8192xi32, #tpu.memory_space<vmem>>)
      %mul3A_143 = arith.constant 8192 : i32
      %mul3A_144 = arith.muli %mul3A_117, %mul3A_143 : i32
      %add3A_145 = arith.addi %and3A_40, %mul3A_144 : i32
      %min3A_146 = arith.constant 3191808 : i32
      %min3A_147 = arith.minsi %add3A_145, %min3A_146 : i32
      %multiple_of3A_148 = tpu.assume_multiple %min3A_147, 8 : i32
      %sub3A_149 = arith.subi %add3A_145, %multiple_of3A_148 : i32
      %parallel_loop3A_150 = arith.constant 0 : i32
      %parallel_loop3A_151 = arith.constant 512 : i32
      %parallel_loop3A_152 = arith.constant 1 : i32
      scf.for %parallel_loop3A_157 = %parallel_loop3A_150 to %parallel_loop3A_151 step %parallel_loop3A_152  : i32 {
        %parallel_loop3A_158 = arith.constant 16 : i32
        %parallel_loop3A_159 = arith.muli %parallel_loop3A_157, %parallel_loop3A_158 : i32
        %parallel_loop3A_160 = arith.index_cast %parallel_loop3A_159 : i32 to index
        %parallel_loop3A_161 = tpu.vector_load %arg12[%parallel_loop3A_160] {strides = array<i32>} : memref<8192xi32, #tpu.memory_space<vmem>>, vector<16xi32>,
        %parallel_loop3A_162 = arith.index_cast %parallel_loop3A_159 : i32 to index
        %parallel_loop3A_163 = tpu.vector_load %arg8[%parallel_loop3A_162] {strides = array<i32>} : memref<8192xf32, #tpu.memory_space<vmem>>, vector<16xf32>,
        %parallel_loop3A_164 = vector.broadcast %parallel_loop3A_159 : i32 to vector<16xi32>
        %parallel_loop3A_165 = arith.addi %parallel_loop3A_164, %iota3A : vector<16xi32>
        %parallel_loop3A_166 = vector.broadcast %sub3A_149 : i32 to vector<16xi32>
        %parallel_loop3A_167 = arith.cmpi sge, %parallel_loop3A_165, %parallel_loop3A_166 : vector<16xi32>
        %parallel_loop3A_168 = arith.constant 0.000000e+00 : f32
        %parallel_loop3A_169 = vector.broadcast %parallel_loop3A_168 : f32 to vector<16xf32>
        %parallel_loop3A_170 = arith.select %parallel_loop3A_167, %parallel_loop3A_163, %parallel_loop3A_169 : vector<16xi1>, vector<16xf32>
        %parallel_loop3A_171 = vector.broadcast %mul3A_2 : i32 to vector<16xi32>
        %parallel_loop3A_172 = arith.subi %parallel_loop3A_161, %parallel_loop3A_171 : vector<16xi32>
        %parallel_loop3A_173 = arith.constant 0 : i32
        %parallel_loop3A_174 = vector.broadcast %parallel_loop3A_173 : i32 to vector<16xi32>
        %parallel_loop3A_175 = arith.cmpi sge, %parallel_loop3A_172, %parallel_loop3A_174 : vector<16xi32>
        %parallel_loop3A_176 = vector.broadcast %min3A_4 : i32 to vector<16xi32>
        %parallel_loop3A_177 = arith.cmpi slt, %parallel_loop3A_172, %parallel_loop3A_176 : vector<16xi32>
        %parallel_loop3A_178 = arith.andi %parallel_loop3A_175, %parallel_loop3A_177 : vector<16xi1>
        %parallel_loop3A_179 = arith.constant 0 : i32
        %parallel_loop3A_180 = arith.constant 3127 : i32
        %parallel_loop3A_181 = vector.broadcast %parallel_loop3A_179 : i32 to vector<16xi32>
        %parallel_loop3A_182 = arith.maxsi %parallel_loop3A_181, %parallel_loop3A_172 : vector<16xi32>
        %parallel_loop3A_183 = vector.broadcast %parallel_loop3A_180 : i32 to vector<16xi32>
        %parallel_loop3A_184 = arith.minsi %parallel_loop3A_183, %parallel_loop3A_182 : vector<16xi32>
        %parallel_loop3A_185 = arith.constant 0 : i32
        %parallel_loop3A_186 = vector.broadcast %parallel_loop3A_185 : i32 to vector<16xi32>
        %parallel_loop3A_187 = arith.cmpi slt, %max3A_9, %parallel_loop3A_186 : vector<16xi32>
        %parallel_loop3A_188 = arith.constant 16 : i32
        %parallel_loop3A_189 = vector.broadcast %parallel_loop3A_188 : i32 to vector<16xi32>
        %parallel_loop3A_190 = arith.addi %max3A_9, %parallel_loop3A_189 : vector<16xi32>
        %parallel_loop3A_191 = arith.select %parallel_loop3A_187, %parallel_loop3A_190, %max3A_9 : vector<16xi1>, vector<16xi32>
        %parallel_loop3A_192 = vector.shape_cast %parallel_loop3A_191 : vector<16xi32> to vector<16x1xi32>
        %parallel_loop3A_193 = vector.shape_cast %parallel_loop3A_192 : vector<16x1xi32> to vector<16xi32>
        %parallel_loop3A_194 = tpu.dynamic_gather %parallel_loop3A_161[%parallel_loop3A_193] in [0] : vector<16xi32>, vector<16xi32> -> vector<16xi32>
        %parallel_loop3A_195 = arith.cmpi ne, %parallel_loop3A_161, %parallel_loop3A_194 : vector<16xi32>
        %parallel_loop3A_196 = arith.ori %parallel_loop3A_195, %eq3A_17 : vector<16xi1>
        %parallel_loop3A_197 = arith.constant 0 : i32
        %parallel_loop3A_198 = vector.broadcast %parallel_loop3A_197 : i32 to vector<16xi32>
        %parallel_loop3A_199 = arith.select %parallel_loop3A_196, %iota3A, %parallel_loop3A_198 : vector<16xi1>, vector<16xi32>
        %parallel_loop3A_200 = arith.constant true
        %parallel_loop3A_201 = vector.broadcast %parallel_loop3A_200 : i1 to vector<16xi1>
        %parallel_loop3A_202 = arith.constant -2147483648 : i32
        %parallel_loop3A_203 = vector.broadcast %parallel_loop3A_202 : i32 to vector<16xi32>
        %parallel_loop3A_204 = arith.xori %parallel_loop3A_199, %parallel_loop3A_203 : vector<16xi32>
        %parallel_loop3A_205 = tpu.scan <max>, %parallel_loop3A_204 masked %parallel_loop3A_201 : vector<16xi32>, vector<16xi1> -> vector<16xi32>
        %parallel_loop3A_206 = arith.xori %parallel_loop3A_205, %parallel_loop3A_203 : vector<16xi32>
        %parallel_loop3A_207 = arith.constant 1 : i32
        %parallel_loop3A_208 = arith.constant 0 : i32
        %parallel_loop3A_209 = vector.broadcast %parallel_loop3A_207 : i32 to vector<16xi32>
        %parallel_loop3A_210 = vector.broadcast %parallel_loop3A_208 : i32 to vector<16xi32>
        %parallel_loop3A_211 = arith.select %parallel_loop3A_196, %parallel_loop3A_209, %parallel_loop3A_210 : vector<16xi1>, vector<16xi32>
        %parallel_loop3A_212 = arith.constant 0 : i32
        %parallel_loop3A_213 = vector.broadcast %parallel_loop3A_212 : i32 to vector<16xi32>
        %parallel_loop3A_214 = arith.cmpi slt, %min3A_15, %parallel_loop3A_213 : vector<16xi32>
        %parallel_loop3A_215 = arith.constant 16 : i32
        %parallel_loop3A_216 = vector.broadcast %parallel_loop3A_215 : i32 to vector<16xi32>
        %parallel_loop3A_217 = arith.addi %min3A_15, %parallel_loop3A_216 : vector<16xi32>
        %parallel_loop3A_218 = arith.select %parallel_loop3A_214, %parallel_loop3A_217, %min3A_15 : vector<16xi1>, vector<16xi32>
        %parallel_loop3A_219 = vector.shape_cast %parallel_loop3A_218 : vector<16xi32> to vector<16x1xi32>
        %parallel_loop3A_220 = vector.shape_cast %parallel_loop3A_219 : vector<16x1xi32> to vector<16xi32>
        %parallel_loop3A_221 = tpu.dynamic_gather %parallel_loop3A_211[%parallel_loop3A_220] in [0] : vector<16xi32>, vector<16xi32> -> vector<16xi32>
        %parallel_loop3A_222 = arith.constant 1 : i32
        %parallel_loop3A_223 = vector.broadcast %parallel_loop3A_222 : i32 to vector<16xi32>
        %parallel_loop3A_224 = arith.cmpi eq, %parallel_loop3A_221, %parallel_loop3A_223 : vector<16xi32>
        %parallel_loop3A_225 = arith.ori %parallel_loop3A_224, %eq3A_20 : vector<16xi1>
        %parallel_loop3A_226 = arith.constant 1 : i32
        %parallel_loop3A_227 = vector.broadcast %parallel_loop3A_226 : i32 to vector<16xi32>
        %parallel_loop3A_228 = arith.subi %parallel_loop3A_206, %parallel_loop3A_227 : vector<16xi32>
        %parallel_loop3A_229 = arith.constant 0 : i32
        %parallel_loop3A_230 = vector.broadcast %parallel_loop3A_229 : i32 to vector<16xi32>
        %parallel_loop3A_231 = arith.maxsi %parallel_loop3A_228, %parallel_loop3A_230 : vector<16xi32>
        %parallel_loop3A_232 = arith.constant 0 : i32
        %parallel_loop3A_233 = vector.broadcast %parallel_loop3A_232 : i32 to vector<16xi32>
        %parallel_loop3A_234 = arith.cmpi sgt, %parallel_loop3A_206, %parallel_loop3A_233 : vector<16xi32>
        %parallel_loop3A_235 = arith.andi %parallel_loop3A_225, %parallel_loop3A_178 : vector<16xi1>
        %parallel_loop3A_236 = arith.index_cast %parallel_loop3A_159 : i32 to index
        %parallel_loop3A_237 = tpu.vector_load %arg9[%parallel_loop3A_236] {strides = array<i32>} : memref<8192xf32, #tpu.memory_space<vmem>>, vector<16xf32>,
        %parallel_loop3A_238 = arith.mulf %parallel_loop3A_170, %parallel_loop3A_237 : vector<16xf32>
        %parallel_loop3A_239 = arith.constant true
        %parallel_loop3A_240 = vector.broadcast %parallel_loop3A_239 : i1 to vector<16xi1>
        %parallel_loop3A_241 = tpu.scan <sum>, %parallel_loop3A_238 masked %parallel_loop3A_240 : vector<16xf32>, vector<16xi1> -> vector<16xf32>
        %parallel_loop3A_242 = arith.constant 0 : i32
        %parallel_loop3A_243 = vector.broadcast %parallel_loop3A_242 : i32 to vector<16xi32>
        %parallel_loop3A_244 = arith.cmpi slt, %parallel_loop3A_231, %parallel_loop3A_243 : vector<16xi32>
        %parallel_loop3A_245 = arith.constant 16 : i32
        %parallel_loop3A_246 = vector.broadcast %parallel_loop3A_245 : i32 to vector<16xi32>
        %parallel_loop3A_247 = arith.addi %parallel_loop3A_231, %parallel_loop3A_246 : vector<16xi32>
        %parallel_loop3A_248 = arith.select %parallel_loop3A_244, %parallel_loop3A_247, %parallel_loop3A_231 : vector<16xi1>, vector<16xi32>
        %parallel_loop3A_249 = vector.shape_cast %parallel_loop3A_248 : vector<16xi32> to vector<16x1xi32>
        %parallel_loop3A_250 = vector.shape_cast %parallel_loop3A_249 : vector<16x1xi32> to vector<16xi32>
        %parallel_loop3A_251 = tpu.dynamic_gather %parallel_loop3A_241[%parallel_loop3A_250] in [0] : vector<16xf32>, vector<16xi32> -> vector<16xf32>
        %parallel_loop3A_252 = arith.constant 0.000000e+00 : f32
        %parallel_loop3A_253 = vector.broadcast %parallel_loop3A_252 : f32 to vector<16xf32>
        %parallel_loop3A_254 = arith.select %parallel_loop3A_234, %parallel_loop3A_251, %parallel_loop3A_253 : vector<16xi1>, vector<16xf32>
        %parallel_loop3A_255 = arith.subf %parallel_loop3A_241, %parallel_loop3A_254 : vector<16xf32>
        %parallel_loop3A_256 = arith.constant 0 : i32
        %parallel_loop3A_257 = vector.broadcast %parallel_loop3A_256 : i32 to vector<16xi32>
        %parallel_loop3A_258 = arith.addi %parallel_loop3A_184, %parallel_loop3A_257 : vector<16xi32>
        tpu.vector_store_idx %arg18[%parallel_loop3A_258], %parallel_loop3A_255 masked %parallel_loop3A_235 {add = true} : memref<9392xf32, #tpu.memory_space<vmem>>[vector<16xi32>], vector<16xf32>, vector<16xi1>
        %parallel_loop3A_259 = arith.index_cast %parallel_loop3A_159 : i32 to index
        %parallel_loop3A_260 = tpu.vector_load %arg10[%parallel_loop3A_259] {strides = array<i32>} : memref<8192xf32, #tpu.memory_space<vmem>>, vector<16xf32>,
        %parallel_loop3A_261 = arith.mulf %parallel_loop3A_170, %parallel_loop3A_260 : vector<16xf32>
        %parallel_loop3A_262 = arith.constant true
        %parallel_loop3A_263 = vector.broadcast %parallel_loop3A_262 : i1 to vector<16xi1>
        %parallel_loop3A_264 = tpu.scan <sum>, %parallel_loop3A_261 masked %parallel_loop3A_263 : vector<16xf32>, vector<16xi1> -> vector<16xf32>
        %parallel_loop3A_265 = arith.constant 0 : i32
        %parallel_loop3A_266 = vector.broadcast %parallel_loop3A_265 : i32 to vector<16xi32>
        %parallel_loop3A_267 = arith.cmpi slt, %parallel_loop3A_231, %parallel_loop3A_266 : vector<16xi32>
        %parallel_loop3A_268 = arith.constant 16 : i32
        %parallel_loop3A_269 = vector.broadcast %parallel_loop3A_268 : i32 to vector<16xi32>
        %parallel_loop3A_270 = arith.addi %parallel_loop3A_231, %parallel_loop3A_269 : vector<16xi32>
        %parallel_loop3A_271 = arith.select %parallel_loop3A_267, %parallel_loop3A_270, %parallel_loop3A_231 : vector<16xi1>, vector<16xi32>
        %parallel_loop3A_272 = vector.shape_cast %parallel_loop3A_271 : vector<16xi32> to vector<16x1xi32>
        %parallel_loop3A_273 = vector.shape_cast %parallel_loop3A_272 : vector<16x1xi32> to vector<16xi32>
        %parallel_loop3A_274 = tpu.dynamic_gather %parallel_loop3A_264[%parallel_loop3A_273] in [0] : vector<16xf32>, vector<16xi32> -> vector<16xf32>
        %parallel_loop3A_275 = arith.constant 0.000000e+00 : f32
        %parallel_loop3A_276 = vector.broadcast %parallel_loop3A_275 : f32 to vector<16xf32>
        %parallel_loop3A_277 = arith.select %parallel_loop3A_234, %parallel_loop3A_274, %parallel_loop3A_276 : vector<16xi1>, vector<16xf32>
        %parallel_loop3A_278 = arith.subf %parallel_loop3A_264, %parallel_loop3A_277 : vector<16xf32>
        %parallel_loop3A_279 = arith.constant 3128 : i32
        %parallel_loop3A_280 = vector.broadcast %parallel_loop3A_279 : i32 to vector<16xi32>
        %parallel_loop3A_281 = arith.addi %parallel_loop3A_184, %parallel_loop3A_280 : vector<16xi32>
        tpu.vector_store_idx %arg18[%parallel_loop3A_281], %parallel_loop3A_278 masked %parallel_loop3A_235 {add = true} : memref<9392xf32, #tpu.memory_space<vmem>>[vector<16xi32>], vector<16xf32>, vector<16xi1>
        %parallel_loop3A_282 = arith.index_cast %parallel_loop3A_159 : i32 to index
        %parallel_loop3A_283 = tpu.vector_load %arg11[%parallel_loop3A_282] {strides = array<i32>} : memref<8192xf32, #tpu.memory_space<vmem>>, vector<16xf32>,
        %parallel_loop3A_284 = arith.mulf %parallel_loop3A_170, %parallel_loop3A_283 : vector<16xf32>
        %parallel_loop3A_285 = arith.constant true
        %parallel_loop3A_286 = vector.broadcast %parallel_loop3A_285 : i1 to vector<16xi1>
        %parallel_loop3A_287 = tpu.scan <sum>, %parallel_loop3A_284 masked %parallel_loop3A_286 : vector<16xf32>, vector<16xi1> -> vector<16xf32>
        %parallel_loop3A_288 = arith.constant 0 : i32
        %parallel_loop3A_289 = vector.broadcast %parallel_loop3A_288 : i32 to vector<16xi32>
        %parallel_loop3A_290 = arith.cmpi slt, %parallel_loop3A_231, %parallel_loop3A_289 : vector<16xi32>
        %parallel_loop3A_291 = arith.constant 16 : i32
        %parallel_loop3A_292 = vector.broadcast %parallel_loop3A_291 : i32 to vector<16xi32>
        %parallel_loop3A_293 = arith.addi %parallel_loop3A_231, %parallel_loop3A_292 : vector<16xi32>
        %parallel_loop3A_294 = arith.select %parallel_loop3A_290, %parallel_loop3A_293, %parallel_loop3A_231 : vector<16xi1>, vector<16xi32>
        %parallel_loop3A_295 = vector.shape_cast %parallel_loop3A_294 : vector<16xi32> to vector<16x1xi32>
        %parallel_loop3A_296 = vector.shape_cast %parallel_loop3A_295 : vector<16x1xi32> to vector<16xi32>
        %parallel_loop3A_297 = tpu.dynamic_gather %parallel_loop3A_287[%parallel_loop3A_296] in [0] : vector<16xf32>, vector<16xi32> -> vector<16xf32>
        %parallel_loop3A_298 = arith.constant 0.000000e+00 : f32
        %parallel_loop3A_299 = vector.broadcast %parallel_loop3A_298 : f32 to vector<16xf32>
        %parallel_loop3A_300 = arith.select %parallel_loop3A_234, %parallel_loop3A_297, %parallel_loop3A_299 : vector<16xi1>, vector<16xf32>
        %parallel_loop3A_301 = arith.subf %parallel_loop3A_287, %parallel_loop3A_300 : vector<16xf32>
        %parallel_loop3A_302 = arith.constant 6256 : i32
        %parallel_loop3A_303 = vector.broadcast %parallel_loop3A_302 : i32 to vector<16xi32>
        %parallel_loop3A_304 = arith.addi %parallel_loop3A_184, %parallel_loop3A_303 : vector<16xi32>
        tpu.vector_store_idx %arg18[%parallel_loop3A_304], %parallel_loop3A_301 masked %parallel_loop3A_235 {add = true} : memref<9392xf32, #tpu.memory_space<vmem>>[vector<16xi32>], vector<16xf32>, vector<16xi1>
      } {sc.loop_unroll_factor = 4 : i64, sc.parallel_access}
      %lt3A_153 = arith.cmpi slt, %add3A_119, %select_n3A_64 : i32
      %convert_element_type3A_154 = arith.extui %lt3A_153 : i1 to i32
      %cond3A_155 = arith.constant 0 : i32
      %cond3A_156 = arith.cmpi ne, %convert_element_type3A_154, %cond3A_155 : i32
      scf.if %cond3A_156 {
        %add3A_157 = arith.constant 1 : i32
        %add3A_158 = arith.addi %add3A_119, %add3A_157 : i32
        %lt3A_159 = arith.cmpi slt, %add3A_158, %select_n3A_64 : i32
        %convert_element_type3A_160 = arith.extui %lt3A_159 : i1 to i32
        %cond3A_161 = arith.constant 0 : i32
        %cond3A_162 = arith.cmpi ne, %convert_element_type3A_160, %cond3A_161 : i32
        scf.if %cond3A_162 {
          %add3A_193 = arith.constant 1 : i32
          %add3A_194 = arith.addi %add3A_119, %add3A_193 : i32
          %mul3A_195 = arith.constant 8192 : i32
          %mul3A_196 = arith.muli %add3A_194, %mul3A_195 : i32
          %add3A_197 = arith.addi %and3A_40, %mul3A_196 : i32
          %min3A_198 = arith.constant 3191808 : i32
          %min3A_199 = arith.minsi %add3A_197, %min3A_198 : i32
          %multiple_of3A_200 = tpu.assume_multiple %min3A_199, 8 : i32
          %dma_start3A = tpu.memref_slice %arg2[%multiple_of3A_200] : memref<3200000xf32, #tpu.memory_space<hbm>> -> memref<8192xf32, #tpu.memory_space<hbm>>
          %dma_start3A_201 = tpu.memref_slice %arg2[%multiple_of3A_200] : memref<3200000xf32, #tpu.memory_space<hbm>> -> memref<8192xf32, #tpu.memory_space<hbm>>
          tpu.enqueue_dma source(%dma_start3A_201 : memref<8192xf32, #tpu.memory_space<hbm>>) target(%arg8 : memref<8192xf32, #tpu.memory_space<vmem>>) target_semaphore(%arg20 : memref<!tpu.dma_semaphore, #tpu.memory_space<semaphore_mem>>)
          %dma_start3A_202 = tpu.memref_slice %arg3[%multiple_of3A_200] : memref<3200000xf32, #tpu.memory_space<hbm>> -> memref<8192xf32, #tpu.memory_space<hbm>>
          %dma_start3A_203 = tpu.memref_slice %arg3[%multiple_of3A_200] : memref<3200000xf32, #tpu.memory_space<hbm>> -> memref<8192xf32, #tpu.memory_space<hbm>>
          tpu.enqueue_dma source(%dma_start3A_203 : memref<8192xf32, #tpu.memory_space<hbm>>) target(%arg9 : memref<8192xf32, #tpu.memory_space<vmem>>) target_semaphore(%arg20 : memref<!tpu.dma_semaphore, #tpu.memory_space<semaphore_mem>>)
          %dma_start3A_204 = tpu.memref_slice %arg4[%multiple_of3A_200] : memref<3200000xf32, #tpu.memory_space<hbm>> -> memref<8192xf32, #tpu.memory_space<hbm>>
          %dma_start3A_205 = tpu.memref_slice %arg4[%multiple_of3A_200] : memref<3200000xf32, #tpu.memory_space<hbm>> -> memref<8192xf32, #tpu.memory_space<hbm>>
          tpu.enqueue_dma source(%dma_start3A_205 : memref<8192xf32, #tpu.memory_space<hbm>>) target(%arg10 : memref<8192xf32, #tpu.memory_space<vmem>>) target_semaphore(%arg20 : memref<!tpu.dma_semaphore, #tpu.memory_space<semaphore_mem>>)
          %dma_start3A_206 = tpu.memref_slice %arg5[%multiple_of3A_200] : memref<3200000xf32, #tpu.memory_space<hbm>> -> memref<8192xf32, #tpu.memory_space<hbm>>
          %dma_start3A_207 = tpu.memref_slice %arg5[%multiple_of3A_200] : memref<3200000xf32, #tpu.memory_space<hbm>> -> memref<8192xf32, #tpu.memory_space<hbm>>
          tpu.enqueue_dma source(%dma_start3A_207 : memref<8192xf32, #tpu.memory_space<hbm>>) target(%arg11 : memref<8192xf32, #tpu.memory_space<vmem>>) target_semaphore(%arg20 : memref<!tpu.dma_semaphore, #tpu.memory_space<semaphore_mem>>)
          %dma_start3A_208 = tpu.memref_slice %arg6[%multiple_of3A_200] : memref<3200000xi32, #tpu.memory_space<hbm>> -> memref<8192xi32, #tpu.memory_space<hbm>>
          %dma_start3A_209 = tpu.memref_slice %arg6[%multiple_of3A_200] : memref<3200000xi32, #tpu.memory_space<hbm>> -> memref<8192xi32, #tpu.memory_space<hbm>>
          tpu.enqueue_dma source(%dma_start3A_209 : memref<8192xi32, #tpu.memory_space<hbm>>) target(%arg12 : memref<8192xi32, #tpu.memory_space<vmem>>) target_semaphore(%arg20 : memref<!tpu.dma_semaphore, #tpu.memory_space<semaphore_mem>>)
        } else {
        }
        %dma_wait3A_163 = arith.constant 0 : i32
        %dma_wait3A_164 = tpu.memref_slice %arg2[%dma_wait3A_163] : memref<3200000xf32, #tpu.memory_space<hbm>> -> memref<8192xf32, #tpu.memory_space<hbm>>
        %dma_wait3A_165 = arith.constant 0 : i32
        %dma_wait3A_166 = tpu.memref_slice %arg2[%dma_wait3A_165] : memref<3200000xf32, #tpu.memory_space<hbm>> -> memref<8192xf32, #tpu.memory_space<hbm>>
        tpu.wait_dma2 semaphore(%arg21 : memref<!tpu.dma_semaphore, #tpu.memory_space<semaphore_mem>>) src(%dma_wait3A_166 : memref<8192xf32, #tpu.memory_space<hbm>>) dst(%arg13 : memref<8192xf32, #tpu.memory_space<vmem>>)
        %dma_wait3A_167 = arith.constant 0 : i32
        %dma_wait3A_168 = tpu.memref_slice %arg3[%dma_wait3A_167] : memref<3200000xf32, #tpu.memory_space<hbm>> -> memref<8192xf32, #tpu.memory_space<hbm>>
        %dma_wait3A_169 = arith.constant 0 : i32
        %dma_wait3A_170 = tpu.memref_slice %arg3[%dma_wait3A_169] : memref<3200000xf32, #tpu.memory_space<hbm>> -> memref<8192xf32, #tpu.memory_space<hbm>>
        tpu.wait_dma2 semaphore(%arg21 : memref<!tpu.dma_semaphore, #tpu.memory_space<semaphore_mem>>) src(%dma_wait3A_170 : memref<8192xf32, #tpu.memory_space<hbm>>) dst(%arg14 : memref<8192xf32, #tpu.memory_space<vmem>>)
        %dma_wait3A_171 = arith.constant 0 : i32
        %dma_wait3A_172 = tpu.memref_slice %arg4[%dma_wait3A_171] : memref<3200000xf32, #tpu.memory_space<hbm>> -> memref<8192xf32, #tpu.memory_space<hbm>>
        %dma_wait3A_173 = arith.constant 0 : i32
        %dma_wait3A_174 = tpu.memref_slice %arg4[%dma_wait3A_173] : memref<3200000xf32, #tpu.memory_space<hbm>> -> memref<8192xf32, #tpu.memory_space<hbm>>
        tpu.wait_dma2 semaphore(%arg21 : memref<!tpu.dma_semaphore, #tpu.memory_space<semaphore_mem>>) src(%dma_wait3A_174 : memref<8192xf32, #tpu.memory_space<hbm>>) dst(%arg15 : memref<8192xf32, #tpu.memory_space<vmem>>)
        %dma_wait3A_175 = arith.constant 0 : i32
        %dma_wait3A_176 = tpu.memref_slice %arg5[%dma_wait3A_175] : memref<3200000xf32, #tpu.memory_space<hbm>> -> memref<8192xf32, #tpu.memory_space<hbm>>
        %dma_wait3A_177 = arith.constant 0 : i32
        %dma_wait3A_178 = tpu.memref_slice %arg5[%dma_wait3A_177] : memref<3200000xf32, #tpu.memory_space<hbm>> -> memref<8192xf32, #tpu.memory_space<hbm>>
        tpu.wait_dma2 semaphore(%arg21 : memref<!tpu.dma_semaphore, #tpu.memory_space<semaphore_mem>>) src(%dma_wait3A_178 : memref<8192xf32, #tpu.memory_space<hbm>>) dst(%arg16 : memref<8192xf32, #tpu.memory_space<vmem>>)
        %dma_wait3A_179 = arith.constant 0 : i32
        %dma_wait3A_180 = tpu.memref_slice %arg6[%dma_wait3A_179] : memref<3200000xi32, #tpu.memory_space<hbm>> -> memref<8192xi32, #tpu.memory_space<hbm>>
        %dma_wait3A_181 = arith.constant 0 : i32
        %dma_wait3A_182 = tpu.memref_slice %arg6[%dma_wait3A_181] : memref<3200000xi32, #tpu.memory_space<hbm>> -> memref<8192xi32, #tpu.memory_space<hbm>>
        tpu.wait_dma2 semaphore(%arg21 : memref<!tpu.dma_semaphore, #tpu.memory_space<semaphore_mem>>) src(%dma_wait3A_182 : memref<8192xi32, #tpu.memory_space<hbm>>) dst(%arg17 : memref<8192xi32, #tpu.memory_space<vmem>>)
        %mul3A_183 = arith.constant 8192 : i32
        %mul3A_184 = arith.muli %add3A_119, %mul3A_183 : i32
        %add3A_185 = arith.addi %and3A_40, %mul3A_184 : i32
        %min3A_186 = arith.constant 3191808 : i32
        %min3A_187 = arith.minsi %add3A_185, %min3A_186 : i32
        %multiple_of3A_188 = tpu.assume_multiple %min3A_187, 8 : i32
        %sub3A_189 = arith.subi %add3A_185, %multiple_of3A_188 : i32
        %parallel_loop3A_190 = arith.constant 0 : i32
        %parallel_loop3A_191 = arith.constant 512 : i32
        %parallel_loop3A_192 = arith.constant 1 : i32
        scf.for %parallel_loop3A_193 = %parallel_loop3A_190 to %parallel_loop3A_191 step %parallel_loop3A_192  : i32 {
          %parallel_loop3A_194 = arith.constant 16 : i32
          %parallel_loop3A_195 = arith.muli %parallel_loop3A_193, %parallel_loop3A_194 : i32
          %parallel_loop3A_196 = arith.index_cast %parallel_loop3A_195 : i32 to index
          %parallel_loop3A_197 = tpu.vector_load %arg17[%parallel_loop3A_196] {strides = array<i32>} : memref<8192xi32, #tpu.memory_space<vmem>>, vector<16xi32>,
          %parallel_loop3A_198 = arith.index_cast %parallel_loop3A_195 : i32 to index
          %parallel_loop3A_199 = tpu.vector_load %arg13[%parallel_loop3A_198] {strides = array<i32>} : memref<8192xf32, #tpu.memory_space<vmem>>, vector<16xf32>,
          %parallel_loop3A_200 = vector.broadcast %parallel_loop3A_195 : i32 to vector<16xi32>
          %parallel_loop3A_201 = arith.addi %parallel_loop3A_200, %iota3A : vector<16xi32>
          %parallel_loop3A_202 = vector.broadcast %sub3A_189 : i32 to vector<16xi32>
          %parallel_loop3A_203 = arith.cmpi sge, %parallel_loop3A_201, %parallel_loop3A_202 : vector<16xi32>
          %parallel_loop3A_204 = arith.constant 0.000000e+00 : f32
          %parallel_loop3A_205 = vector.broadcast %parallel_loop3A_204 : f32 to vector<16xf32>
          %parallel_loop3A_206 = arith.select %parallel_loop3A_203, %parallel_loop3A_199, %parallel_loop3A_205 : vector<16xi1>, vector<16xf32>
          %parallel_loop3A_207 = vector.broadcast %mul3A_2 : i32 to vector<16xi32>
          %parallel_loop3A_208 = arith.subi %parallel_loop3A_197, %parallel_loop3A_207 : vector<16xi32>
          %parallel_loop3A_209 = arith.constant 0 : i32
          %parallel_loop3A_210 = vector.broadcast %parallel_loop3A_209 : i32 to vector<16xi32>
          %parallel_loop3A_211 = arith.cmpi sge, %parallel_loop3A_208, %parallel_loop3A_210 : vector<16xi32>
          %parallel_loop3A_212 = vector.broadcast %min3A_4 : i32 to vector<16xi32>
          %parallel_loop3A_213 = arith.cmpi slt, %parallel_loop3A_208, %parallel_loop3A_212 : vector<16xi32>
          %parallel_loop3A_214 = arith.andi %parallel_loop3A_211, %parallel_loop3A_213 : vector<16xi1>
          %parallel_loop3A_215 = arith.constant 0 : i32
          %parallel_loop3A_216 = arith.constant 3127 : i32
          %parallel_loop3A_217 = vector.broadcast %parallel_loop3A_215 : i32 to vector<16xi32>
          %parallel_loop3A_218 = arith.maxsi %parallel_loop3A_217, %parallel_loop3A_208 : vector<16xi32>
          %parallel_loop3A_219 = vector.broadcast %parallel_loop3A_216 : i32 to vector<16xi32>
          %parallel_loop3A_220 = arith.minsi %parallel_loop3A_219, %parallel_loop3A_218 : vector<16xi32>
          %parallel_loop3A_221 = arith.constant 0 : i32
          %parallel_loop3A_222 = vector.broadcast %parallel_loop3A_221 : i32 to vector<16xi32>
          %parallel_loop3A_223 = arith.cmpi slt, %max3A_9, %parallel_loop3A_222 : vector<16xi32>
          %parallel_loop3A_224 = arith.constant 16 : i32
          %parallel_loop3A_225 = vector.broadcast %parallel_loop3A_224 : i32 to vector<16xi32>
          %parallel_loop3A_226 = arith.addi %max3A_9, %parallel_loop3A_225 : vector<16xi32>
          %parallel_loop3A_227 = arith.select %parallel_loop3A_223, %parallel_loop3A_226, %max3A_9 : vector<16xi1>, vector<16xi32>
          %parallel_loop3A_228 = vector.shape_cast %parallel_loop3A_227 : vector<16xi32> to vector<16x1xi32>
          %parallel_loop3A_229 = vector.shape_cast %parallel_loop3A_228 : vector<16x1xi32> to vector<16xi32>
          %parallel_loop3A_230 = tpu.dynamic_gather %parallel_loop3A_197[%parallel_loop3A_229] in [0] : vector<16xi32>, vector<16xi32> -> vector<16xi32>
          %parallel_loop3A_231 = arith.cmpi ne, %parallel_loop3A_197, %parallel_loop3A_230 : vector<16xi32>
          %parallel_loop3A_232 = arith.ori %parallel_loop3A_231, %eq3A_17 : vector<16xi1>
          %parallel_loop3A_233 = arith.constant 0 : i32
          %parallel_loop3A_234 = vector.broadcast %parallel_loop3A_233 : i32 to vector<16xi32>
          %parallel_loop3A_235 = arith.select %parallel_loop3A_232, %iota3A, %parallel_loop3A_234 : vector<16xi1>, vector<16xi32>
          %parallel_loop3A_236 = arith.constant true
          %parallel_loop3A_237 = vector.broadcast %parallel_loop3A_236 : i1 to vector<16xi1>
          %parallel_loop3A_238 = arith.constant -2147483648 : i32
          %parallel_loop3A_239 = vector.broadcast %parallel_loop3A_238 : i32 to vector<16xi32>
          %parallel_loop3A_240 = arith.xori %parallel_loop3A_235, %parallel_loop3A_239 : vector<16xi32>
          %parallel_loop3A_241 = tpu.scan <max>, %parallel_loop3A_240 masked %parallel_loop3A_237 : vector<16xi32>, vector<16xi1> -> vector<16xi32>
          %parallel_loop3A_242 = arith.xori %parallel_loop3A_241, %parallel_loop3A_239 : vector<16xi32>
          %parallel_loop3A_243 = arith.constant 1 : i32
          %parallel_loop3A_244 = arith.constant 0 : i32
          %parallel_loop3A_245 = vector.broadcast %parallel_loop3A_243 : i32 to vector<16xi32>
          %parallel_loop3A_246 = vector.broadcast %parallel_loop3A_244 : i32 to vector<16xi32>
          %parallel_loop3A_247 = arith.select %parallel_loop3A_232, %parallel_loop3A_245, %parallel_loop3A_246 : vector<16xi1>, vector<16xi32>
          %parallel_loop3A_248 = arith.constant 0 : i32
          %parallel_loop3A_249 = vector.broadcast %parallel_loop3A_248 : i32 to vector<16xi32>
          %parallel_loop3A_250 = arith.cmpi slt, %min3A_15, %parallel_loop3A_249 : vector<16xi32>
          %parallel_loop3A_251 = arith.constant 16 : i32
          %parallel_loop3A_252 = vector.broadcast %parallel_loop3A_251 : i32 to vector<16xi32>
          %parallel_loop3A_253 = arith.addi %min3A_15, %parallel_loop3A_252 : vector<16xi32>
          %parallel_loop3A_254 = arith.select %parallel_loop3A_250, %parallel_loop3A_253, %min3A_15 : vector<16xi1>, vector<16xi32>
          %parallel_loop3A_255 = vector.shape_cast %parallel_loop3A_254 : vector<16xi32> to vector<16x1xi32>
          %parallel_loop3A_256 = vector.shape_cast %parallel_loop3A_255 : vector<16x1xi32> to vector<16xi32>
          %parallel_loop3A_257 = tpu.dynamic_gather %parallel_loop3A_247[%parallel_loop3A_256] in [0] : vector<16xi32>, vector<16xi32> -> vector<16xi32>
          %parallel_loop3A_258 = arith.constant 1 : i32
          %parallel_loop3A_259 = vector.broadcast %parallel_loop3A_258 : i32 to vector<16xi32>
          %parallel_loop3A_260 = arith.cmpi eq, %parallel_loop3A_257, %parallel_loop3A_259 : vector<16xi32>
          %parallel_loop3A_261 = arith.ori %parallel_loop3A_260, %eq3A_20 : vector<16xi1>
          %parallel_loop3A_262 = arith.constant 1 : i32
          %parallel_loop3A_263 = vector.broadcast %parallel_loop3A_262 : i32 to vector<16xi32>
          %parallel_loop3A_264 = arith.subi %parallel_loop3A_242, %parallel_loop3A_263 : vector<16xi32>
          %parallel_loop3A_265 = arith.constant 0 : i32
          %parallel_loop3A_266 = vector.broadcast %parallel_loop3A_265 : i32 to vector<16xi32>
          %parallel_loop3A_267 = arith.maxsi %parallel_loop3A_264, %parallel_loop3A_266 : vector<16xi32>
          %parallel_loop3A_268 = arith.constant 0 : i32
          %parallel_loop3A_269 = vector.broadcast %parallel_loop3A_268 : i32 to vector<16xi32>
          %parallel_loop3A_270 = arith.cmpi sgt, %parallel_loop3A_242, %parallel_loop3A_269 : vector<16xi32>
          %parallel_loop3A_271 = arith.andi %parallel_loop3A_261, %parallel_loop3A_214 : vector<16xi1>
          %parallel_loop3A_272 = arith.index_cast %parallel_loop3A_195 : i32 to index
          %parallel_loop3A_273 = tpu.vector_load %arg14[%parallel_loop3A_272] {strides = array<i32>} : memref<8192xf32, #tpu.memory_space<vmem>>, vector<16xf32>,
          %parallel_loop3A_274 = arith.mulf %parallel_loop3A_206, %parallel_loop3A_273 : vector<16xf32>
          %parallel_loop3A_275 = arith.constant true
          %parallel_loop3A_276 = vector.broadcast %parallel_loop3A_275 : i1 to vector<16xi1>
          %parallel_loop3A_277 = tpu.scan <sum>, %parallel_loop3A_274 masked %parallel_loop3A_276 : vector<16xf32>, vector<16xi1> -> vector<16xf32>
          %parallel_loop3A_278 = arith.constant 0 : i32
          %parallel_loop3A_279 = vector.broadcast %parallel_loop3A_278 : i32 to vector<16xi32>
          %parallel_loop3A_280 = arith.cmpi slt, %parallel_loop3A_267, %parallel_loop3A_279 : vector<16xi32>
          %parallel_loop3A_281 = arith.constant 16 : i32
          %parallel_loop3A_282 = vector.broadcast %parallel_loop3A_281 : i32 to vector<16xi32>
          %parallel_loop3A_283 = arith.addi %parallel_loop3A_267, %parallel_loop3A_282 : vector<16xi32>
          %parallel_loop3A_284 = arith.select %parallel_loop3A_280, %parallel_loop3A_283, %parallel_loop3A_267 : vector<16xi1>, vector<16xi32>
          %parallel_loop3A_285 = vector.shape_cast %parallel_loop3A_284 : vector<16xi32> to vector<16x1xi32>
          %parallel_loop3A_286 = vector.shape_cast %parallel_loop3A_285 : vector<16x1xi32> to vector<16xi32>
          %parallel_loop3A_287 = tpu.dynamic_gather %parallel_loop3A_277[%parallel_loop3A_286] in [0] : vector<16xf32>, vector<16xi32> -> vector<16xf32>
          %parallel_loop3A_288 = arith.constant 0.000000e+00 : f32
          %parallel_loop3A_289 = vector.broadcast %parallel_loop3A_288 : f32 to vector<16xf32>
          %parallel_loop3A_290 = arith.select %parallel_loop3A_270, %parallel_loop3A_287, %parallel_loop3A_289 : vector<16xi1>, vector<16xf32>
          %parallel_loop3A_291 = arith.subf %parallel_loop3A_277, %parallel_loop3A_290 : vector<16xf32>
          %parallel_loop3A_292 = arith.constant 0 : i32
          %parallel_loop3A_293 = vector.broadcast %parallel_loop3A_292 : i32 to vector<16xi32>
          %parallel_loop3A_294 = arith.addi %parallel_loop3A_220, %parallel_loop3A_293 : vector<16xi32>
          tpu.vector_store_idx %arg18[%parallel_loop3A_294], %parallel_loop3A_291 masked %parallel_loop3A_271 {add = true} : memref<9392xf32, #tpu.memory_space<vmem>>[vector<16xi32>], vector<16xf32>, vector<16xi1>
          %parallel_loop3A_295 = arith.index_cast %parallel_loop3A_195 : i32 to index
          %parallel_loop3A_296 = tpu.vector_load %arg15[%parallel_loop3A_295] {strides = array<i32>} : memref<8192xf32, #tpu.memory_space<vmem>>, vector<16xf32>,
          %parallel_loop3A_297 = arith.mulf %parallel_loop3A_206, %parallel_loop3A_296 : vector<16xf32>
          %parallel_loop3A_298 = arith.constant true
          %parallel_loop3A_299 = vector.broadcast %parallel_loop3A_298 : i1 to vector<16xi1>
          %parallel_loop3A_300 = tpu.scan <sum>, %parallel_loop3A_297 masked %parallel_loop3A_299 : vector<16xf32>, vector<16xi1> -> vector<16xf32>
          %parallel_loop3A_301 = arith.constant 0 : i32
          %parallel_loop3A_302 = vector.broadcast %parallel_loop3A_301 : i32 to vector<16xi32>
          %parallel_loop3A_303 = arith.cmpi slt, %parallel_loop3A_267, %parallel_loop3A_302 : vector<16xi32>
          %parallel_loop3A_304 = arith.constant 16 : i32
          %parallel_loop3A_305 = vector.broadcast %parallel_loop3A_304 : i32 to vector<16xi32>
          %parallel_loop3A_306 = arith.addi %parallel_loop3A_267, %parallel_loop3A_305 : vector<16xi32>
          %parallel_loop3A_307 = arith.select %parallel_loop3A_303, %parallel_loop3A_306, %parallel_loop3A_267 : vector<16xi1>, vector<16xi32>
          %parallel_loop3A_308 = vector.shape_cast %parallel_loop3A_307 : vector<16xi32> to vector<16x1xi32>
          %parallel_loop3A_309 = vector.shape_cast %parallel_loop3A_308 : vector<16x1xi32> to vector<16xi32>
          %parallel_loop3A_310 = tpu.dynamic_gather %parallel_loop3A_300[%parallel_loop3A_309] in [0] : vector<16xf32>, vector<16xi32> -> vector<16xf32>
          %parallel_loop3A_311 = arith.constant 0.000000e+00 : f32
          %parallel_loop3A_312 = vector.broadcast %parallel_loop3A_311 : f32 to vector<16xf32>
          %parallel_loop3A_313 = arith.select %parallel_loop3A_270, %parallel_loop3A_310, %parallel_loop3A_312 : vector<16xi1>, vector<16xf32>
          %parallel_loop3A_314 = arith.subf %parallel_loop3A_300, %parallel_loop3A_313 : vector<16xf32>
          %parallel_loop3A_315 = arith.constant 3128 : i32
          %parallel_loop3A_316 = vector.broadcast %parallel_loop3A_315 : i32 to vector<16xi32>
          %parallel_loop3A_317 = arith.addi %parallel_loop3A_220, %parallel_loop3A_316 : vector<16xi32>
          tpu.vector_store_idx %arg18[%parallel_loop3A_317], %parallel_loop3A_314 masked %parallel_loop3A_271 {add = true} : memref<9392xf32, #tpu.memory_space<vmem>>[vector<16xi32>], vector<16xf32>, vector<16xi1>
          %parallel_loop3A_318 = arith.index_cast %parallel_loop3A_195 : i32 to index
          %parallel_loop3A_319 = tpu.vector_load %arg16[%parallel_loop3A_318] {strides = array<i32>} : memref<8192xf32, #tpu.memory_space<vmem>>, vector<16xf32>,
          %parallel_loop3A_320 = arith.mulf %parallel_loop3A_206, %parallel_loop3A_319 : vector<16xf32>
          %parallel_loop3A_321 = arith.constant true
          %parallel_loop3A_322 = vector.broadcast %parallel_loop3A_321 : i1 to vector<16xi1>
          %parallel_loop3A_323 = tpu.scan <sum>, %parallel_loop3A_320 masked %parallel_loop3A_322 : vector<16xf32>, vector<16xi1> -> vector<16xf32>
          %parallel_loop3A_324 = arith.constant 0 : i32
          %parallel_loop3A_325 = vector.broadcast %parallel_loop3A_324 : i32 to vector<16xi32>
          %parallel_loop3A_326 = arith.cmpi slt, %parallel_loop3A_267, %parallel_loop3A_325 : vector<16xi32>
          %parallel_loop3A_327 = arith.constant 16 : i32
          %parallel_loop3A_328 = vector.broadcast %parallel_loop3A_327 : i32 to vector<16xi32>
          %parallel_loop3A_329 = arith.addi %parallel_loop3A_267, %parallel_loop3A_328 : vector<16xi32>
          %parallel_loop3A_330 = arith.select %parallel_loop3A_326, %parallel_loop3A_329, %parallel_loop3A_267 : vector<16xi1>, vector<16xi32>
          %parallel_loop3A_331 = vector.shape_cast %parallel_loop3A_330 : vector<16xi32> to vector<16x1xi32>
          %parallel_loop3A_332 = vector.shape_cast %parallel_loop3A_331 : vector<16x1xi32> to vector<16xi32>
          %parallel_loop3A_333 = tpu.dynamic_gather %parallel_loop3A_323[%parallel_loop3A_332] in [0] : vector<16xf32>, vector<16xi32> -> vector<16xf32>
          %parallel_loop3A_334 = arith.constant 0.000000e+00 : f32
          %parallel_loop3A_335 = vector.broadcast %parallel_loop3A_334 : f32 to vector<16xf32>
          %parallel_loop3A_336 = arith.select %parallel_loop3A_270, %parallel_loop3A_333, %parallel_loop3A_335 : vector<16xi1>, vector<16xf32>
          %parallel_loop3A_337 = arith.subf %parallel_loop3A_323, %parallel_loop3A_336 : vector<16xf32>
          %parallel_loop3A_338 = arith.constant 6256 : i32
          %parallel_loop3A_339 = vector.broadcast %parallel_loop3A_338 : i32 to vector<16xi32>
          %parallel_loop3A_340 = arith.addi %parallel_loop3A_220, %parallel_loop3A_339 : vector<16xi32>
          tpu.vector_store_idx %arg18[%parallel_loop3A_340], %parallel_loop3A_337 masked %parallel_loop3A_271 {add = true} : memref<9392xf32, #tpu.memory_space<vmem>>[vector<16xi32>], vector<16xf32>, vector<16xi1>
        } {sc.loop_unroll_factor = 4 : i64, sc.parallel_access}
      } else {
      }
    }
    %mul3A_101 = arith.constant 3128 : i32
    %mul3A_102 = arith.muli %add3A, %mul3A_101 : i32
    %add3A_103 = arith.constant 0 : i32
    %add3A_104 = arith.addi %add3A_103, %mul3A_102 : i32
    %multiple_of3A = tpu.assume_multiple %add3A_104, 8 : i32
    "tpu.region"() ({
      %run_scoped3A = tpu.sem_alloc : memref<!tpu.dma_semaphore, #tpu.memory_space<semaphore_mem>>
      %dma_start3A = arith.constant 0 : i32
      %dma_start3A_115 = tpu.memref_slice %arg18[%dma_start3A] : memref<9392xf32, #tpu.memory_space<vmem>> -> memref<3128xf32, #tpu.memory_space<vmem>>
      %dma_start3A_116 = tpu.memref_slice %arg7[%multiple_of3A] : memref<300288xf32, #tpu.memory_space<hbm>> -> memref<3128xf32, #tpu.memory_space<hbm>>
      %dma_start3A_117 = tpu.memref_slice %arg7[%multiple_of3A] : memref<300288xf32, #tpu.memory_space<hbm>> -> memref<3128xf32, #tpu.memory_space<hbm>>
      %dma_start3A_118 = arith.constant 0 : i32
      %dma_start3A_119 = tpu.memref_slice %arg18[%dma_start3A_118] : memref<9392xf32, #tpu.memory_space<vmem>> -> memref<3128xf32, #tpu.memory_space<vmem>>
      tpu.enqueue_dma source(%dma_start3A_119 : memref<3128xf32, #tpu.memory_space<vmem>>) target(%dma_start3A_117 : memref<3128xf32, #tpu.memory_space<hbm>>) target_semaphore(%run_scoped3A : memref<!tpu.dma_semaphore, #tpu.memory_space<semaphore_mem>>)
      %dma_wait3A = arith.constant 0 : i32
      %dma_wait3A_120 = tpu.memref_slice %arg18[%dma_wait3A] : memref<9392xf32, #tpu.memory_space<vmem>> -> memref<3128xf32, #tpu.memory_space<vmem>>
      %dma_wait3A_121 = tpu.memref_slice %arg7[%multiple_of3A] : memref<300288xf32, #tpu.memory_space<hbm>> -> memref<3128xf32, #tpu.memory_space<hbm>>
      %dma_wait3A_122 = tpu.memref_slice %arg7[%multiple_of3A] : memref<300288xf32, #tpu.memory_space<hbm>> -> memref<3128xf32, #tpu.memory_space<hbm>>
      %dma_wait3A_123 = arith.constant 0 : i32
      %dma_wait3A_124 = tpu.memref_slice %arg18[%dma_wait3A_123] : memref<9392xf32, #tpu.memory_space<vmem>> -> memref<3128xf32, #tpu.memory_space<vmem>>
      tpu.wait_dma2 semaphore(%run_scoped3A : memref<!tpu.dma_semaphore, #tpu.memory_space<semaphore_mem>>) src(%dma_wait3A_124 : memref<3128xf32, #tpu.memory_space<vmem>>) dst(%dma_wait3A_122 : memref<3128xf32, #tpu.memory_space<hbm>>)
      tpu.yield
    }) : () -> ()
    %mul3A_105 = arith.constant 3128 : i32
    %mul3A_106 = arith.muli %add3A, %mul3A_105 : i32
    %add3A_107 = arith.constant 100096 : i32
    %add3A_108 = arith.addi %add3A_107, %mul3A_106 : i32
    %multiple_of3A_109 = tpu.assume_multiple %add3A_108, 8 : i32
    "tpu.region"() ({
      %run_scoped3A = tpu.sem_alloc : memref<!tpu.dma_semaphore, #tpu.memory_space<semaphore_mem>>
      %dma_start3A = arith.constant 3128 : i32
      %dma_start3A_115 = tpu.memref_slice %arg18[%dma_start3A] : memref<9392xf32, #tpu.memory_space<vmem>> -> memref<3128xf32, #tpu.memory_space<vmem>>
      %dma_start3A_116 = tpu.memref_slice %arg7[%multiple_of3A_109] : memref<300288xf32, #tpu.memory_space<hbm>> -> memref<3128xf32, #tpu.memory_space<hbm>>
      %dma_start3A_117 = tpu.memref_slice %arg7[%multiple_of3A_109] : memref<300288xf32, #tpu.memory_space<hbm>> -> memref<3128xf32, #tpu.memory_space<hbm>>
      %dma_start3A_118 = arith.constant 3128 : i32
      %dma_start3A_119 = tpu.memref_slice %arg18[%dma_start3A_118] : memref<9392xf32, #tpu.memory_space<vmem>> -> memref<3128xf32, #tpu.memory_space<vmem>>
      tpu.enqueue_dma source(%dma_start3A_119 : memref<3128xf32, #tpu.memory_space<vmem>>) target(%dma_start3A_117 : memref<3128xf32, #tpu.memory_space<hbm>>) target_semaphore(%run_scoped3A : memref<!tpu.dma_semaphore, #tpu.memory_space<semaphore_mem>>)
      %dma_wait3A = arith.constant 3128 : i32
      %dma_wait3A_120 = tpu.memref_slice %arg18[%dma_wait3A] : memref<9392xf32, #tpu.memory_space<vmem>> -> memref<3128xf32, #tpu.memory_space<vmem>>
      %dma_wait3A_121 = tpu.memref_slice %arg7[%multiple_of3A_109] : memref<300288xf32, #tpu.memory_space<hbm>> -> memref<3128xf32, #tpu.memory_space<hbm>>
      %dma_wait3A_122 = tpu.memref_slice %arg7[%multiple_of3A_109] : memref<300288xf32, #tpu.memory_space<hbm>> -> memref<3128xf32, #tpu.memory_space<hbm>>
      %dma_wait3A_123 = arith.constant 3128 : i32
      %dma_wait3A_124 = tpu.memref_slice %arg18[%dma_wait3A_123] : memref<9392xf32, #tpu.memory_space<vmem>> -> memref<3128xf32, #tpu.memory_space<vmem>>
      tpu.wait_dma2 semaphore(%run_scoped3A : memref<!tpu.dma_semaphore, #tpu.memory_space<semaphore_mem>>) src(%dma_wait3A_124 : memref<3128xf32, #tpu.memory_space<vmem>>) dst(%dma_wait3A_122 : memref<3128xf32, #tpu.memory_space<hbm>>)
      tpu.yield
    }) : () -> ()
    %mul3A_110 = arith.constant 3128 : i32
    %mul3A_111 = arith.muli %add3A, %mul3A_110 : i32
    %add3A_112 = arith.constant 200192 : i32
    %add3A_113 = arith.addi %add3A_112, %mul3A_111 : i32
    %multiple_of3A_114 = tpu.assume_multiple %add3A_113, 8 : i32
    "tpu.region"() ({
      %run_scoped3A = tpu.sem_alloc : memref<!tpu.dma_semaphore, #tpu.memory_space<semaphore_mem>>
      %dma_start3A = arith.constant 6256 : i32
      %dma_start3A_115 = tpu.memref_slice %arg18[%dma_start3A] : memref<9392xf32, #tpu.memory_space<vmem>> -> memref<3128xf32, #tpu.memory_space<vmem>>
      %dma_start3A_116 = tpu.memref_slice %arg7[%multiple_of3A_114] : memref<300288xf32, #tpu.memory_space<hbm>> -> memref<3128xf32, #tpu.memory_space<hbm>>
      %dma_start3A_117 = tpu.memref_slice %arg7[%multiple_of3A_114] : memref<300288xf32, #tpu.memory_space<hbm>> -> memref<3128xf32, #tpu.memory_space<hbm>>
      %dma_start3A_118 = arith.constant 6256 : i32
      %dma_start3A_119 = tpu.memref_slice %arg18[%dma_start3A_118] : memref<9392xf32, #tpu.memory_space<vmem>> -> memref<3128xf32, #tpu.memory_space<vmem>>
      tpu.enqueue_dma source(%dma_start3A_119 : memref<3128xf32, #tpu.memory_space<vmem>>) target(%dma_start3A_117 : memref<3128xf32, #tpu.memory_space<hbm>>) target_semaphore(%run_scoped3A : memref<!tpu.dma_semaphore, #tpu.memory_space<semaphore_mem>>)
      %dma_wait3A = arith.constant 6256 : i32
      %dma_wait3A_120 = tpu.memref_slice %arg18[%dma_wait3A] : memref<9392xf32, #tpu.memory_space<vmem>> -> memref<3128xf32, #tpu.memory_space<vmem>>
      %dma_wait3A_121 = tpu.memref_slice %arg7[%multiple_of3A_114] : memref<300288xf32, #tpu.memory_space<hbm>> -> memref<3128xf32, #tpu.memory_space<hbm>>
      %dma_wait3A_122 = tpu.memref_slice %arg7[%multiple_of3A_114] : memref<300288xf32, #tpu.memory_space<hbm>> -> memref<3128xf32, #tpu.memory_space<hbm>>
      %dma_wait3A_123 = arith.constant 6256 : i32
      %dma_wait3A_124 = tpu.memref_slice %arg18[%dma_wait3A_123] : memref<9392xf32, #tpu.memory_space<vmem>> -> memref<3128xf32, #tpu.memory_space<vmem>>
      tpu.wait_dma2 semaphore(%run_scoped3A : memref<!tpu.dma_semaphore, #tpu.memory_space<semaphore_mem>>) src(%dma_wait3A_124 : memref<3128xf32, #tpu.memory_space<vmem>>) dst(%dma_wait3A_122 : memref<3128xf32, #tpu.memory_space<hbm>>)
      tpu.yield
    }) : () -> ()
    return
  }
}

</mosaic_0001>

<sc_bundles>
// kernel: _run.3.cloned.1.call-start
scs
__scs_entry_jumppad:
0x0: {  	(pc) =	sbr.rel $0x88, $3  }
0x1: {  	(tag) =	ssettag $0x0;
	lr =	simm.s32 $0x1  }
0x2: {  	[smem:$0x3F9C] =	sst lr;
	_ =	strace $0xD0000000  }
0x3: {  	_ = 	snop  }
0x4: {  	_ = 	snop  }
0x5: {  	_ = 	snop  }
0x6: {  	_ = 	snop  }
0x7: {  	_ = 	snop  }
__scs_overlays_trampoline_lowered:
0x8: {  	[smem:$0x3FAB] =	sst s0  }
0x9: {  	[smem:$0x3FAC] =	sst s1  }
0xa: {  	[smem:$0x3FAD] =	sst s2  }
0xb: {  	[smem:$0x3FAE] =	sst s3  }
0xc: {  	[smem:$0x3FAF] =	sst s4  }
0xd: {  	[smem:$0x3FB0] =	sst s5  }
0xe: {  	[smem:$0x3FB1] =	sst s6  }
0xf: {  	[smem:$0x3FB2] =	sst s7  }
0x10: {  	[smem:$0x3FB3] =	sst s8  }
0x11: {  	[smem:$0x3FB4] =	sst s9;
	s0 =	simm.s32 @!p0 $0x0  }
0x12: {  	s1 =	sld [smem:$0x3F9A];
	s0 =	simm.s32 @p0 $0x1  }
0x13: {  	[smem:$0x3FB5] =	sst s0;
	s0 =	simm.s32 @!p1 $0x0  }
0x14: {  	s2 =	sld [smem:$0x3F99];
	s0 =	simm.s32 @p1 $0x1  }
0x15: {  	[smem:$0x3FB6] =	sst s0;
	s0 =	simm.s32 @!p2 $0x0  }
0x16: {  	s3 =	sld [smem:$0x3FDB];
	s0 =	simm.s32 @p2 $0x1  }
0x17: {  	s4 =	simm.s32 $0x1BF5;
	[smem:$0x3FB8] =	sst s0  }
0x18: {  	s0 =	sld [smem:$0x3F9B];
	_ =	swait.ge [sflag:s4], $0x0  }
0x19: {  	s7 =	sld [smem:$0x3F9C]  }
0x1a: {  	s8 =	sadd.s32 $0xFFFFE003, lr  }
0x1b: {  	s9 =	sadd.s32 $0xFFFFFEF7, lr;
	s5 =	simm.s32 $0xFFFFFFFF;
	p2 =	slt.u32 s8, $0xFFFFF086  }
0x1c: {  	p1 =	slt.u32 s9, $0xF7A;
	s5 =	simm.s32 @!p2 $0x0  }
0x1d: {  	s5 =	simm.s32 @p1 $0x1;
	p0 =	seq.s32 s7, s2  }
0x1e: {  	s7 =	smul.u32 @!p0 $0xF7A, s2;
	p2 =	seq.s32 @!p0 s5, $0x0  }
0x1f: {  	s9 =	smul.u32 $0xF7A, s1;
	s8 =	simm.s32 @!p0 $0x1BF5;
	p2 =	por !p2, p0  }
0x20: {  	[sflag:s8] =	ssyncset.s32 @!p0 $0xFFFFF086;
	s6 =	sadd.s32 @!p0 s3, s7;
	s7 =	simm.s32 @!p0 $0x108  }
0x21: {  	s3 =	sadd.s32 s3, s9;
	s6 =	sadd.s32 @!p0 $0x88, s6;
	s7 =	simm.s32 @p2 $0x1082  }
0x22: {  	[simem:s7], [sflag:s8] =	dma.local @!p0 [hbm:s6], $0xF7A  }
0x23: {  	s9 =	sor.u32 $0xD0000000, s2;
	s6 =	simm.s32 $0x108;
	_ =	swait.ge @!p0 [sflag:s8], $0x0  }
0x24: {  	s3 =	sadd.s32 $0x88, s3;
	s6 =	simm.s32 @!p1 $0x1082;
	[sflag:s4] =	ssyncset.s32 $0xFFFFF086  }
0x25: {  	[simem:s6], [sflag:s4] =	dma.local [hbm:s3], $0xF7A  }
0x26: {  	[smem:$0x3F9C] =	sst s1;
	(tag) =	ssettag s2;
	_ =	strace s9  }
0x27: {  	s1 =	sld [smem:$0x3FAC]  }
0x28: {  	s2 =	sld [smem:$0x3FAD]  }
0x29: {  	s4 =	sld [smem:$0x3FAF]  }
0x2a: {  	p0 =	seq.s32 s5, $0x0;
	s5 =	sld [smem:$0x3FB0]  }
0x2b: {  	s6 =	sld [smem:$0x3FB1]  }
0x2c: {  	s7 =	sld [smem:$0x3FB2]  }
0x2d: {  	s3 =	simm.s32 $0x108;
	s8 =	sld [smem:$0x3FB3]  }
0x2e: {  	s3 =	simm.s32 @!p0 $0x1082;
	s9 =	sld [smem:$0x3FB4]  }
0x2f: {  	lr =	sadd.s32 s0, s3;
	s0 =	sld [smem:$0x3FAB]  }
0x30: {  	s3 =	sld [smem:$0x3FAE]  }
0x31: {  	[smem:$0x3FB7] =	sst s10  }
0x32: {  	s10 =	sld [smem:$0x3FB5];
	_ =	sdelay $0x3  }
0x33: {  	p0 =	seq.s32 s10, $0x1;
	s10 =	sld [smem:$0x3FB7];
	_ =	sdelay $0x3  }
0x34: {  	[smem:$0x3FB7] =	sst s10  }
0x35: {  	s10 =	sld [smem:$0x3FB6];
	_ =	sdelay $0x3  }
0x36: {  	p1 =	seq.s32 s10, $0x1;
	s10 =	sld [smem:$0x3FB7];
	_ =	sdelay $0x3  }
0x37: {  	[smem:$0x3FB7] =	sst s10  }
0x38: {  	s10 =	sld [smem:$0x3FB8]  }
0x39: {  	_ = 	snop;
	(pc) =	sbr.ind lr, $3  }
0x3a: {  	_ = 	snop  }
0x3b: {  	_ = 	snop  }
0x3c: {  	p2 =	seq.s32 s10, $0x1;
	s10 =	sld [smem:$0x3FB7]  }
0x3d: {  	_ =	shalt  }
0x3e: {  	_ =	shalt  }
0x3f: {  	_ =	shalt  }
0x40: {  	_ =	shalt  }
0x41: {  	_ =	shalt  }
0x42: {  	_ =	shalt  }
0x43: {  	_ =	shalt  }
0x44: {  	_ =	shalt  }
0x45: {  	_ =	shalt  }
0x46: {  	_ =	shalt  }
0x47: {  	_ =	shalt  }
0x48: {  	_ =	shalt  }
0x49: {  	_ =	shalt  }
0x4a: {  	_ =	shalt  }
0x4b: {  	_ =	shalt  }
0x4c: {  	_ =	shalt  }
0x4d: {  	_ =	shalt  }
0x4e: {  	_ =	shalt  }
0x4f: {  	_ =	shalt  }
0x50: {  	_ =	shalt  }
0x51: {  	_ =	shalt  }
0x52: {  	_ =	shalt  }
0x53: {  	_ =	shalt  }
0x54: {  	_ =	shalt  }
0x55: {  	_ =	shalt  }
0x56: {  	_ =	shalt  }
0x57: {  	_ =	shalt  }
0x58: {  	_ =	shalt  }
0x59: {  	_ =	shalt  }
0x5a: {  	_ =	shalt  }
0x5b: {  	_ =	shalt  }
0x5c: {  	_ =	shalt  }
0x5d: {  	_ =	shalt  }
0x5e: {  	_ =	shalt  }
0x5f: {  	_ =	shalt  }
0x60: {  	_ =	shalt  }
0x61: {  	_ =	shalt  }
0x62: {  	_ =	shalt  }
0x63: {  	_ =	shalt  }
0x64: {  	_ =	shalt  }
0x65: {  	_ =	shalt  }
0x66: {  	_ =	shalt  }
0x67: {  	_ =	shalt  }
0x68: {  	_ =	shalt  }
0x69: {  	_ =	shalt  }
0x6a: {  	_ =	shalt  }
0x6b: {  	_ =	shalt  }
0x6c: {  	_ =	shalt  }
0x6d: {  	_ =	shalt  }
0x6e: {  	_ =	shalt  }
0x6f: {  	_ =	shalt  }
0x70: {  	_ =	shalt  }
0x71: {  	_ =	shalt  }
0x72: {  	_ =	shalt  }
0x73: {  	_ =	shalt  }
0x74: {  	_ =	shalt  }
0x75: {  	_ =	shalt  }
0x76: {  	_ =	shalt  }
0x77: {  	_ =	shalt  }
0x78: {  	_ =	shalt  }
0x79: {  	_ =	shalt  }
0x7a: {  	_ =	shalt  }
0x7b: {  	_ =	shalt  }
0x7c: {  	_ =	shalt  }
0x7d: {  	_ =	shalt  }
0x7e: {  	_ =	shalt  }
0x7f: {  	_ =	shalt  }
0x80: {  	_ =	shalt  }
0x81: {  	_ =	shalt  }
0x82: {  	_ =	shalt  }
0x83: {  	_ =	shalt  }
0x84: {  	_ =	shalt  }
0x85: {  	_ =	shalt  }
0x86: {  	_ =	shalt  }
0x87: {  	_ =	shalt  }
.Lfunc_end0:
.L_simem_size_0:
called_computation_lowered:
.L_overlay_start_0:
0x88: {  	s2 =	sld [smem:$0x3FD9]  }
0x89: {  	s3 =	sld [smem:$0x3FFE];
	_ =	sdelay $0x1  }
0x8a: {  	s1 =	srdreg.scid  }
0x8b: {  	s0 =	sand.u32 $0x1, s1  }
0x8c: {  	s18 =	sshll.u32 s0, $0xA;
	s2 =	sadd.s32 s3, s2  }
0x8d: {  	s2 =	sadd.s32 s2, s18  }
0x8e: {  	[smem:$0x3FC3] =	sst s2  }
0x8f: {  	_ = 	snop  }
0x90: {  	s2 =	sld [smem:$0x3FC9]  }
0x91: {  	s19 =	sld [smem:$0x3FC8]  }
0x92: {  	s4 =	sld [smem:$0x3FC7]  }
0x93: {  	s5 =	sld [smem:$0x3FC6]  }
0x94: {  	s6 =	sld [smem:$0x3FC5]  }
0x95: {  	s7 =	sld [smem:$0x3FD0];
	(tm) =	ssettm $0x1  }
0x96: {  	s8 =	sld [smem:$0x3FFB];
	_ =	sdelay $0x3  }
0x97: {  	_ =	strace s8  }
0x98: {  	s8 =	sld [smem:$0x3FFC];
	_ =	sdelay $0x3  }
0x99: {  	_ =	strace s8  }
0x9a: {  	s8 =	sld [smem:$0x3FFD];
	_ =	sdelay $0x3  }
0x9b: {  	_ =	strace s8  }
0x9c: {  	_ =	strace $0x8FFFFFFF  }
0x9d: {  	s20 =	sld [smem:$0x3FDB];
	_ =	sdelay $0x1  }
0x9e: {  	s9 =	simm.s32 $_scs_section_size  }
0x9f: {  	s10 =	simm.s32 $_size__tile_overlayer_lowered;
	s11 =	simm.s32 $_tile_overlayer_lowered  }
0xa0: {  	s23 =	simm.s32 $0x1BFF;
	s22 =	sshll.u32 s11, $0x1;
	s8 =	sadd.s32 s9, s20  }
0xa1: {  	s12 =	simm.s32 $0x0;
	s21 =	sshll.u32 s10, $0x1;
	s10 =	sadd.s32 s22, s8  }
0xa2: {  	[timem:s12], [sflag:s23] =	dma.local [hbm:s10], s21  }
0xa3: {  	_ =	swait.ge [sflag:s23], s21  }
0xa4: {  	s9 =	ssub.s32 $0x0, s21;
	[sflag:s23] =	ssyncset.done $0x0  }
0xa5: {  	[sflag:s23] =	ssyncadd.s32 s9;
	_ =	sdelay $0x1  }
0xa6: {  	s24 =	simm.s32 $0x1B8B  }
0xa7: {  	_ =	swait.ge [sflag:s24], $0x1  }
0xa8: {  	[sflag:s24] =	ssyncset.done $0x0  }
0xa9: {  	s25 =	simm.s32 $0x1B8E;
	[sflag:s24] =	ssyncadd.s32 $0xFFFFFFFF  }
0xaa: {  	s26 =	simm.s32 $execute0_lowered;
	[smem:$0x3FD2] =	sst s25  }
0xab: {  	s9 =	sshll.u32 s26, $0x1;
	_ =	strace $0x80000046;
	[dreg:$0x1] =	wrdreg $0xFFFFFFFF  }
0xac: {  	s28 =	simm.s32 $_size_execute0_lowered;
	s8 =	sadd.s32 s8, s9;
	[dreg:$0x0] =	wrdreg $0x0  }
0xad: {  	s9 =	sshll.u32 s28, $0x1;
	[dreg:$0x2] =	wrdreg s8  }
0xae: {  	[dreg:$0x3] =	wrdreg s9  }
0xaf: {  	[dreg:$0x4] =	wrdreg $0xC0  }
0xb0: {  	_ =	task [dreg:s12], $0x5FFFF  }
0xb1: {  	[dreg:$0x1] =	wrdreg $0xFFFFFFFF  }
0xb2: {  	[dreg:$0x0] =	wrdreg $0x60  }
0xb3: {  	[dreg:$0x2] =	wrdreg s2  }
0xb4: {  	[dreg:$0x3] =	wrdreg s19  }
0xb5: {  	[dreg:$0x4] =	wrdreg s4  }
0xb6: {  	[dreg:$0x5] =	wrdreg s5  }
0xb7: {  	[dreg:$0x6] =	wrdreg s6  }
0xb8: {  	[dreg:$0x7] =	wrdreg s7  }
0xb9: {  	[dreg:$0x8] =	wrdreg $0x9  }
0xba: {  	_ =	task.clear_ibuf [dreg:s12], $0x9FFFF;
	_ =	strace $0x90000046  }
0xbb: {  	s29 =	simm.s32 $0x9;
	_ =	strace $0x80000048  }
0xbc: {  	_ =	swait.ge [sflag:s29], $0x1  }
0xbd: {  	[sflag:s29] =	ssyncadd.s32 $0xFFFFFFFF  }
0xbe: {  	_ =	strace $0x90000048  }
0xbf: {  	_ =	sfence  }
0xc0: {  	s30 =	sld [smem:$0x0];
	_ =	sdelay $0x2  }
0xc1: {  	s31 =	sshll.u32 s1, $0xD;
	s1 =	sshrl.u32 s1, $0x2  }
0xc2: {  	s3 =	sand.u32 $0x4000, s31;
	s1 =	sadd.s32 s1, s30  }
0xc3: {  	s0 =	sor.u32 s3, s0;
	s1 =	sshll.u32 s1, $0x11  }
0xc4: {  	s0 =	sor.u32 s1, s0  }
0xc5: {  	s0 =	sadd.s32 $0x8F2B, s0  }
0xc6: {  	[sflag:s0] =	ssyncadd.remote.s32 $0x1  }
0xc7: {  	_ =	sfence.sel $0xFFFF  }
0xc8: {  	[dreg:$0x0] =	wrdreg $0xFFFFFFFF;
	(pc) =	sbr.abs _section_cstart, $3  }
0xc9: {  	[dreg:$0x1] =	wrdreg $0xFFFFFFFF  }
0xca: {  	_ =	task.clear_ibuf [dreg:s12], $0x2FFFF;
	_ =	strace $0x9FFFFFFF  }
0xcb: {  	(tm) =	ssettm $0x7FFFFFFF  }
tec
execute0_lowered:
.L_overlay_start_1:
0x0: {  	(tag) =	ssettag $0x1  }
0x1: {  	s0 =	srdreg.scid;
	s1 =	stileid.u32;
	v3 =	vimm.s32 $0x76543210;
	v5 =	vimm.s32 $0x65432100;
	v6 =	vimm.s32 $0xFFEDCBA9  }
0x2: {  	v7 =	vimm.s32 $0x87654321;
	s0 =	sand.u32 $0x1, s0;
	s1 =	sshll.u32 s1, $0x1;
	v4 =	vunpack.c.l.s4.s8 v3;
	v3 =	vimm.s32 $0xEDCBA987  }
0x3: {  	v6 =	vunpack.c.l.s4.s8 v6;
	v7 =	vunpack.c.l.s4.s8 v7;
	s1 =	sor.u32 s0, s1;
	v8 =	vunpack.c.l.s4.s8 v3  }
0x4: {  	s2 =	rddreg [dreg:$0x1];
	v5 =	vunpack.c.l.s4.s8 v5;
	s6 =	smul.u32 $0xC38, s1  }
0x5: {  	s4 =	rddreg [dreg:$0x3];
	v6 =	vunpack.c.0.s8.s32 v6;
	v7 =	vunpack.c.0.s8.s32 v7;
	v8 =	vunpack.c.0.s8.s32 v8  }
0x6: {  	s8 =	rddreg [dreg:$0x5];
	v9 =	vunpack.c.0.s8.s32 v5;
	s3 =	ssub.s32 $0x186A0, s6  }
0x7: {  	s31 =	simm.s32 $0x16500;
	s1 =	rddreg [dreg:$0x0];
	v10 =	vcombine.low v7, v6;
	s7 =	smin.u32 s3, $0xC38;
	v8 =	vand.u32 $0xF, v8  }
0x8: {  	vm2 =	vmmov $0xff;
	s12 =	simm.s32 $0x1;
	s3 =	rddreg [dreg:$0x2];
	s5 =	sadd.s32 s6, s7;
	v2 =	vmov s7;
	v6 =	vcombine.low v9, v8  }
0x9: {  	s13 =	simm.s32 $0x3;
	s7 =	simm.s32 $0x0;
	v9 =	vand.u32 $0xF, v10;
	v10 =	vimm.s32 $0x0;
	v1 =	vmov s5;
	s5 =	rddreg [dreg:$0x4]  }
0xa: {  	vm3 =	vmmov $0xffff;
	s14 =	simm.s32 $0x14000;
	s15 =	simm.s32 $0x2;
	[smem:$0x7FF] =	sst s7;
	v10 =	vsel vm2, $0xFFFFFFFF, v10  }
.Ltmp0:
0xb: {  	v0 =	vmov s6;
	v1 =	vsel vm2, s6, v1;
	s6 =	sshrl.u32 s6, $0x3;
	_ =	strace $0x80000047;
	[tilespmem:$0x1FFD0] =	vst v10;
	v10 =	vimm.s32 $0x0;
	(pc) =	sbr.rel .LBB2_1-.Ltmp0, $4  }
0xc: {  	s16 =	simm.s32 $0x4;
	s0 =	ssub.s32 $0x2, s0;
	s8 =	sadd.s32 s8, s6;
	v10 =	vsel vm3, $0xFFFFFFFF, v10  }
0xd: {  	vm4 =	vcmask $0x3F20;
	vm11 =	vmmov $0x1;
	s9 =	sshrl.u32 s0, $0x1;
	[dreg:$0x7] =	wrdreg s31;
	s6 =	sadd.s32 $0x30E0, s8;
	[tilespmem:$0x1FFE0] =	vst v10;
	v10 =	vimm.s32 $0x0  }
0xe: {  	v3 =	vlaneseq.u32;
	v4 =	vunpack.c.0.s8.s32 v4;
	s0 =	ssub.s32 s0, s9;
	s30 =	sadd.s32 $0x61C0, s8;
	[dreg:$0x8] =	wrdreg s6;
	v10 =	vsel vm11, $0xFFFFFFFF, v10  }
0xf: {  	s19 =	simm.s32 $0x0;
	v5 =	vimm.f32 $0.0e+00;
	s11 =	smax.u32 s0, $0x1;
	v7 =	vor.u32 $0x80000000, v3;
	v8 =	vimm.s32 $0x0;
	[dreg:$0x9] =	wrdreg s30;
	[tilespmem:$0x1FFF0] =	vst v10  }
.LBB2_13:
0x10: {  	[hbm4b:s8+s7] =	stream.linear.scatter [tilespmem:s14], [sflag:$0x4], $0xC38, $0x38;
	[tilespmem:$0x16580] =	vst v63  }
0x11: {  	_ =	swait.ge [sflag:s16], $0xC38  }
0x12: {  	[sflag:s16] =	ssyncset.done $0x0  }
0x13: {  	s6 =	simm.s32 $0x14C38;
	s0 =	rddreg [dreg:$0x8];
	[sflag:s16] =	ssyncadd.s32 $0xFFFFF3C8  }
0x14: {  	[hbm4b:s0+s7] =	stream.linear.scatter [tilespmem:s6], [sflag:$0x4], $0xC38, $0x38;
	[tilespmem:$0x16580] =	vst v63  }
0x15: {  	_ =	swait.ge [sflag:s16], $0xC38  }
0x16: {  	[sflag:s16] =	ssyncset.done $0x0  }
0x17: {  	s31 =	simm.s32 $0x15870;
	s30 =	rddreg [dreg:$0x9];
	[sflag:s16] =	ssyncadd.s32 $0xFFFFF3C8  }
0x18: {  	[hbm4b:s30+s7] =	stream.linear.scatter [tilespmem:s31], [sflag:$0x4], $0xC38, $0x38;
	[tilespmem:$0x16580] =	vst v63  }
0x19: {  	_ =	swait.ge [sflag:s16], $0xC38  }
0x1a: {  	v10 =	vld [tilespmem:$0x1FFD0];
	_ =	sdelay $0x3  }
0x1b: {  	s19 =	sadd.s32 $0x1, s19  }
0x1c: {  	p0 =	sne.s32 s19, s11;
	vm2 =	vnez.u8 v10;
	v10 =	vld [tilespmem:$0x1FFE0]  }
.Ltmp1:
0x1d: {  	_ = 	snop;
	(pc) =	sbr.rel @!p0 .LBB2_14-.Ltmp1, $3  }
0x1e: {  	_ =	sdelay $0x1  }
0x1f: {  	[sflag:s16] =	ssyncset.done $0x0  }
0x20: {  	vm4 =	vcmask $0x3F20;
	[sflag:s16] =	ssyncadd.s32 $0xFFFFF3C8;
	vm3 =	vnez.u8 v10  }
.LBB2_1:
0x21: {  	s0 =	simm.s32 $0x30D407  }
0x22: {  	s0 =	sand.u32 $0x7, s0  }
0x23: {  	p0 =	por $0x0, $0x0;
	p1 =	sne.s32 s0, $0x0  }
0x24: {  	p0 =	por !p0, !p1  }
0x25: {  	s0 =	simm.s32 $0x1;
	p0 =	por !p0, !p0  }
0x26: {  	s0 =	simm.s32 @!p0 $0x0  }
0x27: {  	s22 =	ssub.s32 $0x61A80, s0  }
0x28: {  	v10 =	vmul.u32 s22, v3;
	v11 =	vmul.u32 s22, v4;
	_ =	sdelay $0x1  }
0x29: {  	v10 =	vadd.s32 s7, v10;
	v11 =	vadd.s32 s7, v11  }
0x2a: {  	v10 =	vsel vm2, v10, v11  }
0x2b: {  	vm0 =	vlt.s32 v10, $0x30D3FF  }
0x2c: {  	v11 =	vnsel vm0, $0x30D3FF, v10;
	_ =	sdelay $0x3  }
0x2d: {  	s31 =	rddreg [dreg:$0x7]  }
0x2e: {  	[tilespmem:s31], [sflag:$0x3] =	stream.indirect_vreg.gather [hbm4b:s5+s7], $0x1, v11, vm3, $0xb8;
	[tilespmem:$0x16580] =	vst v63  }
0x2f: {  	_ =	swait.ge [sflag:s13], $0x10  }
0x30: {  	[sflag:s13] =	ssyncset.done $0x0  }
0x31: {  	[sflag:s13] =	ssyncadd.s32 $0xFFFFFFF0  }
0x32: {  	v11 =	vld [tilespmem:$0x16500];
	_ =	sdelay $0x4  }
0x33: {  	vm1 =	vlt.s32 v10, $0x30D400;
	vm0 =	vlt.s32 v11, v1  }
0x34: {  	vm0 =	vmand vm1, vm0  }
0x35: {  	vm1 =	vmand vm0, vm2  }
0x36: {  	vm0 =	vmand vm0, vm4;
	v10 =	vmpcnt.ones.xlane vm1  }
0x37: {  	v11 =	vmpcnt.ones.xlane vm0  }
0x38: {  	(v2sf) =	vpush v10, $0x0  }
0x39: {  	(v2sf) =	vpush v11, $0x0;
	_ =	sdelay $0xd  }
0x3a: {  	s23 =	simm.s32 $0x30D400;
	s21 =	simm.s32 $0x0;
	s24 =	spop (v2sf)  }
0x3b: {  	s6 =	sadd.s32 $0xFFFFFFFF, s24;
	s17 =	smul.u32 s22, s24;
	s20 =	spop (v2sf)  }
0x3c: {  	s0 =	simm.s32 $0x9;
	s25 =	smul.u32 s22, s6;
	s26 =	sadd.s32 $0xFFFFFFFF, s20  }
0x3d: {  	p2 =	sgt.s32 s20, $0x7;
	p1 =	seq.s32 s20, $0x0;
	s28 =	smul.u32 s22, s20  }
0x3e: {  	s20 =	simm.s32 $0x30D400;
	s6 =	sadd.s32 $0x0, s17;
	s17 =	simm.s32 $0x0  }
.LBB2_2:
0x3f: {  	s29 =	smov.u32 s20;
	s30 =	smov.u32 s21;
	s21 =	smov.u32 s17  }
0x40: {  	p0 =	seq.s32 s24, $0x0;
	p3 =	sgt.s32 s24, $0x7;
	s22 =	smul.u32 s22, s26  }
0x41: {  	p4 =	slt.s32 s23, s6;
	s10 =	sadd.s32 s25, s17;
	s20 =	sadd.s32 s30, s28  }
0x42: {  	s6 =	smov.u32 @p4 s23;
	s17 =	sadd.s32 $0x1, s10;
	s22 =	sadd.s32 s22, s30  }
0x43: {  	s6 =	smov.u32 @p3 s23;
	s17 =	smov.u32 @p0 s21;
	p0 =	slt.s32 s29, s20  }
0x44: {  	s21 =	sadd.s32 $0x1, s22;
	s23 =	ssub.s32 s6, s17;
	s20 =	smov.u32 @p0 s29  }
0x45: {  	s21 =	smov.u32 @p1 s30;
	s18 =	sadd.s32 $0x7, s23;
	s20 =	smov.u32 @p2 s29  }
0x46: {  	s23 =	sshra.s32 s18, $0x1F;
	s26 =	ssub.s32 s20, s21  }
0x47: {  	s25 =	sand.u32 $0x7, s18;
	p3 =	slt.s32 s18, $0x1;
	s29 =	sadd.s32 $0x7, s26  }
0x48: {  	p4 =	sne.s32 s25, $0x0;
	s23 =	sshrl.u32 s23, $0x1D;
	s25 =	sshra.s32 s29, $0x1F  }
0x49: {  	p5 =	slt.s32 s29, $0x1;
	s30 =	sand.u32 $0x7, s29;
	p0 =	por !p3, !p4  }
0x4a: {  	s22 =	sadd.s32 s23, s18;
	s23 =	simm.s32 $0x1;
	s25 =	sshrl.u32 s25, $0x1D  }
0x4b: {  	p6 =	sne.s32 s30, $0x0;
	p0 =	por !p0, !p0;
	s22 =	sshra.s32 s22, $0x3  }
0x4c: {  	s24 =	sadd.s32 s25, s29;
	p1 =	por !p5, !p6;
	s23 =	simm.s32 @!p0 $0x0  }
0x4d: {  	p0 =	por !p1, !p1;
	s23 =	ssub.s32 s22, s23;
	s22 =	simm.s32 $0x1  }
0x4e: {  	s24 =	sshra.s32 s24, $0x3;
	s22 =	simm.s32 @!p0 $0x0  }
0x4f: {  	s22 =	ssub.s32 s24, s22  }
0x50: {  	v10 =	vmul.u32 s23, v3;
	v11 =	vmul.u32 s22, v4;
	_ =	sdelay $0x1  }
0x51: {  	v10 =	vadd.s32 s17, v10;
	v11 =	vadd.s32 s21, v11  }
0x52: {  	v10 =	vsel vm2, v10, v11  }
0x53: {  	vm0 =	vlt.s32 v10, $0x30D3FF  }
0x54: {  	v11 =	vnsel vm0, $0x30D3FF, v10;
	_ =	sdelay $0x3  }
0x55: {  	s31 =	rddreg [dreg:$0x7];
	s9 =	simm.s32 $0x0  }
0x56: {  	[tilespmem:s31], [sflag:$0x3] =	stream.indirect_vreg.gather [hbm4b:s5+s9], $0x1, v11, vm3, $0xb8;
	[tilespmem:$0x16580] =	vst v63  }
0x57: {  	_ =	swait.ge [sflag:s13], $0x10  }
0x58: {  	[sflag:s13] =	ssyncset.done $0x0  }
0x59: {  	[sflag:s13] =	ssyncadd.s32 $0xFFFFFFF0  }
0x5a: {  	v11 =	vld [tilespmem:$0x16500];
	_ =	sdelay $0x4  }
0x5b: {  	vm1 =	vlt.s32 v10, $0x30D400;
	vm0 =	vlt.s32 v11, v1  }
0x5c: {  	vm0 =	vmand vm1, vm0  }
0x5d: {  	vm1 =	vmand vm0, vm2  }
0x5e: {  	vm0 =	vmand vm0, vm4;
	v10 =	vmpcnt.ones.xlane vm1  }
0x5f: {  	v11 =	vmpcnt.ones.xlane vm0  }
0x60: {  	(v2sf) =	vpush v10, $0x0  }
0x61: {  	(v2sf) =	vpush v11, $0x0;
	_ =	sdelay $0xc  }
0x62: {  	p0 =	sne.s32 s0, $0x1  }
.Ltmp2:
0x63: {  	s24 =	spop (v2sf);
	(pc) =	sbr.rel @p0 .LBB2_2-.Ltmp2, $4  }
0x64: {  	s10 =	sadd.s32 $0xFFFFFFFF, s24;
	s28 =	smul.u32 s23, s24;
	s18 =	spop (v2sf)  }
0x65: {  	s0 =	sadd.s32 $0xFFFFFFFF, s0;
	s25 =	smul.u32 s23, s10;
	s26 =	sadd.s32 $0xFFFFFFFF, s18  }
0x66: {  	p2 =	sgt.s32 s18, $0x7;
	p1 =	seq.s32 s18, $0x0;
	s31 =	sadd.s32 s17, s28  }
0x67: {  	s23 =	smov.u32 s6;
	s28 =	smul.u32 s22, s18;
	s6 =	smov.u32 s31  }
0x68: {  	s0 =	smul.u32 s22, s26  }
0x69: {  	s6 =	sadd.s32 s25, s17  }
0x6a: {  	p0 =	seq.s32 s24, $0x0;
	s6 =	sadd.s32 $0x1, s6;
	s0 =	sadd.s32 s0, s21  }
0x6b: {  	s6 =	smov.u32 @p0 s17;
	s17 =	sadd.s32 $0x1, s0  }
0x6c: {  	s20 =	simm.s32 $0x40;
	s0 =	simm.s32 $0x0;
	s17 =	smov.u32 @p1 s21  }
.LBB2_4:
0x6d: {  	p0 =	sne.s32 s20, $0x9280;
	[tilespmem:s0+$0x14000] =	vst v5;
	s0 =	smov.u32 s20;
	s20 =	sadd.s32 $0x40, s20  }
.Ltmp3:
0x6e: {  	(pc) =	sbr.rel @p0 .LBB2_4-.Ltmp3, $2  }
0x6f: {  	_ =	sdelay $0x2  }
0x70: {  	s0 =	sshra.s32 s0, $0x2  }
0x71: {  	s20 =	sand.u32 $0xFFFFFFF8, s6  }
0x72: {  	s6 =	ssub.s32 s17, s20  }
0x73: {  	s6 =	sadd.s32 $0x1FFF, s6  }
0x74: {  	s26 =	sand.u32 $0x1FFF, s6  }
0x75: {  	s21 =	sshra.s32 s6, $0x1F;
	p0 =	slt.s32 s6, $0x1;
	p1 =	sne.s32 s26, $0x0  }
0x76: {  	s28 =	sshrl.u32 s21, $0x13;
	p0 =	por !p0, !p1  }
0x77: {  	s17 =	simm.s32 $0x1;
	s6 =	sadd.s32 s28, s6;
	p0 =	por !p0, !p0  }
0x78: {  	s6 =	sshra.s32 s6, $0xD;
	s17 =	simm.s32 @!p0 $0x0  }
0x79: {  	s21 =	ssub.s32 s6, s17  }
0x7a: {  	p0 =	slt.s32 s21, $0x1  }
0x7b: {  	p1 =	slt.s32 @!p0 s20, $0x30B400  }
0x7c: {  	s6 =	smov.u32 s20;
	p1 =	por !p1, p0  }
0x7d: {  	s6 =	simm.s32 @p1 $0x30B400  }
0x7e: {  	s6 =	sshrl.u32 @!p0 s6, $0x3  }
0x7f: {  	[tilespmem:s0+$0x14000] =	vst v5;
	s17 =	simm.s32 @!p0 $0x0;
	s0 =	sadd.s32 @!p0 s1, s6  }
0x80: {  	[tilespmem:s17], [sflag:$0x1] =	stream.linear.gather @!p0 [hbm4b:s0+s17], $0x2000, $0x38;
	[tilespmem:$0x16580] =	vst v63  }
0x81: {  	s29 =	sadd.s32 $0x1, s21;
	s22 =	simm.s32 @!p0 $0x2000;
	s0 =	sadd.s32 @!p0 s2, s6  }
0x82: {  	[tilespmem:s22], [sflag:$0x1] =	stream.linear.gather @!p0 [hbm4b:s0+s17], $0x2000, $0x38;
	[tilespmem:$0x16580] =	vst v63  }
0x83: {  	p5 =	slt.s32 s21, $0x0;
	s0 =	sadd.s32 @!p0 s3, s6;
	s22 =	simm.s32 @!p0 $0x4000  }
0x84: {  	[tilespmem:s22], [sflag:$0x1] =	stream.linear.gather @!p0 [hbm4b:s0+s17], $0x2000, $0x38;
	[tilespmem:$0x16580] =	vst v63  }
0x85: {  	s30 =	sand.u32 $0x1, s29;
	s0 =	sadd.s32 @!p0 s4, s6;
	s22 =	simm.s32 @!p0 $0x6000  }
0x86: {  	[tilespmem:s22], [sflag:$0x1] =	stream.linear.gather @!p0 [hbm4b:s0+s17], $0x2000, $0x38;
	[tilespmem:$0x16580] =	vst v63  }
0x87: {  	p6 =	seq.s32 s30, $0x1;
	s0 =	sadd.s32 @!p0 s5, s6;
	s6 =	simm.s32 @!p0 $0x8000  }
0x88: {  	[tilespmem:s6], [sflag:$0x1] =	stream.linear.gather @!p0 [hbm4b:s0+s17], $0x2000, $0x38;
	[tilespmem:$0x16580] =	vst v63  }
0x89: {  	s31 =	sshrl.u32 s29, $0x1F;
	p0 =	por !p5, !p6  }
0x8a: {  	s0 =	sadd.s32 s31, s29;
	s6 =	simm.s32 $0x1;
	p0 =	por !p0, !p0  }
0x8b: {  	s0 =	sshra.s32 s0, $0x1;
	s6 =	simm.s32 @!p0 $0x0  }
0x8c: {  	s22 =	ssub.s32 s0, s6  }
0x8d: {  	p0 =	slt.s32 s22, $0x1  }
.Ltmp4:
0x8e: {  	_ = 	snop;
	(pc) =	sbr.rel @!p0 .LBB2_6-.Ltmp4, $4  }
.Ltmp5:
0x8f: {  	_ = 	snop;
	(pc) =	sbr.rel @p0 .LBB2_13-.Ltmp5, $4  }
0x90: {  	_ = 	snop  }
0x91: {  	_ = 	snop  }
0x92: {  	s23 =	simm.s32 $0x0;
	s24 =	simm.s32 $0x0  }
0x93: {  	_ = 	snop  }
.LBB2_12:
0x94: {  	s24 =	sadd.s32 $0x1, s24  }
0x95: {  	v10 =	vld [tilespmem:$0x1FFF0];
	p0 =	sne.s32 s24, s22  }
.Ltmp6:
0x96: {  	_ = 	snop;
	(pc) =	sbr.rel @!p0 .LBB2_13-.Ltmp6, $2  }
0x97: {  	_ =	sdelay $0x2  }
0x98: {  	vm11 =	vnez.u8 v10  }
.LBB2_6:
0x99: {  	s25 =	sshllo.u32 s24, $0x1  }
0x9a: {  	p0 =	sge.s32 s25, s21  }
0x9b: {  	s0 =	sshll.u32 @!p0 s25, $0xD  }
0x9c: {  	s0 =	sadd.s32 @!p0 s20, s0  }
0x9d: {  	p1 =	slt.s32 @!p0 s0, $0x30B400  }
0x9e: {  	p1 =	por !p1, p0  }
0x9f: {  	s0 =	simm.s32 @p1 $0x30B400  }
0xa0: {  	s0 =	sshrl.u32 @!p0 s0, $0x3  }
0xa1: {  	s17 =	simm.s32 @!p0 $0x0;
	s26 =	simm.s32 @!p0 $0xA000;
	s6 =	sadd.s32 @!p0 s1, s0  }
0xa2: {  	[tilespmem:s26], [sflag:$0x2] =	stream.linear.gather @!p0 [hbm4b:s6+s17], $0x2000, $0x38;
	[tilespmem:$0x16580] =	vst v63  }
0xa3: {  	s6 =	sadd.s32 @!p0 s2, s0;
	s26 =	simm.s32 @!p0 $0xC000  }
0xa4: {  	[tilespmem:s26], [sflag:$0x2] =	stream.linear.gather @!p0 [hbm4b:s6+s17], $0x2000, $0x38;
	[tilespmem:$0x16580] =	vst v63  }
0xa5: {  	s6 =	sadd.s32 @!p0 s3, s0;
	s26 =	simm.s32 @!p0 $0xE000  }
0xa6: {  	[tilespmem:s26], [sflag:$0x2] =	stream.linear.gather @!p0 [hbm4b:s6+s17], $0x2000, $0x38;
	[tilespmem:$0x16580] =	vst v63  }
0xa7: {  	s6 =	sadd.s32 @!p0 s4, s0;
	s26 =	simm.s32 @!p0 $0x10000  }
0xa8: {  	[tilespmem:s26], [sflag:$0x2] =	stream.linear.gather @!p0 [hbm4b:s6+s17], $0x2000, $0x38;
	[tilespmem:$0x16580] =	vst v63  }
0xa9: {  	s0 =	sadd.s32 @!p0 s5, s0;
	s6 =	simm.s32 @!p0 $0x12000  }
0xaa: {  	[tilespmem:s6], [sflag:$0x2] =	stream.linear.gather @!p0 [hbm4b:s0+s17], $0x2000, $0x38;
	[tilespmem:$0x16580] =	vst v63  }
0xab: {  	_ =	swait.ge [sflag:s12], $0x2000  }
0xac: {  	[sflag:s12] =	ssyncset.done $0x0  }
0xad: {  	[sflag:s12] =	ssyncadd.s32 $0xFFFFE000  }
0xae: {  	_ =	swait.ge [sflag:s12], $0x2000  }
0xaf: {  	[sflag:s12] =	ssyncset.done $0x0  }
0xb0: {  	[sflag:s12] =	ssyncadd.s32 $0xFFFFE000  }
0xb1: {  	_ =	swait.ge [sflag:s12], $0x2000  }
0xb2: {  	[sflag:s12] =	ssyncset.done $0x0  }
0xb3: {  	[sflag:s12] =	ssyncadd.s32 $0xFFFFE000  }
0xb4: {  	_ =	swait.ge [sflag:s12], $0x2000  }
0xb5: {  	[sflag:s12] =	ssyncset.done $0x0  }
0xb6: {  	[sflag:s12] =	ssyncadd.s32 $0xFFFFE000  }
0xb7: {  	_ =	swait.ge [sflag:s12], $0x2000  }
0xb8: {  	s6 =	sshll.u32 s24, $0xE;
	[sflag:s12] =	ssyncset.done $0x0  }
0xb9: {  	s0 =	sadd.s32 s20, s6;
	s6 =	simm.s32 $0x20;
	[sflag:s12] =	ssyncadd.s32 $0xFFFFE000  }
0xba: {  	s26 =	simm.s32 $0x8020;
	p1 =	slt.s32 s0, $0x30B400;
	s17 =	smov.u32 s0;
	v11 =	vld [tilespmem:s6+$0x0]  }
0xbb: {  	s17 =	simm.s32 @!p1 $0x30B400;
	v12 =	vld [tilespmem:s26+$0xFFFFFFF0]  }
0xbc: {  	s9 =	simm.s32 $0x20;
	s0 =	ssub.s32 s0, s17;
	v13 =	vld [tilespmem:s26+$0x10]  }
0xbd: {  	v15 =	vor.u32 s9, v3;
	v10 =	vmov s0;
	v14 =	vld [tilespmem:s6+$0xFFFFFFF0]  }
0xbe: {  	vm0 =	vlt.s32 v15, v10;
	v15 =	vld [tilespmem:s26+$0x0]  }
0xbf: {  	v23 =	vld [tilespmem:s26+$0xFFFFFFE0]  }
0xc0: {  	s10 =	simm.s32 $0x30;
	v25 =	vld [tilespmem:s6+$0xFFFFFFE0]  }
0xc1: {  	s28 =	simm.s32 $0x10;
	v17 =	vor.u32 s23, v3;
	vm14 =	vcmask $0x3F3C;
	v16 =	vor.u32 s10, v3  }
0xc2: {  	v18 =	vor.u32 s28, v3;
	vm2 =	vlt.s32 v17, v10;
	vm4 =	vlt.s32 v16, v10  }
0xc3: {  	v21 =	vsel vm0, $0x0, v11;
	vm0 =	vlt.s32 v18, v10;
	v16 =	vsub.s32 v12, v0  }
0xc4: {  	v17 =	vperm.xlane v12, v6;
	v18 =	vperm.xlane v13, v6;
	v20 =	vsub.s32 v15, v0  }
0xc5: {  	v11 =	vld [tilespmem:s6+$0x10];
	v28 =	vperm.xlane v23, v6;
	v27 =	vsel vm2, $0x0, v25;
	v24 =	vsel vm0, $0x0, v14  }
0xc6: {  	s18 =	simm.s32 $0x2020;
	vm0 =	vlt.s32 v16, v2;
	vm6 =	vgt.s32 v16, $0xFFFFFFFF;
	v14 =	vsub.s32 v13, v0  }
0xc7: {  	v19 =	vld [tilespmem:s18+$0x10];
	vm8 =	vgt.s32 v16, $0x0;
	vm1 =	vne.s32 v12, v17;
	vm7 =	vne.s32 v13, v18  }
0xc8: {  	v13 =	vperm.xlane v15, v6;
	vm5 =	vgt.s32 v14, $0xFFFFFFFF;
	vm3 =	vgt.s32 v14, $0x0  }
0xc9: {  	v18 =	vld [tilespmem:s18+$0x0];
	vm0 =	vmand vm6, vm0;
	v17 =	vnsel vm7, $0x80000000, v7;
	vm7 =	vmor vm7, vm11  }
0xca: {  	v12 =	vld [tilespmem:s18+$0xFFFFFFF0];
	v16 =	vnsel vm8, $0x0, v16;
	(xrf0) =	vmax.scan.msk.u32 $0xffff, v17;
	v22 =	vsel vm4, $0x0, v11;
	v11 =	vsel vm7, $0x1, v8  }
0xcb: {  	vm6 =	vlt.s32 v20, v2;
	v25 =	vnsel vm1, $0x80000000, v7;
	v11 =	vperm.xlane v11, v9  }
0xcc: {  	vm8 =	vne.s32 v15, v13;
	vm4 =	vmor vm1, vm11;
	v17 =	vmul.f32 v19, v22  }
0xcd: {  	vm7 =	vlt.s32 v14, v2;
	v15 =	vnsel vm8, $0x80000000, v7;
	vm9 =	veq.s32 v11, $0x1;
	v11 =	vld [tilespmem:s18+$0xFFFFFFE0]  }
0xce: {  	v19 =	vsel vm4, $0x1, v8;
	vm4 =	vgt.s32 v20, $0xFFFFFFFF;
	v18 =	vmul.f32 v18, v21;
	(xrf2) =	vadd.scan.msk.f32 $0xffff, v17  }
0xcf: {  	v12 =	vmul.f32 v12, v24;
	vm4 =	vmand vm4, vm6;
	vm6 =	vmor vm8, vm11  }
0xd0: {  	vm8 =	vgt.s32 v20, $0x0;
	v17 =	vsel vm6, $0x1, v8;
	vm6 =	vmand vm5, vm7;
	(xrf2) =	vadd.scan.msk.f32 $0xffff, v18;
	v13, _, _ =	vpop (xrf0)  }
0xd1: {  	vm7 =	vne.s32 v23, v28;
	v17 =	vperm.xlane v17, v9;
	(xrf0) =	vmax.scan.msk.u32 $0xffff, v15;
	v26 =	vadd.s32 $0x7FFFFFFF, v13  }
0xd2: {  	v20 =	vnsel vm8, $0x0, v20;
	vm2 =	vgt.s32 v26, $0x0;
	v11 =	vmul.f32 v11, v27  }
0xd3: {  	v26 =	vnsel vm2, $0x0, v26;
	vm2 =	veq.s32 v17, $0x1;
	v17 =	vnsel vm7, $0x80000000, v7  }
0xd4: {  	vm9 =	vmor vm9, vm14;
	v28 =	vmin.u32 v20, $0xC37;
	v15 =	vperm.xlane v19, v9;
	(xrf0) =	vmax.scan.msk.u32 $0xffff, v17  }
0xd5: {  	vm5 =	vmor vm2, vm14;
	(xrf2) =	vadd.scan.msk.f32 $0xffff, v11;
	v11 =	vnsel vm3, $0x0, v14;
	v14 =	vsub.s32 v23, v0  }
0xd6: {  	vm2 =	vmand vm6, vm9;
	vm3 =	vgt.u32 v13, $0x80000000;
	vm6 =	vgt.s32 v14, $0x0  }
0xd7: {  	vm4 =	vmand vm4, vm5;
	v18, _, _ =	vpop (xrf0);
	(xrf2) =	vadd.scan.msk.f32 $0xffff, v12;
	v19 =	vnsel vm6, $0x0, v14;
	vm6 =	vmor vm7, vm11  }
0xd8: {  	vm9 =	vlt.s32 v14, v2;
	(xrf0) =	vmax.scan.msk.u32 $0xffff, v25;
	v12 =	vadd.s32 $0x7FFFFFFF, v18;
	v17, _, _ =	vpop (xrf2);
	v23 =	vsel vm6, $0x1, v8  }
0xd9: {  	vm1 =	vgt.s32 v12, $0x0;
	vm6 =	vgt.s32 v14, $0xFFFFFFFF;
	v13 =	vperm.xlane v17, v26  }
0xda: {  	v23 =	vperm.xlane v23, v9;
	v29 =	vnsel vm1, $0x0, v12;
	vm1 =	vgt.u32 v18, $0x80000000;
	v18, _, _ =	vpop (xrf2)  }
0xdb: {  	v11 =	vmin.u32 v11, $0xC37;
	vm6 =	vmand vm6, vm9;
	v14, _, _ =	vpop (xrf0);
	v12 =	vnsel vm3, $0x0, v13  }
0xdc: {  	vm7 =	veq.s32 v23, $0x1;
	v13 =	vadd.s32 $0x7FFFFFFF, v14;
	v23 =	vperm.xlane v18, v29  }
0xdd: {  	vm5 =	vgt.u32 v14, $0x80000000;
	vm7 =	vmor vm7, vm14;
	vm8 =	vgt.s32 v13, $0x0  }
0xde: {  	v17 =	vsub.f32 v17, v12;
	v25, _, _ =	vpop (xrf0);
	v12 =	vnsel vm8, $0x0, v13;
	vm6 =	vmand vm6, vm7  }
0xdf: {  	v14 =	vnsel vm1, $0x0, v23;
	vm7 =	veq.s32 v15, $0x1;
	v15 =	vadd.s32 $0x7FFFFFFF, v25  }
0xe0: {  	v13 =	vmin.u32 v19, $0xC37;
	[tilespmem:v11+s14+$0x0] =	vst.idx.add.f32.msk vm2, v17;
	v17 =	vsub.f32 v18, v14;
	vm8 =	vgt.s32 v15, $0x0;
	v20, _, _ =	vpop (xrf2)  }
0xe1: {  	s0 =	simm.s32 $0x4020;
	vm7 =	vmor vm7, vm14;
	v14 =	vnsel vm8, $0x0, v15;
	v19 =	vperm.xlane v20, v12;
	v23, _, _ =	vpop (xrf2)  }
0xe2: {  	v18 =	vld [tilespmem:s0+$0x10];
	vm7 =	vmand vm0, vm7;
	v15 =	vmin.u32 v16, $0xC37;
	v16 =	vperm.xlane v23, v14  }
0xe3: {  	vm0 =	vgt.u32 v25, $0x80000000;
	[tilespmem:v28+s14+$0x0] =	vst.idx.add.f32.msk vm4, v17;
	v19 =	vnsel vm5, $0x0, v19  }
0xe4: {  	s6 =	simm.s32 $0x60;
	v17 =	vld [tilespmem:s0+$0x0];
	v19 =	vsub.f32 v20, v19;
	v16 =	vnsel vm0, $0x0, v16  }
0xe5: {  	vm2 =	vmmov vm2;
	v20 =	vld [tilespmem:s6+$0x0];
	v16 =	vsub.f32 v23, v16;
	v23 =	vimm.s32 $0x0  }
0xe6: {  	[tilespmem:v13+s14+$0x0] =	vst.idx.add.f32.msk vm6, v19;
	v23 =	vsel vm2, $0xFFFFFFFF, v23  }
0xe7: {  	v19 =	vld [tilespmem:s0+$0xFFFFFFE0];
	[tilespmem:$0x1FF60] =	vst v23  }
0xe8: {  	vm15 =	vmmov vm1;
	[tilespmem:v15+s14+$0x0] =	vst.idx.add.f32.msk vm7, v16;
	v16 =	vimm.s32 $0x0  }
0xe9: {  	v16 =	vsel vm15, $0xFFFFFFFF, v16  }
0xea: {  	vm1 =	vmmov vm6;
	[tilespmem:$0x1FF70] =	vst v16;
	v16 =	vimm.s32 $0x0  }
0xeb: {  	v16 =	vsel vm1, $0xFFFFFFFF, v16  }
0xec: {  	vm12 =	vmmov vm4;
	[tilespmem:$0x1FF80] =	vst v16;
	v16 =	vmul.f32 v17, v21;
	v17 =	vimm.s32 $0x0  }
0xed: {  	v17 =	vsel vm12, $0xFFFFFFFF, v17  }
0xee: {  	s18 =	simm.s32 $0x8060;
	v23 =	vld [tilespmem:s0+$0xFFFFFFF0];
	[tilespmem:$0x1FFC0] =	vst v17  }
0xef: {  	s29 =	simm.s32 $0x50;
	s10 =	simm.s32 $0x70;
	v25 =	vld [tilespmem:s18+$0xFFFFFFF0]  }
0xf0: {  	v32 =	vor.u32 s29, v3;
	v30 =	vor.u32 s10, v3;
	vm13 =	vmmov vm3;
	v31 =	vld [tilespmem:s6+$0xFFFFFFF0]  }
0xf1: {  	s9 =	simm.s32 $0x60;
	v34 =	vadd.s32 $0xC38, v11;
	vm10 =	vmmov vm5;
	vm9 =	vmmov vm7;
	v33 =	vld [tilespmem:s18+$0x10]  }
0xf2: {  	s28 =	simm.s32 $0x40;
	s26 =	simm.s32 $0x2060;
	vm8 =	vmmov vm0;
	vm0 =	vlt.s32 v30, v10;
	v17 =	vor.u32 s9, v3;
	(xrf2) =	vadd.scan.msk.f32 $0xffff, v16;
	v35 =	vld [tilespmem:s18+$0x0]  }
0xf3: {  	v18 =	vmul.f32 v18, v22;
	v16 =	vor.u32 s28, v3;
	vm1 =	vlt.s32 v17, v10;
	v53 =	vld [tilespmem:s26+$0x0]  }
0xf4: {  	v19 =	vmul.f32 v19, v27;
	vm3 =	vlt.s32 v16, v10;
	v16 =	vsel vm1, $0x0, v20  }
0xf5: {  	v51 =	vld [tilespmem:s26+$0xFFFFFFF0];
	vm1 =	vlt.s32 v32, v10;
	v20 =	vmul.f32 v23, v24;
	v23 =	vadd.s32 $0xC38, v28  }
0xf6: {  	v49 =	vsub.s32 v25, v0;
	v36 =	vperm.xlane v25, v6;
	v17 =	vsel vm1, $0x0, v31  }
0xf7: {  	(xrf2) =	vadd.scan.msk.f32 $0xffff, v18;
	v37 =	vperm.xlane v33, v6;
	v38 =	vsub.s32 v33, v0;
	v42 =	vsub.s32 v35, v0  }
0xf8: {  	(xrf2) =	vadd.scan.msk.f32 $0xffff, v20;
	v20 =	vimm.s32 $0x0;
	v58 =	vmul.f32 v53, v16;
	vm2 =	vlt.s32 v49, v2  }
0xf9: {  	v31 =	vld [tilespmem:s6+$0x10];
	vm5 =	vgt.s32 v49, $0xFFFFFFFF;
	vm1 =	vne.s32 v25, v36;
	v25 =	vperm.xlane v35, v6  }
0xfa: {  	vm4 =	vne.s32 v33, v37;
	vm2 =	vmand vm5, vm2;
	v37 =	vmul.f32 v51, v17  }
0xfb: {  	vm6 =	vmor vm1, vm11;
	v33 =	vnsel vm4, $0x80000000, v7;
	vm4 =	vmor vm4, vm11  }
0xfc: {  	v40 =	vld [tilespmem:s26+$0x10];
	v20 =	vsel vm2, $0xFFFFFFFF, v20;
	vm2 =	vgt.s32 v42, $0xFFFFFFFF;
	v50 =	vsel vm6, $0x1, v8;
	v41, _, _ =	vpop (xrf2)  }
0xfd: {  	vm6 =	vgt.s32 v38, $0xFFFFFFFF;
	v39 =	vsel vm4, $0x1, v8;
	[tilespmem:$0x1FF90] =	vst v20;
	v20 =	vperm.xlane v41, v29  }
0xfe: {  	vm4 =	vgt.s32 v38, $0x0;
	(xrf0) =	vmax.scan.msk.u32 $0xffff, v33;
	v18 =	vsel vm0, $0x0, v31;
	v52 =	vperm.xlane v39, v9  }
0xff: {  	vm0 =	vgt.s32 v49, $0x0;
	v54 =	vld [tilespmem:s6+$0xFFFFFFE0];
	v62 =	vnsel vm4, $0x0, v38;
	v20 =	vnsel vm15, $0x0, v20  }
0x100: {  	v43 =	vld [tilespmem:s18+$0xFFFFFFE0];
	v31 =	vnsel vm0, $0x0, v49;
	vm0 =	vlt.s32 v42, v2;
	v20 =	vsub.f32 v41, v20  }
0x101: {  	(xrf2) =	vadd.scan.msk.f32 $0xffff, v19;
	v55 =	vld [tilespmem:s26+$0xFFFFFFE0];
	v61, _, _ =	vpop (xrf2);
	v40 =	vmul.f32 v40, v18;
	vm0 =	vmand vm2, vm0;
	vm2 =	vne.s32 v35, v25  }
0x102: {  	s18 =	simm.s32 $0x6020;
	v47 =	vperm.xlane v61, v26;
	v25 =	vnsel vm2, $0x80000000, v7;
	vm2 =	vmor vm2, vm11;
	[tilespmem:v23+s14+$0x0] =	vst.idx.add.f32.msk vm12, v20  }
0x103: {  	vm5 =	veq.s32 v52, $0x1;
	v56 =	vsel vm2, $0x1, v8;
	vm2 =	vlt.s32 v38, v2;
	v23 =	vld [tilespmem:s18+$0x0]  }
0x104: {  	(xrf2) =	vadd.scan.msk.f32 $0xffff, v40;
	vm2 =	vmand vm6, vm2;
	v57, _, _ =	vpop (xrf0);
	vm12 =	vmmov vm14;
	v20 =	vsel vm3, $0x0, v54  }
0x105: {  	v59 =	vperm.xlane v43, v6;
	v60 =	vperm.xlane v56, v9;
	v19 =	vadd.s32 $0x7FFFFFFF, v57;
	v53 =	vld [tilespmem:$0x1FF60]  }
0x106: {  	(xrf0) =	vmax.scan.msk.u32 $0xffff, v25;
	vm6 =	vmor vm5, vm14;
	v25 =	vmul.f32 v55, v20;
	vm3 =	vgt.s32 v19, $0x0  }
0x107: {  	vm4 =	veq.s32 v60, $0x1;
	v19 =	vnsel vm3, $0x0, v19;
	vm3 =	vne.s32 v43, v59  }
0x108: {  	vm5 =	vmor vm4, vm14;
	v21 =	vmul.f32 v23, v21;
	v23 =	vsub.s32 v43, v0  }
0x109: {  	vm14 =	vmand vm2, vm6;
	v48 =	vnsel vm3, $0x80000000, v7;
	vm2 =	vgt.s32 v23, $0x0  }
0x10a: {  	(xrf2) =	vadd.scan.msk.f32 $0xffff, v58;
	v41 =	vnsel vm2, $0x0, v23;
	vm2 =	vmor vm3, vm11;
	vm3 =	vnez.u8 v53  }
0x10b: {  	v36 =	vperm.xlane v50, v9;
	v49 =	vimm.s32 $0x0;
	v52 =	vadd.s32 $0xC38, v15;
	v63, _, _ =	vpop (xrf2);
	(xrf2) =	vadd.scan.msk.f32 $0xffff, v25  }
0x10c: {  	v39 =	vnsel vm13, $0x0, v47;
	vm7 =	vgt.u32 v57, $0x80000000;
	v57, _, _ =	vpop (xrf2);
	v25 =	vperm.xlane v63, v14;
	(xrf2) =	vadd.scan.msk.f32 $0xffff, v37  }
0x10d: {  	v35 =	vsub.f32 v61, v39;
	v55 =	vnsel vm1, $0x80000000, v7;
	v37 =	vsel vm8, $0xFFFFFFFF, v49;
	(xrf0) =	vmax.scan.msk.u32 $0xffff, v48;
	v51, _, _ =	vpop (xrf0)  }
0x10e: {  	v50 =	vnsel vm8, $0x0, v25;
	vm1 =	vgt.s32 v23, $0xFFFFFFFF;
	(xrf2) =	vadd.scan.msk.f32 $0xffff, v21;
	v21 =	vadd.s32 $0x7FFFFFFF, v51;
	v58, _, _ =	vpop (xrf2)  }
0x10f: {  	[tilespmem:$0x1FF50] =	vst v37;
	v25 =	vsel vm2, $0x1, v8;
	vm2 =	vgt.s32 v21, $0x0;
	v59 =	vperm.xlane v58, v19  }
0x110: {  	v21 =	vnsel vm2, $0x0, v21;
	vm2 =	vlt.s32 v23, v2;
	v23 =	vmin.u32 v62, $0xC37;
	[tilespmem:v34+s14+$0x0] =	vst.idx.add.f32.msk vm3, v35  }
0x111: {  	v34 =	vld [tilespmem:s18+$0x10]  }
0x112: {  	v37 =	vsub.f32 v63, v50;
	v32 =	vnsel vm7, $0x0, v59  }
0x113: {  	v32 =	vsub.f32 v58, v32  }
0x114: {  	vm4 =	vgt.s32 v42, $0x0;
	[tilespmem:v52+s14+$0x0] =	vst.idx.add.f32.msk vm9, v37  }
0x115: {  	v54 =	vnsel vm4, $0x0, v42;
	v45, _, _ =	vpop (xrf2);
	[tilespmem:v23+s14+$0x0] =	vst.idx.add.f32.msk vm14, v32  }
0x116: {  	v56, _, _ =	vpop (xrf0);
	v34 =	vmul.f32 v34, v22;
	v22 =	vmin.u32 v54, $0xC37;
	v54 =	vld [tilespmem:$0x1FF70]  }
0x117: {  	v44 =	vperm.xlane v25, v9;
	v25 =	vadd.s32 $0x7FFFFFFF, v56;
	v61, _, _ =	vpop (xrf2)  }
0x118: {  	vm1 =	vmand vm1, vm2;
	vm2 =	vgt.s32 v25, $0x0;
	v46, _, _ =	vpop (xrf2)  }
0x119: {  	v25 =	vnsel vm2, $0x0, v25;
	vm2 =	veq.s32 v44, $0x1;
	v63, _, _ =	vpop (xrf2)  }
0x11a: {  	vm2 =	vmor vm2, vm12;
	v29 =	vperm.xlane v63, v29  }
0x11b: {  	vm4 =	vmand vm1, vm2;
	vm1 =	vnez.u8 v54  }
0x11c: {  	v44 =	vnsel vm1, $0x0, v29;
	vm1 =	vgt.u32 v56, $0x80000000;
	v56 =	vld [tilespmem:$0x1FF80];
	_ =	sdelay $0x4  }
0x11d: {  	vm11 =	vnez.u8 v56  }
0x11e: {  	v30 =	vadd.s32 $0xC38, v13;
	v60 =	vperm.xlane v57, v12;
	_ =	sdelay $0x1  }
0x11f: {  	vm5 =	vmand vm0, vm5;
	(xrf0) =	vmax.scan.msk.u32 $0xffff, v55;
	v62 =	vnsel vm10, $0x0, v60  }
0x120: {  	v49 =	vperm.xlane v45, v21;
	v37 =	vsub.f32 v57, v62  }
0x121: {  	vm2 =	vgt.u32 v51, $0x80000000  }
0x122: {  	v39 =	vnsel vm2, $0x0, v49;
	[tilespmem:v30+s14+$0x0] =	vst.idx.add.f32.msk vm11, v37  }
0x123: {  	v55 =	vsub.f32 v45, v39;
	v30 =	vld [tilespmem:$0x1FF90];
	_ =	sdelay $0x1  }
0x124: {  	v50, _, _ =	vpop (xrf0);
	[tilespmem:v22+s14+$0x0] =	vst.idx.add.f32.msk vm5, v55  }
0x125: {  	v52 =	vadd.s32 $0x7FFFFFFF, v50;
	v62 =	vld [tilespmem:$0x1FFC0]  }
0x126: {  	vm6 =	veq.s32 v36, $0x1;
	vm0 =	vgt.s32 v52, $0x0;
	(xrf2) =	vadd.scan.msk.f32 $0xffff, v34  }
0x127: {  	v29 =	vnsel vm0, $0x0, v52;
	vm0 =	vmor vm6, vm12;
	vm6 =	vnez.u8 v30  }
0x128: {  	v48 =	vld [tilespmem:s18+$0xFFFFFFF0];
	v59 =	vimm.s32 $0x0;
	vm0 =	vmand vm6, vm0;
	vm6 =	vmmov vm3  }
0x129: {  	s29 =	simm.s32 $0x4060;
	v60 =	vimm.s32 $0x0;
	v32 =	vsel vm6, $0xFFFFFFFF, v59;
	vm6 =	vmmov vm14  }
0x12a: {  	v53 =	vld [tilespmem:s29+$0x10];
	v33 =	vsel vm6, $0xFFFFFFFF, v60;
	vm6 =	vmmov vm2;
	vm2 =	vnez.u8 v62  }
0x12b: {  	vm15 =	vmmov vm13;
	v57 =	vadd.s32 $0x1870, v28;
	v51 =	vperm.xlane v61, v25;
	v58 =	vld [tilespmem:s18+$0xFFFFFFE0];
	[tilespmem:$0x1FFA0] =	vst v32  }
0x12c: {  	vm13 =	vmmov vm10;
	vm15 =	vmmov vm15;
	v28 =	vmin.u32 v41, $0xC37;
	[tilespmem:$0x1FFB0] =	vst v33  }
0x12d: {  	vm8 =	vmmov vm9;
	v24 =	vmul.f32 v48, v24;
	v30 =	vnsel vm1, $0x0, v51;
	v36 =	vld [tilespmem:s29+$0x0]  }
0x12e: {  	vm9 =	vmmov vm7;
	v30 =	vsub.f32 v61, v30;
	v61 =	vsub.f32 v63, v44  }
0x12f: {  	vm10 =	vmmov vm4;
	(xrf2) =	vadd.scan.msk.f32 $0xffff, v24;
	v24 =	vmin.u32 v31, $0xC37;
	v31 =	vperm.xlane v46, v29  }
0x130: {  	vm12 =	vmmov vm5;
	v63 =	vmul.f32 v58, v27;
	v27, _, _ =	vpop (xrf2);
	[tilespmem:v57+s14+$0x0] =	vst.idx.add.f32.msk vm2, v61;
	vm2 =	vgt.u32 v50, $0x80000000  }
0x131: {  	s31 =	simm.s32 $0x4;
	s30 =	simm.s32 $0x6060;
	s17 =	simm.s32 $0xA0;
	vm14 =	vmmov vm11;
	v26 =	vperm.xlane v27, v26;
	[tilespmem:v28+s14+$0x0] =	vst.idx.add.f32.msk vm4, v30;
	v30 =	vnsel vm2, $0x0, v31  }
0x132: {  	s0 =	simm.s32 $0x80A0;
	s28 =	sshll.u32 s24, $0x1;
	s6 =	simm.s32 $0x80;
	v32 =	vmul.f32 v53, v18;
	(xrf2) =	vadd.scan.msk.f32 $0xffff, v63;
	v33 =	vld [tilespmem:s29+$0xFFFFFFE0];
	v31 =	vsub.f32 v46, v30;
	v30 =	vmul.f32 v36, v16  }
.LBB2_7:
0x133: {  	_ = 	snop  }
0x134: {  	v34 =	vimm.s32 $0x0;
	v54 =	vld [tilespmem:s0+$0x10]  }
0x135: {  	v51 =	vimm.s32 $0x0;
	vm4 =	vmmov vm13;
	vm3 =	vmmov vm1;
	v43 =	vld [tilespmem:$0x1FFA0]  }
0x136: {  	v36 =	vimm.s32 $0x0;
	vm1 =	vmmov vm8;
	v39 =	vadd.s32 $0x1870, v15;
	[tilespmem:v24+s14+$0x0] =	vst.idx.add.f32.msk vm0, v31  }
0x137: {  	v15 =	vmovc v24;
	vm8 =	vmmov vm2;
	v55 =	vadd.s32 $0x1870, v13;
	v41 =	vadd.s32 $0x1870, v11;
	v24 =	vld [tilespmem:$0x1FF50]  }
0x138: {  	s18 =	sadd.s32 $0x20, s6;
	s9 =	sadd.s32 $0x30, s6;
	vm11 =	vmmov vm6;
	v34 =	vsel vm9, $0xFFFFFFFF, v34;
	v36 =	vsel vm3, $0xFFFFFFFF, v36;
	v38 =	vld [tilespmem:s29+$0xFFFFFFF0]  }
0x139: {  	v53 =	vor.u32 s18, v3;
	v37 =	vor.u32 s9, v3;
	vm3 =	vmmov vm0;
	v40 =	vld [tilespmem:s0+$0xFFFFFFF0]  }
0x13a: {  	v31 =	vimm.s32 $0x0;
	v26 =	vnsel vm15, $0x0, v26;
	vm9 =	vcmask $0x3F3C  }
0x13b: {  	s10 =	sadd.s32 $0x10, s6;
	[tilespmem:$0x1FF00] =	vst v34;
	v34 =	vsel vm10, $0xFFFFFFFF, v51;
	v31 =	vsel vm3, $0xFFFFFFFF, v31;
	vm2 =	vlt.s32 v37, v10  }
0x13c: {  	v27 =	vsub.f32 v27, v26;
	[tilespmem:$0x1FF10] =	vst v31;
	v31 =	vor.u32 s10, v3;
	v33 =	vmul.f32 v33, v20  }
0x13d: {  	v42 =	vperm.xlane v54, v6;
	vm0 =	vnez.u8 v43;
	vm3 =	vnez.u8 v24  }
0x13e: {  	v52 =	vld [tilespmem:s17+$0x0];
	v56 =	vmul.f32 v38, v17;
	v57 =	vsub.s32 v40, v0;
	v58 =	vperm.xlane v40, v6;
	v35, _, _ =	vpop (xrf2)  }
0x13f: {  	vm6 =	vne.s32 v54, v42;
	(xrf2) =	vadd.scan.msk.f32 $0xffff, v30;
	v30 =	vperm.xlane v35, v14;
	v14 =	vmovc v29;
	v29 =	vor.u32 s6, v3  }
0x140: {  	v11 =	vmovc v23;
	v13 =	vmovc v28;
	[tilespmem:$0x1FF30] =	vst v34;
	v47 =	vnsel vm6, $0x80000000, v7;
	vm10 =	vlt.s32 v29, v10;
	v29 =	vadd.s32 $0xC38, v23;
	v23 =	vld [tilespmem:s0+$0x0]  }
0x141: {  	vm15 =	vlt.s32 v57, v2;
	vm7 =	vgt.s32 v57, $0xFFFFFFFF;
	v60, _, _ =	vpop (xrf2);
	(xrf0) =	vmax.scan.msk.u32 $0xffff, v47;
	v24 =	vnsel vm3, $0x0, v30;
	v30 =	vld [tilespmem:s17+$0xFFFFFFF0]  }
0x142: {  	s26 =	sadd.s32 $0x40, s26;
	v46 =	vld [tilespmem:$0x1FFF0];
	(xrf2) =	vadd.scan.msk.f32 $0xffff, v32;
	v61 =	vperm.xlane v60, v12;
	vm3 =	vlt.s32 v53, v10;
	v35 =	vsub.f32 v35, v24  }
0x143: {  	vm7 =	vmand vm7, vm15;
	(xrf2) =	vadd.scan.msk.f32 $0xffff, v56;
	v12 =	vmovc v25;
	v25 =	vsub.s32 v54, v0;
	v28 =	vsel vm3, $0x0, v52;
	v52 =	vld [tilespmem:s26+$0x0]  }
0x144: {  	vm5 =	vgt.s32 v25, $0xFFFFFFFF;
	v24 =	vadd.s32 $0xC38, v13;
	v34 =	vnsel vm4, $0x0, v61;
	[tilespmem:v39+s14+$0x0] =	vst.idx.add.f32.msk vm1, v35  }
0x145: {  	vm3 =	vlt.s32 v31, v10;
	v31 =	vadd.s32 $0xC38, v22;
	v44 =	vsub.f32 v60, v34;
	v59 =	vld [tilespmem:s26+$0xFFFFFFF0]  }
0x146: {  	vm1 =	vne.s32 v40, v58;
	v62 =	vperm.xlane v23, v6;
	v26 =	vsel vm3, $0x0, v30;
	v30 =	vld [tilespmem:s17+$0x10]  }
0x147: {  	v56, _, _ =	vpop (xrf0);
	[tilespmem:v41+s14+$0x0] =	vst.idx.add.f32.msk vm0, v27;
	vm3 =	vgt.s32 v25, $0x0;
	vm0 =	vnez.u8 v46;
	v41 =	vsub.s32 v23, v0  }
0x148: {  	[tilespmem:v55+s14+$0x0] =	vst.idx.add.f32.msk vm14, v44;
	v45 =	vadd.s32 $0x7FFFFFFF, v56;
	vm4 =	vmor vm1, vm0;
	vm13 =	vmor vm6, vm0  }
0x149: {  	v53 =	vld [tilespmem:s0+$0xFFFFFFE0];
	vm6 =	vlt.s32 v25, v2;
	vm14 =	vne.s32 v23, v62;
	v39 =	vmul.f32 v52, v28  }
0x14a: {  	v27 =	vld [tilespmem:s26+$0x10];
	v25 =	vnsel vm3, $0x0, v25;
	v48 =	vsel vm4, $0x1, v8;
	v49 =	vsel vm13, $0x1, v8  }
0x14b: {  	v63, _, _ =	vpop (xrf2);
	vm13 =	vgt.s32 v41, $0xFFFFFFFF;
	vm4 =	vgt.s32 v57, $0x0;
	v55 =	vnsel vm14, $0x80000000, v7  }
0x14c: {  	(xrf2) =	vadd.scan.msk.f32 $0xffff, v33;
	vm5 =	vmand vm5, vm6;
	v51, _, _ =	vpop (xrf2);
	v23 =	vperm.xlane v63, v21;
	v33 =	vperm.xlane v48, v9  }
0x14d: {  	[tilespmem:$0x1FF20] =	vst v36;
	v38 =	vmul.f32 v59, v26;
	v34, _, _ =	vpop (xrf2);
	v36 =	vsel vm2, $0x0, v30;
	v30 =	vperm.xlane v49, v9  }
0x14e: {  	v54 =	vld [tilespmem:s17+$0xFFFFFFE0];
	v23 =	vnsel vm11, $0x0, v23;
	v58 =	vperm.xlane v53, v6;
	v61 =	vperm.xlane v34, v14  }
0x14f: {  	v62 =	vsub.s32 v53, v0;
	v50 =	vmul.f32 v27, v36;
	v27 =	vimm.s32 $0x0  }
0x150: {  	v23 =	vsub.f32 v63, v23;
	vm3 =	vgt.s32 v62, $0x0;
	v27 =	vsel vm7, $0xFFFFFFFF, v27  }
0x151: {  	v63 =	vld [tilespmem:$0x1FF00];
	vm2 =	veq.s32 v30, $0x1;
	v42 =	vnsel vm8, $0x0, v61;
	vm7 =	vgt.u32 v56, $0x80000000;
	[tilespmem:$0x1FF40] =	vst v27  }
0x152: {  	v27 =	vnsel vm4, $0x0, v57;
	vm4 =	vmor vm2, vm9;
	vm2 =	vlt.s32 v41, v2;
	(xrf2) =	vadd.scan.msk.f32 $0xffff, v50;
	v57 =	vld [tilespmem:s26+$0xFFFFFFE0]  }
0x153: {  	[tilespmem:v31+s14+$0x0] =	vst.idx.add.f32.msk vm12, v23;
	v31 =	vsel vm10, $0x0, v54;
	v23 =	vperm.xlane v51, v19;
	v50 =	vadd.s32 $0xC38, v15  }
0x154: {  	v47 =	vsub.f32 v34, v42;
	vm13 =	vmand vm13, vm2;
	vm2 =	vmor vm14, vm0  }
0x155: {  	(xrf0) =	vmax.scan.msk.u32 $0xffff, v55;
	v54 =	vld [tilespmem:$0x1FFB0];
	vm14 =	vmand vm5, vm4;
	vm5 =	vgt.s32 v41, $0x0;
	vm4 =	vlt.s32 v62, v2  }
0x156: {  	v59 =	vld [tilespmem:s30+$0x0];
	v30 =	vsel vm2, $0x1, v8;
	vm2 =	vgt.s32 v45, $0x0;
	v56 =	vnsel vm5, $0x0, v41  }
0x157: {  	v46 =	vperm.xlane v30, v9;
	v30 =	vnsel vm2, $0x0, v45;
	vm6 =	vnez.u8 v63  }
0x158: {  	v37, _, _ =	vpop (xrf2);
	(xrf2) =	vadd.scan.msk.f32 $0xffff, v39;
	v23 =	vnsel vm6, $0x0, v23;
	v39 =	vmin.u32 v56, $0xC37;
	v60 =	vmul.f32 v57, v31  }
0x159: {  	vm2 =	veq.s32 v46, $0x1;
	v48 =	vsub.f32 v51, v23;
	v23 =	vimm.s32 $0x0  }
0x15a: {  	v52 =	vperm.xlane v37, v12;
	vm10 =	vnez.u8 v54;
	vm15 =	vmor vm2, vm9;
	(xrf2) =	vadd.scan.msk.f32 $0xffff, v60;
	v60 =	vld [tilespmem:$0x1FF10]  }
0x15b: {  	v49, _, _ =	vpop (xrf0);
	vm2 =	vne.s32 v53, v58;
	v23 =	vsel vm8, $0xFFFFFFFF, v23;
	v35 =	vmul.f32 v59, v16  }
0x15c: {  	v16 =	vmovc v28;
	v28 =	vnsel vm3, $0x0, v62;
	v53 =	vadd.s32 $0x7FFFFFFF, v49;
	v58 =	vnsel vm1, $0x80000000, v7  }
0x15d: {  	vm1 =	vgt.s32 v62, $0xFFFFFFFF;
	v32 =	vnsel vm2, $0x80000000, v7;
	[tilespmem:$0x1FF50] =	vst v23;
	v51, _, _ =	vpop (xrf2);
	(xrf2) =	vadd.scan.msk.f32 $0xffff, v38  }
0x15e: {  	v56 =	vld [tilespmem:$0x1FF30];
	v23 =	vmin.u32 v25, $0xC37;
	vm2 =	vmor vm2, vm0;
	vm3 =	vgt.s32 v53, $0x0;
	(xrf2) =	vadd.scan.msk.f32 $0xffff, v35  }
0x15f: {  	vm1 =	vmand vm1, vm4;
	v28 =	vmin.u32 v28, $0xC37;
	(xrf0) =	vmax.scan.msk.u32 $0xffff, v32;
	vm0 =	vnez.u8 v60  }
0x160: {  	v61 =	vld [tilespmem:$0x1FF20];
	vm4 =	vmand vm13, vm15;
	vm13 =	vmmov vm10;
	v55 =	vsel vm2, $0x1, v8  }
0x161: {  	vm15 =	vmmov vm6;
	v34 =	vperm.xlane v55, v9;
	v55 =	vimm.s32 $0x0;
	[tilespmem:v29+s14+$0x0] =	vst.idx.add.f32.msk vm10, v48  }
0x162: {  	v38 =	vnsel vm3, $0x0, v53;
	vm3 =	vgt.u32 v49, $0x80000000;
	v25 =	vperm.xlane v51, v30;
	v57 =	vld [tilespmem:s30+$0x10]  }
0x163: {  	vm2 =	veq.s32 v34, $0x1;
	v34 =	vsel vm13, $0xFFFFFFFF, v55;
	vm10 =	vnez.u8 v56  }
0x164: {  	vm2 =	vmor vm2, vm9;
	v60 =	vimm.s32 $0x0;
	v25 =	vnsel vm7, $0x0, v25;
	v59, _, _ =	vpop (xrf2)  }
0x165: {  	vm8 =	vmmov vm0;
	v29, _, _ =	vpop (xrf0);
	v32 =	vsub.f32 v51, v25;
	[tilespmem:v50+s14+$0x0] =	vst.idx.add.f32.msk vm0, v47;
	vm0 =	vnez.u8 v61  }
0x166: {  	(xrf0) =	vmax.scan.msk.u32 $0xffff, v58;
	v62 =	vadd.s32 $0x7FFFFFFF, v29;
	v48 =	vperm.xlane v59, v38;
	v63, _, _ =	vpop (xrf2);
	v40 =	vnsel vm0, $0x0, v52  }
0x167: {  	vm5 =	vgt.s32 v62, $0x0;
	[tilespmem:v23+s14+$0x0] =	vst.idx.add.f32.msk vm14, v32;
	v47 =	vmul.f32 v57, v18;
	v51, _, _ =	vpop (xrf2);
	v53 =	vsub.f32 v37, v40  }
0x168: {  	v25 =	vnsel vm5, $0x0, v62;
	vm5 =	vmand vm1, vm2;
	vm1 =	vgt.u32 v29, $0x80000000;
	v43 =	vld [tilespmem:s30+$0xFFFFFFF0];
	v54, _, _ =	vpop (xrf2)  }
0x169: {  	s29 =	sadd.s32 $0x40, s29;
	v29 =	vnsel vm3, $0x0, v48;
	(xrf2) =	vadd.scan.msk.f32 $0xffff, v47;
	[tilespmem:v24+s14+$0x0] =	vst.idx.add.f32.msk vm10, v53;
	v24 =	vperm.xlane v54, v21  }
0x16a: {  	vm2 =	veq.s32 v33, $0x1;
	v49 =	vperm.xlane v63, v25;
	v50 =	vld [tilespmem:s29+$0x10];
	v29 =	vsub.f32 v59, v29  }
0x16b: {  	vm2 =	vmor vm2, vm9;
	v57 =	vadd.s32 $0x1870, v22;
	v59 =	vld [tilespmem:s30+$0xFFFFFFE0];
	v24 =	vnsel vm11, $0x0, v24  }
0x16c: {  	vm13 =	vmmov vm0;
	vm0 =	vmmov vm14;
	v33 =	vsub.f32 v54, v24;
	v24 =	vld [tilespmem:$0x1FF40]  }
0x16d: {  	[tilespmem:$0x1FFA0] =	vst v34;
	vm9 =	vmmov vm7;
	vm14 =	vmmov vm10;
	v58, _, _ =	vpop (xrf0);
	v37 =	vsel vm0, $0xFFFFFFFF, v60  }
0x16e: {  	s31 =	sadd.s32 $0x4, s31;
	[tilespmem:v39+s14+$0x0] =	vst.idx.add.f32.msk vm4, v29;
	v61 =	vadd.s32 $0x7FFFFFFF, v58;
	v52 =	vmul.f32 v43, v17;
	v17 =	vmovc v26;
	v26 =	vnsel vm1, $0x0, v49  }
0x16f: {  	p1 =	slt.u32 s31, $0x1FC;
	v18 =	vmovc v36;
	[tilespmem:$0x1FFB0] =	vst v37;
	v62 =	vld [tilespmem:s29+$0x0];
	vm6 =	vgt.s32 v61, $0x0;
	vm10 =	vmmov vm5;
	v26 =	vsub.f32 v63, v26  }
.Ltmp7:
0x170: {  	v32 =	vmul.f32 v50, v18;
	v29 =	vnsel vm6, $0x0, v61;
	vm6 =	vmmov vm3;
	(xrf2) =	vadd.scan.msk.f32 $0xffff, v52;
	(pc) =	sbr.rel @p1 .LBB2_7-.Ltmp7, $4  }
0x171: {  	[tilespmem:v28+s14+$0x0] =	vst.idx.add.f32.msk vm5, v26;
	v26 =	vperm.xlane v51, v29;
	v63 =	vmul.f32 v59, v20;
	vm0 =	vnez.u8 v24  }
0x172: {  	v22 =	vmovc v39;
	v21 =	vmovc v38;
	[tilespmem:v57+s14+$0x0] =	vst.idx.add.f32.msk vm12, v33;
	vm12 =	vmmov vm4;
	vm0 =	vmand vm0, vm2;
	vm2 =	vgt.u32 v58, $0x80000000  }
0x173: {  	s6 =	sadd.s32 $0x40, s6;
	v20 =	vmov v31;
	v24 =	vmin.u32 v27, $0xC37;
	v27, _, _ =	vpop (xrf2);
	(xrf2) =	vadd.scan.msk.f32 $0xffff, v63;
	v31 =	vnsel vm2, $0x0, v26  }
0x174: {  	s0 =	sadd.s32 $0x40, s0;
	s17 =	sadd.s32 $0x40, s17;
	s30 =	sadd.s32 $0x40, s30;
	v33 =	vld [tilespmem:s29+$0xFFFFFFE0];
	v26 =	vperm.xlane v27, v19;
	v19 =	vmovc v30;
	v30 =	vmul.f32 v62, v16;
	v31 =	vsub.f32 v51, v31  }
0x175: {  	_ =	sdelay $0x4  }
0x176: {  	[tilespmem:v24+s14+$0x0] =	vst.idx.add.f32.msk vm0, v31  }
0x177: {  	v10 =	vld [tilespmem:s29+$0xFFFFFFF0];
	_ =	sdelay $0x2  }
0x178: {  	(xrf2) =	vadd.scan.msk.f32 $0xffff, v30;
	_ =	sdelay $0x1  }
0x179: {  	v10 =	vmul.f32 v10, v17  }
0x17a: {  	(xrf2) =	vadd.scan.msk.f32 $0xffff, v32  }
0x17b: {  	(xrf2) =	vadd.scan.msk.f32 $0xffff, v10;
	v10 =	vmul.f32 v33, v20;
	_ =	sdelay $0x3  }
0x17c: {  	(xrf2) =	vadd.scan.msk.f32 $0xffff, v10;
	v10, _, _ =	vpop (xrf2)  }
0x17d: {  	v59, _, _ =	vpop (xrf2)  }
0x17e: {  	v60, _, _ =	vpop (xrf2)  }
0x17f: {  	v62 =	vadd.s32 $0xC38, v22;
	v61 =	vperm.xlane v60, v21;
	_ =	sdelay $0x1  }
0x180: {  	v32 =	vnsel vm6, $0x0, v61  }
0x181: {  	v31 =	vsub.f32 v60, v32;
	_ =	sdelay $0x1  }
0x182: {  	[tilespmem:v62+s14+$0x0] =	vst.idx.add.f32.msk vm12, v31  }
0x183: {  	v33 =	vld [tilespmem:$0x1FFB0];
	_ =	sdelay $0x1  }
0x184: {  	v34, _, _ =	vpop (xrf2)  }
0x185: {  	v35 =	vadd.s32 $0xC38, v23;
	vm3 =	vmmov vm0;
	v37, _, _ =	vpop (xrf2)  }
0x186: {  	v38 =	vadd.s32 $0xC38, v24;
	v40 =	vadd.s32 $0xC38, v28;
	v63 =	vperm.xlane v37, v29;
	v39, _, _ =	vpop (xrf2)  }
0x187: {  	vm0 =	vmmov vm2;
	v41 =	vperm.xlane v39, v25;
	vm7 =	vnez.u8 v33  }
0x188: {  	vm1 =	vmmov vm1;
	v36 =	vperm.xlane v34, v19;
	v32 =	vnsel vm0, $0x0, v63  }
0x189: {  	v32 =	vsub.f32 v37, v32;
	v43 =	vnsel vm1, $0x0, v41  }
0x18a: {  	v36 =	vnsel vm9, $0x0, v36;
	v42 =	vld [tilespmem:s30+$0x0];
	v31 =	vsub.f32 v39, v43  }
0x18b: {  	v34 =	vsub.f32 v34, v36;
	[tilespmem:v38+s14+$0x0] =	vst.idx.add.f32.msk vm3, v32  }
0x18c: {  	[tilespmem:v40+s14+$0x0] =	vst.idx.add.f32.msk vm10, v31  }
0x18d: {  	[tilespmem:v35+s14+$0x0] =	vst.idx.add.f32.msk vm7, v34  }
0x18e: {  	v44 =	vld [tilespmem:s30+$0x10]  }
0x18f: {  	v49 =	vld [tilespmem:$0x1FF50]  }
0x190: {  	v45 =	vld [tilespmem:s30+$0xFFFFFFF0];
	_ =	sdelay $0x1  }
0x191: {  	v31 =	vld [tilespmem:s30+$0xFFFFFFE0]  }
0x192: {  	v15 =	vadd.s32 $0x1870, v15;
	v14 =	vperm.xlane v10, v14;
	v16 =	vmul.f32 v42, v16  }
0x193: {  	v46 =	vmul.f32 v44, v18;
	vm5 =	vnez.u8 v49  }
0x194: {  	(xrf2) =	vadd.scan.msk.f32 $0xffff, v16;
	v47 =	vmul.f32 v45, v17;
	v14 =	vnsel vm5, $0x0, v14  }
0x195: {  	(xrf2) =	vadd.scan.msk.f32 $0xffff, v46;
	v10 =	vsub.f32 v10, v14  }
0x196: {  	v48 =	vmul.f32 v31, v20;
	(xrf2) =	vadd.scan.msk.f32 $0xffff, v47  }
0x197: {  	[tilespmem:v15+s14+$0x0] =	vst.idx.add.f32.msk vm8, v10  }
0x198: {  	(xrf2) =	vadd.scan.msk.f32 $0xffff, v48;
	v60 =	vld [tilespmem:$0x1FFA0];
	_ =	sdelay $0x2  }
0x199: {  	v12 =	vperm.xlane v59, v12  }
0x19a: {  	vm13 =	vmmov vm13  }
0x19b: {  	v12 =	vnsel vm13, $0x0, v12;
	vm13 =	vnez.u8 v60  }
0x19c: {  	v13 =	vadd.s32 $0x1870, v13;
	v11 =	vadd.s32 $0x1870, v11;
	v53 =	vadd.s32 $0x1870, v22;
	v50, _, _ =	vpop (xrf2)  }
0x19d: {  	vm11 =	vmmov vm9;
	v57 =	vadd.s32 $0x1870, v24;
	v58 =	vadd.s32 $0x1870, v23;
	v54, _, _ =	vpop (xrf2)  }
0x19e: {  	v51 =	vnsel vm15, $0x0, v26;
	vm3 =	vmmov vm3;
	v52 =	vperm.xlane v50, v21;
	v55, _, _ =	vpop (xrf2)  }
0x19f: {  	v12 =	vsub.f32 v59, v12;
	v16 =	vsub.f32 v27, v51;
	v56 =	vperm.xlane v55, v29  }
0x1a0: {  	v61 =	vadd.s32 $0x1870, v28;
	v17 =	vnsel vm6, $0x0, v52;
	v10 =	vperm.xlane v54, v19;
	v59, _, _ =	vpop (xrf2)  }
0x1a1: {  	v14 =	vsub.f32 v50, v17;
	v62 =	vperm.xlane v59, v25;
	[tilespmem:v11+s14+$0x0] =	vst.idx.add.f32.msk vm13, v16;
	v11 =	vnsel vm0, $0x0, v56  }
.Ltmp8:
0x1a2: {  	vm15 =	vmmov vm1;
	[tilespmem:v13+s14+$0x0] =	vst.idx.add.f32.msk vm14, v12;
	v10 =	vnsel vm11, $0x0, v10;
	v11 =	vsub.f32 v55, v11;
	(pc) =	sbr.rel @p0 .LBB2_12-.Ltmp8, $4  }
0x1a3: {  	[tilespmem:v53+s14+$0x0] =	vst.idx.add.f32.msk vm12, v14;
	v10 =	vsub.f32 v54, v10;
	v63 =	vnsel vm15, $0x0, v62  }
0x1a4: {  	[tilespmem:v57+s14+$0x0] =	vst.idx.add.f32.msk vm3, v11;
	v11 =	vsub.f32 v59, v63  }
0x1a5: {  	vm4 =	vmmov vm8;
	[tilespmem:v58+s14+$0x0] =	vst.idx.add.f32.msk vm7, v10  }
0x1a6: {  	vm4 =	vmmov vm10;
	vm5 =	vmmov vm7;
	[tilespmem:v61+s14+$0x0] =	vst.idx.add.f32.msk vm10, v11  }
0x1a7: {  	s0 =	sadd.s32 $0x2, s28  }
0x1a8: {  	p0 =	sge.s32 s0, s21  }
0x1a9: {  	s0 =	sshll.u32 @!p0 s0, $0xD  }
0x1aa: {  	s0 =	sadd.s32 @!p0 s20, s0  }
0x1ab: {  	p1 =	slt.s32 @!p0 s0, $0x30B400  }
0x1ac: {  	p1 =	por !p1, p0  }
0x1ad: {  	s0 =	simm.s32 @p1 $0x30B400  }
0x1ae: {  	s0 =	sshrl.u32 @!p0 s0, $0x3  }
0x1af: {  	s9 =	simm.s32 @!p0 $0x0;
	s6 =	sadd.s32 @!p0 s1, s0  }
0x1b0: {  	[tilespmem:s9], [sflag:$0x1] =	stream.linear.gather @!p0 [hbm4b:s6+s9], $0x2000, $0x38;
	[tilespmem:$0x16580] =	vst v63  }
0x1b1: {  	s10 =	simm.s32 @!p0 $0x2000;
	s6 =	sadd.s32 @!p0 s2, s0  }
0x1b2: {  	[tilespmem:s10], [sflag:$0x1] =	stream.linear.gather @!p0 [hbm4b:s6+s9], $0x2000, $0x38;
	[tilespmem:$0x16580] =	vst v63  }
0x1b3: {  	s6 =	sadd.s32 @!p0 s3, s0;
	s10 =	simm.s32 @!p0 $0x4000  }
0x1b4: {  	[tilespmem:s10], [sflag:$0x1] =	stream.linear.gather @!p0 [hbm4b:s6+s9], $0x2000, $0x38;
	[tilespmem:$0x16580] =	vst v63  }
0x1b5: {  	s6 =	sadd.s32 @!p0 s4, s0;
	s10 =	simm.s32 @!p0 $0x6000  }
0x1b6: {  	[tilespmem:s10], [sflag:$0x1] =	stream.linear.gather @!p0 [hbm4b:s6+s9], $0x2000, $0x38;
	[tilespmem:$0x16580] =	vst v63  }
0x1b7: {  	s0 =	sadd.s32 @!p0 s5, s0;
	s6 =	simm.s32 @!p0 $0x8000  }
0x1b8: {  	[tilespmem:s6], [sflag:$0x1] =	stream.linear.gather @!p0 [hbm4b:s0+s9], $0x2000, $0x38;
	[tilespmem:$0x16580] =	vst v63  }
0x1b9: {  	_ =	swait.ge [sflag:s15], $0x2000  }
0x1ba: {  	[sflag:s15] =	ssyncset.done $0x0  }
0x1bb: {  	[sflag:s15] =	ssyncadd.s32 $0xFFFFE000  }
0x1bc: {  	_ =	swait.ge [sflag:s15], $0x2000  }
0x1bd: {  	[sflag:s15] =	ssyncset.done $0x0  }
0x1be: {  	[sflag:s15] =	ssyncadd.s32 $0xFFFFE000  }
0x1bf: {  	_ =	swait.ge [sflag:s15], $0x2000  }
0x1c0: {  	[sflag:s15] =	ssyncset.done $0x0  }
0x1c1: {  	[sflag:s15] =	ssyncadd.s32 $0xFFFFE000  }
0x1c2: {  	_ =	swait.ge [sflag:s15], $0x2000  }
0x1c3: {  	[sflag:s15] =	ssyncset.done $0x0  }
0x1c4: {  	[sflag:s15] =	ssyncadd.s32 $0xFFFFE000  }
0x1c5: {  	_ =	swait.ge [sflag:s15], $0x2000  }
0x1c6: {  	s18 =	sshll.u32 s25, $0xD;
	[sflag:s15] =	ssyncset.done $0x0  }
0x1c7: {  	s0 =	sadd.s32 s20, s18;
	s6 =	simm.s32 $0xA020;
	[sflag:s15] =	ssyncadd.s32 $0xFFFFE000  }
0x1c8: {  	s25 =	simm.s32 $0x12020;
	p0 =	slt.s32 s0, $0x30B400;
	s9 =	smov.u32 s0;
	v11 =	vld [tilespmem:s6+$0x0]  }
0x1c9: {  	s9 =	simm.s32 @!p0 $0x30B400;
	v12 =	vld [tilespmem:s25+$0xFFFFFFF0]  }
0x1ca: {  	s30 =	simm.s32 $0x20;
	s0 =	ssub.s32 s0, s9;
	v13 =	vld [tilespmem:s25+$0x10]  }
0x1cb: {  	v15 =	vor.u32 s30, v3;
	v10 =	vmov s0;
	v14 =	vld [tilespmem:s6+$0xFFFFFFF0]  }
0x1cc: {  	vm0 =	vlt.s32 v15, v10;
	v15 =	vld [tilespmem:s25+$0x0]  }
0x1cd: {  	v23 =	vld [tilespmem:s25+$0xFFFFFFE0]  }
0x1ce: {  	s26 =	simm.s32 $0x0;
	s17 =	simm.s32 $0x30;
	vm10 =	vcmask $0x3F3C;
	s18 =	simm.s32 $0x10;
	v25 =	vld [tilespmem:s6+$0xFFFFFFE0]  }
0x1cf: {  	v16 =	vor.u32 s17, v3;
	v17 =	vor.u32 s26, v3;
	v18 =	vor.u32 s18, v3  }
0x1d0: {  	s31 =	simm.s32 $0xC020;
	vm2 =	vlt.s32 v17, v10;
	vm4 =	vlt.s32 v16, v10;
	v21 =	vsel vm0, $0x0, v11  }
0x1d1: {  	v19 =	vld [tilespmem:s31+$0x10];
	vm0 =	vlt.s32 v18, v10;
	v16 =	vsub.s32 v12, v0;
	v18 =	vperm.xlane v13, v6  }
0x1d2: {  	v11 =	vld [tilespmem:s6+$0x10];
	v17 =	vperm.xlane v12, v6;
	v20 =	vsub.s32 v15, v0;
	v28 =	vperm.xlane v23, v6  }
0x1d3: {  	v27 =	vsel vm2, $0x0, v25;
	v24 =	vsel vm0, $0x0, v14;
	vm7 =	vne.s32 v13, v18;
	v18 =	vld [tilespmem:$0x1FFF0]  }
0x1d4: {  	vm0 =	vlt.s32 v16, v2;
	vm6 =	vgt.s32 v16, $0xFFFFFFFF;
	v14 =	vsub.s32 v13, v0  }
0x1d5: {  	vm8 =	vgt.s32 v16, $0x0;
	vm1 =	vne.s32 v12, v17;
	v13 =	vperm.xlane v15, v6  }
0x1d6: {  	vm5 =	vgt.s32 v14, $0xFFFFFFFF;
	vm3 =	vgt.s32 v14, $0x0;
	v17 =	vnsel vm7, $0x80000000, v7  }
0x1d7: {  	v12 =	vld [tilespmem:s31+$0xFFFFFFF0];
	vm0 =	vmand vm6, vm0;
	v16 =	vnsel vm8, $0x0, v16;
	(xrf0) =	vmax.scan.msk.u32 $0xffff, v17;
	v22 =	vsel vm4, $0x0, v11  }
0x1d8: {  	vm6 =	vlt.s32 v20, v2;
	v17 =	vmul.f32 v19, v22;
	vm15 =	vnez.u8 v18  }
0x1d9: {  	v25 =	vnsel vm1, $0x80000000, v7;
	vm8 =	vne.s32 v15, v13;
	v18 =	vld [tilespmem:s31+$0x0];
	vm7 =	vmor vm7, vm15  }
0x1da: {  	v15 =	vnsel vm8, $0x80000000, v7;
	vm4 =	vmor vm1, vm15;
	(xrf2) =	vadd.scan.msk.f32 $0xffff, v17;
	v11 =	vsel vm7, $0x1, v8  }
0x1db: {  	v19 =	vsel vm4, $0x1, v8;
	vm4 =	vgt.s32 v20, $0xFFFFFFFF;
	v11 =	vperm.xlane v11, v9  }
0x1dc: {  	v12 =	vmul.f32 v12, v24;
	vm7 =	vlt.s32 v14, v2;
	vm4 =	vmand vm4, vm6  }
0x1dd: {  	vm6 =	vmor vm8, vm15;
	v13, _, _ =	vpop (xrf0);
	(xrf0) =	vmax.scan.msk.u32 $0xffff, v15;
	v15 =	vperm.xlane v19, v9;
	vm9 =	veq.s32 v11, $0x1;
	v11 =	vld [tilespmem:s31+$0xFFFFFFE0]  }
0x1de: {  	vm8 =	vgt.s32 v20, $0x0;
	v17 =	vsel vm6, $0x1, v8;
	v18 =	vmul.f32 v18, v21  }
0x1df: {  	v26 =	vadd.s32 $0x7FFFFFFF, v13;
	vm6 =	vmand vm5, vm7;
	v17 =	vperm.xlane v17, v9  }
0x1e0: {  	vm7 =	vne.s32 v23, v28;
	v20 =	vnsel vm8, $0x0, v20;
	vm2 =	vgt.s32 v26, $0x0;
	(xrf2) =	vadd.scan.msk.f32 $0xffff, v18  }
0x1e1: {  	v26 =	vnsel vm2, $0x0, v26;
	vm2 =	veq.s32 v17, $0x1;
	v17 =	vnsel vm7, $0x80000000, v7  }
0x1e2: {  	vm9 =	vmor vm9, vm10;
	vm5 =	vmor vm2, vm10;
	(xrf0) =	vmax.scan.msk.u32 $0xffff, v17;
	v11 =	vmul.f32 v11, v27  }
0x1e3: {  	v28 =	vmin.u32 v20, $0xC37;
	vm2 =	vmand vm6, vm9;
	vm4 =	vmand vm4, vm5  }
0x1e4: {  	v17, _, _ =	vpop (xrf2);
	(xrf2) =	vadd.scan.msk.f32 $0xffff, v11;
	v11 =	vnsel vm3, $0x0, v14;
	v14 =	vsub.s32 v23, v0;
	vm3 =	vgt.u32 v13, $0x80000000  }
0x1e5: {  	v18, _, _ =	vpop (xrf0);
	v13 =	vperm.xlane v17, v26;
	vm6 =	vgt.s32 v14, $0x0;
	v11 =	vmin.u32 v11, $0xC37;
	(xrf2) =	vadd.scan.msk.f32 $0xffff, v12  }
0x1e6: {  	(xrf0) =	vmax.scan.msk.u32 $0xffff, v25;
	v12 =	vadd.s32 $0x7FFFFFFF, v18;
	v19 =	vnsel vm6, $0x0, v14;
	vm6 =	vmor vm7, vm15  }
0x1e7: {  	vm9 =	vlt.s32 v14, v2;
	vm1 =	vgt.s32 v12, $0x0;
	v23 =	vsel vm6, $0x1, v8  }
0x1e8: {  	v29 =	vnsel vm1, $0x0, v12;
	vm6 =	vgt.s32 v14, $0xFFFFFFFF;
	v14, _, _ =	vpop (xrf0);
	v23 =	vperm.xlane v23, v9  }
0x1e9: {  	v12 =	vnsel vm3, $0x0, v13;
	vm1 =	vgt.u32 v18, $0x80000000;
	v13 =	vadd.s32 $0x7FFFFFFF, v14  }
0x1ea: {  	v17 =	vsub.f32 v17, v12;
	vm6 =	vmand vm6, vm9;
	v18, _, _ =	vpop (xrf2);
	vm7 =	veq.s32 v23, $0x1  }
0x1eb: {  	vm8 =	vgt.s32 v13, $0x0;
	v23 =	vperm.xlane v18, v29;
	vm7 =	vmor vm7, vm10  }
0x1ec: {  	vm5 =	vgt.u32 v14, $0x80000000;
	v25, _, _ =	vpop (xrf0);
	v12 =	vnsel vm8, $0x0, v13;
	vm6 =	vmand vm6, vm7  }
0x1ed: {  	v14 =	vnsel vm1, $0x0, v23;
	vm7 =	veq.s32 v15, $0x1;
	v15 =	vadd.s32 $0x7FFFFFFF, v25  }
0x1ee: {  	v13 =	vmin.u32 v19, $0xC37;
	[tilespmem:v11+s14+$0x0] =	vst.idx.add.f32.msk vm2, v17;
	v17 =	vsub.f32 v18, v14;
	vm8 =	vgt.s32 v15, $0x0;
	v20, _, _ =	vpop (xrf2)  }
0x1ef: {  	s0 =	simm.s32 $0xE020;
	vm7 =	vmor vm7, vm10;
	v14 =	vnsel vm8, $0x0, v15;
	v19 =	vperm.xlane v20, v12;
	v23, _, _ =	vpop (xrf2)  }
0x1f0: {  	v18 =	vld [tilespmem:s0+$0x10];
	vm7 =	vmand vm0, vm7;
	v15 =	vmin.u32 v16, $0xC37;
	v16 =	vperm.xlane v23, v14  }
0x1f1: {  	vm0 =	vgt.u32 v25, $0x80000000;
	[tilespmem:v28+s14+$0x0] =	vst.idx.add.f32.msk vm4, v17;
	v19 =	vnsel vm5, $0x0, v19  }
0x1f2: {  	s6 =	simm.s32 $0xA060;
	v17 =	vld [tilespmem:s0+$0x0];
	v19 =	vsub.f32 v20, v19;
	v16 =	vnsel vm0, $0x0, v16  }
0x1f3: {  	vm2 =	vmmov vm2;
	v20 =	vld [tilespmem:s6+$0x0];
	v16 =	vsub.f32 v23, v16;
	v23 =	vimm.s32 $0x0  }
0x1f4: {  	[tilespmem:v13+s14+$0x0] =	vst.idx.add.f32.msk vm6, v19;
	v23 =	vsel vm2, $0xFFFFFFFF, v23  }
0x1f5: {  	v19 =	vld [tilespmem:s0+$0xFFFFFFE0];
	[tilespmem:$0x1FEC0] =	vst v23  }
0x1f6: {  	vm13 =	vmmov vm1;
	vm1 =	vmmov vm6;
	[tilespmem:v15+s14+$0x0] =	vst.idx.add.f32.msk vm7, v16;
	v16 =	vimm.s32 $0x0  }
0x1f7: {  	v16 =	vsel vm1, $0xFFFFFFFF, v16  }
0x1f8: {  	[tilespmem:$0x1FEE0] =	vst v16;
	v16 =	vmul.f32 v17, v21  }
0x1f9: {  	s31 =	simm.s32 $0x12060;
	v23 =	vld [tilespmem:s0+$0xFFFFFFF0]  }
0x1fa: {  	v52 =	vimm.s32 $0x0;
	s30 =	simm.s32 $0x50;
	s25 =	simm.s32 $0x70;
	v25 =	vld [tilespmem:s31+$0xFFFFFFF0];
	(xrf2) =	vadd.scan.msk.f32 $0xffff, v16  }
0x1fb: {  	v32 =	vor.u32 s30, v3;
	v30 =	vor.u32 s25, v3;
	vm12 =	vmmov vm4;
	v31 =	vld [tilespmem:s6+$0xFFFFFFF0]  }
0x1fc: {  	s18 =	simm.s32 $0x60;
	vm11 =	vmmov vm3;
	vm8 =	vmmov vm5;
	vm9 =	vmmov vm0;
	v33 =	vld [tilespmem:s31+$0x10]  }
0x1fd: {  	s26 =	simm.s32 $0x40;
	v18 =	vmul.f32 v18, v22;
	vm0 =	vlt.s32 v30, v10;
	v17 =	vor.u32 s18, v3  }
0x1fe: {  	s25 =	simm.s32 $0xC060;
	vm1 =	vlt.s32 v17, v10;
	v35 =	vld [tilespmem:s31+$0x0];
	v19 =	vmul.f32 v19, v27;
	v16 =	vor.u32 s26, v3  }
0x1ff: {  	v59 =	vld [tilespmem:s25+$0x0];
	vm3 =	vlt.s32 v16, v10;
	v16 =	vsel vm1, $0x0, v20;
	vm1 =	vlt.s32 v32, v10  }
0x200: {  	v20 =	vmul.f32 v23, v24;
	v23 =	vadd.s32 $0xC38, v28;
	v55 =	vsub.s32 v25, v0  }
0x201: {  	v36 =	vperm.xlane v25, v6;
	v17 =	vsel vm1, $0x0, v31;
	v37 =	vperm.xlane v33, v6  }
0x202: {  	(xrf2) =	vadd.scan.msk.f32 $0xffff, v18;
	v38 =	vsub.s32 v33, v0;
	vm2 =	vlt.s32 v55, v2;
	vm5 =	vgt.s32 v55, $0xFFFFFFFF  }
0x203: {  	v31 =	vld [tilespmem:s6+$0x10];
	v42 =	vsub.s32 v35, v0;
	(xrf2) =	vadd.scan.msk.f32 $0xffff, v20;
	vm2 =	vmand vm5, vm2;
	v20 =	vimm.s32 $0x0  }
0x204: {  	v40 =	vld [tilespmem:s25+$0x10];
	v44 =	vmul.f32 v59, v16;
	vm1 =	vne.s32 v25, v36;
	v20 =	vsel vm2, $0xFFFFFFFF, v20;
	v41, _, _ =	vpop (xrf2)  }
0x205: {  	v57 =	vld [tilespmem:s25+$0xFFFFFFF0];
	v25 =	vperm.xlane v35, v6;
	vm4 =	vne.s32 v33, v37;
	[tilespmem:$0x1FEF0] =	vst v20;
	v20 =	vperm.xlane v41, v29  }
0x206: {  	vm6 =	vmor vm1, vm15;
	v33 =	vnsel vm4, $0x80000000, v7;
	vm4 =	vmor vm4, vm15;
	v60 =	vld [tilespmem:s6+$0xFFFFFFE0]  }
0x207: {  	vm2 =	vgt.s32 v42, $0xFFFFFFFF;
	v56 =	vsel vm6, $0x1, v8;
	v61 =	vld [tilespmem:s25+$0xFFFFFFE0];
	v20 =	vnsel vm13, $0x0, v20  }
0x208: {  	v18 =	vsel vm0, $0x0, v31;
	vm0 =	vgt.s32 v55, $0x0;
	v20 =	vsub.f32 v41, v20  }
0x209: {  	(xrf2) =	vadd.scan.msk.f32 $0xffff, v19;
	v31 =	vnsel vm0, $0x0, v55;
	vm0 =	vlt.s32 v42, v2;
	v40 =	vmul.f32 v40, v18  }
0x20a: {  	(xrf0) =	vmax.scan.msk.u32 $0xffff, v33;
	vm0 =	vmand vm2, vm0;
	vm2 =	vne.s32 v35, v25;
	[tilespmem:v23+s14+$0x0] =	vst.idx.add.f32.msk vm12, v20  }
0x20b: {  	v36 =	vperm.xlane v56, v9;
	v25 =	vnsel vm2, $0x80000000, v7;
	(xrf2) =	vadd.scan.msk.f32 $0xffff, v40;
	v20 =	vsel vm3, $0x0, v60;
	v56 =	vld [tilespmem:$0x1FEC0]  }
0x20c: {  	v34 =	vadd.s32 $0xC38, v11;
	v39 =	vsel vm4, $0x1, v8;
	v47, _, _ =	vpop (xrf2);
	(xrf0) =	vmax.scan.msk.u32 $0xffff, v25;
	v25 =	vmul.f32 v61, v20  }
0x20d: {  	vm7 =	vmmov vm7;
	v37 =	vmul.f32 v57, v17;
	v58 =	vperm.xlane v39, v9;
	v43 =	vld [tilespmem:s31+$0xFFFFFFE0];
	(xrf2) =	vadd.scan.msk.f32 $0xffff, v44;
	v49, _, _ =	vpop (xrf2)  }
0x20e: {  	vm6 =	vgt.s32 v38, $0xFFFFFFFF;
	vm4 =	vgt.s32 v38, $0x0;
	(xrf2) =	vadd.scan.msk.f32 $0xffff, v25;
	v25 =	vperm.xlane v49, v14  }
0x20f: {  	v48 =	vnsel vm4, $0x0, v38;
	v55 =	vadd.s32 $0xC38, v15;
	vm5 =	veq.s32 v58, $0x1  }
0x210: {  	s31 =	simm.s32 $0x10020;
	(xrf2) =	vadd.scan.msk.f32 $0xffff, v37;
	v37 =	vsel vm9, $0xFFFFFFFF, v52;
	v53 =	vnsel vm9, $0x0, v25;
	vm9 =	vnez.u8 v56  }
0x211: {  	v58 =	vnsel vm1, $0x80000000, v7;
	vm2 =	vmor vm2, vm15;
	v50 =	vperm.xlane v47, v26;
	v63, _, _ =	vpop (xrf0);
	v23 =	vld [tilespmem:s31+$0x0]  }
0x212: {  	v62 =	vsel vm2, $0x1, v8;
	v45 =	vperm.xlane v43, v6;
	v19 =	vadd.s32 $0x7FFFFFFF, v63  }
0x213: {  	vm2 =	vlt.s32 v38, v2;
	v39 =	vnsel vm11, $0x0, v50;
	vm3 =	vgt.s32 v19, $0x0  }
0x214: {  	v35 =	vsub.f32 v47, v39;
	v19 =	vnsel vm3, $0x0, v19;
	vm3 =	vne.s32 v43, v45  }
0x215: {  	vm2 =	vmand vm6, vm2;
	vm6 =	vmor vm5, vm10;
	v51 =	vnsel vm3, $0x80000000, v7;
	[tilespmem:$0x1FEB0] =	vst v37  }
0x216: {  	v46 =	vperm.xlane v62, v9;
	v60, _, _ =	vpop (xrf2);
	(xrf0) =	vmax.scan.msk.u32 $0xffff, v51;
	v21 =	vmul.f32 v23, v21;
	[tilespmem:v34+s14+$0x0] =	vst.idx.add.f32.msk vm9, v35  }
0x217: {  	vm14 =	vmand vm2, vm6;
	v23 =	vsub.s32 v43, v0;
	v61, _, _ =	vpop (xrf2);
	v37 =	vsub.f32 v49, v53;
	v34 =	vld [tilespmem:s31+$0x10]  }
0x218: {  	v54, _, _ =	vpop (xrf0);
	vm2 =	vgt.s32 v23, $0x0;
	vm1 =	vgt.s32 v23, $0xFFFFFFFF;
	v62 =	vperm.xlane v61, v19;
	(xrf2) =	vadd.scan.msk.f32 $0xffff, v21  }
0x219: {  	v41 =	vnsel vm2, $0x0, v23;
	vm2 =	vmor vm3, vm15;
	v21 =	vadd.s32 $0x7FFFFFFF, v54  }
0x21a: {  	vm3 =	vgt.u32 v63, $0x80000000;
	v25 =	vsel vm2, $0x1, v8;
	vm2 =	vgt.s32 v21, $0x0  }
0x21b: {  	v21 =	vnsel vm2, $0x0, v21;
	vm2 =	vlt.s32 v23, v2;
	v23 =	vmin.u32 v48, $0xC37  }
0x21c: {  	v59, _, _ =	vpop (xrf0);
	v32 =	vnsel vm3, $0x0, v62;
	v34 =	vmul.f32 v34, v22;
	v22 =	vimm.s32 $0x0  }
0x21d: {  	(xrf0) =	vmax.scan.msk.u32 $0xffff, v58;
	v44 =	vperm.xlane v25, v9;
	v25 =	vadd.s32 $0x7FFFFFFF, v59;
	v22 =	vsel vm7, $0xFFFFFFFF, v22  }
0x21e: {  	v32 =	vsub.f32 v61, v32;
	vm1 =	vmand vm1, vm2;
	vm2 =	vgt.s32 v25, $0x0;
	[tilespmem:$0x1FED0] =	vst v22  }
0x21f: {  	vm4 =	veq.s32 v46, $0x1;
	v45, _, _ =	vpop (xrf2);
	v25 =	vnsel vm2, $0x0, v25;
	vm2 =	veq.s32 v44, $0x1;
	[tilespmem:v55+s14+$0x0] =	vst.idx.add.f32.msk vm7, v37  }
0x220: {  	vm5 =	vmor vm4, vm10;
	vm4 =	vgt.s32 v42, $0x0;
	vm2 =	vmor vm2, vm10;
	v48, _, _ =	vpop (xrf2);
	[tilespmem:v23+s14+$0x0] =	vst.idx.add.f32.msk vm14, v32  }
0x221: {  	v57 =	vnsel vm4, $0x0, v42;
	vm4 =	vmand vm1, vm2;
	v46, _, _ =	vpop (xrf2);
	vm1 =	vgt.u32 v59, $0x80000000;
	v59 =	vld [tilespmem:$0x1FEE0]  }
0x222: {  	v50, _, _ =	vpop (xrf2)  }
0x223: {  	v53, _, _ =	vpop (xrf0);
	v29 =	vperm.xlane v50, v29  }
0x224: {  	vm6 =	veq.s32 v36, $0x1;
	vm5 =	vmand vm0, vm5;
	v55 =	vadd.s32 $0x7FFFFFFF, v53  }
0x225: {  	v22 =	vmin.u32 v57, $0xC37;
	v57 =	vnsel vm13, $0x0, v29;
	vm0 =	vgt.s32 v55, $0x0  }
0x226: {  	v29 =	vnsel vm0, $0x0, v55;
	vm0 =	vmor vm6, vm10;
	vm10 =	vnez.u8 v59  }
0x227: {  	v30 =	vadd.s32 $0xC38, v13;
	v63 =	vperm.xlane v60, v12;
	_ =	sdelay $0x1  }
0x228: {  	v49 =	vnsel vm8, $0x0, v63  }
0x229: {  	s26 =	simm.s32 $0xE060;
	v37 =	vsub.f32 v60, v49;
	v51 =	vld [tilespmem:s31+$0xFFFFFFF0]  }
0x22a: {  	v52 =	vperm.xlane v45, v21;
	(xrf2) =	vadd.scan.msk.f32 $0xffff, v34;
	v56 =	vld [tilespmem:s26+$0x10]  }
0x22b: {  	vm2 =	vgt.u32 v54, $0x80000000;
	[tilespmem:v30+s14+$0x0] =	vst.idx.add.f32.msk vm10, v37  }
0x22c: {  	v39 =	vnsel vm2, $0x0, v52;
	v30 =	vld [tilespmem:$0x1FEF0]  }
0x22d: {  	vm15 =	vmmov vm11;
	vm11 =	vmmov vm3;
	v58 =	vsub.f32 v45, v39;
	v61 =	vld [tilespmem:s31+$0xFFFFFFE0]  }
0x22e: {  	v54 =	vperm.xlane v48, v25;
	v60 =	vadd.s32 $0x1870, v28;
	v28 =	vmin.u32 v41, $0xC37  }
0x22f: {  	vm13 =	vmmov vm9;
	vm7 =	vmmov vm14;
	v24 =	vmul.f32 v51, v24;
	[tilespmem:v22+s14+$0x0] =	vst.idx.add.f32.msk vm5, v58  }
0x230: {  	vm9 =	vmmov vm4;
	v62 =	vsub.f32 v50, v57;
	v32 =	vmul.f32 v56, v18;
	v36 =	vld [tilespmem:s26+$0x0]  }
0x231: {  	(xrf2) =	vadd.scan.msk.f32 $0xffff, v24;
	v24 =	vmin.u32 v31, $0xC37;
	vm6 =	vnez.u8 v30;
	v30 =	vnsel vm1, $0x0, v54  }
0x232: {  	v31 =	vperm.xlane v46, v29;
	v63 =	vmul.f32 v61, v27;
	v30 =	vsub.f32 v48, v30  }
0x233: {  	[tilespmem:v60+s14+$0x0] =	vst.idx.add.f32.msk vm12, v62;
	vm0 =	vmand vm6, vm0;
	vm6 =	vmmov vm2;
	vm2 =	vgt.u32 v53, $0x80000000  }
0x234: {  	s29 =	simm.s32 $0x4;
	s28 =	simm.s32 $0x10060;
	vm14 =	vmmov vm10;
	vm12 =	vmmov vm5;
	v27, _, _ =	vpop (xrf2);
	[tilespmem:v28+s14+$0x0] =	vst.idx.add.f32.msk vm4, v30;
	v30 =	vnsel vm2, $0x0, v31  }
0x235: {  	s17 =	simm.s32 $0xA0A0;
	s0 =	simm.s32 $0x120A0;
	s6 =	simm.s32 $0x80;
	v26 =	vperm.xlane v27, v26;
	(xrf2) =	vadd.scan.msk.f32 $0xffff, v63;
	v33 =	vld [tilespmem:s26+$0xFFFFFFE0];
	v31 =	vsub.f32 v46, v30;
	v30 =	vmul.f32 v36, v16  }
.LBB2_10:
0x236: {  	v52 =	vld [tilespmem:$0x1FED0]  }
0x237: {  	v54 =	vld [tilespmem:s0+$0x10]  }
0x238: {  	v34 =	vimm.s32 $0x0;
	v50 =	vimm.s32 $0x0;
	vm4 =	vmmov vm8;
	v48 =	vld [tilespmem:$0x1FFF0]  }
0x239: {  	vm3 =	vmmov vm1;
	v36 =	vimm.s32 $0x0;
	v39 =	vadd.s32 $0x1870, v15;
	[tilespmem:v24+s14+$0x0] =	vst.idx.add.f32.msk vm0, v31  }
0x23a: {  	s9 =	sadd.s32 $0x20, s6;
	v15 =	vmovc v24;
	v55 =	vadd.s32 $0x1870, v13;
	v41 =	vadd.s32 $0x1870, v11;
	vm10 =	vmmov vm6;
	v24 =	vld [tilespmem:$0x1FEB0]  }
0x23b: {  	s10 =	sadd.s32 $0x30, s6;
	v34 =	vsel vm7, $0xFFFFFFFF, v34;
	v36 =	vsel vm3, $0xFFFFFFFF, v36;
	v53 =	vor.u32 s9, v3;
	v38 =	vld [tilespmem:s26+$0xFFFFFFF0]  }
0x23c: {  	v37 =	vor.u32 s10, v3;
	v31 =	vimm.s32 $0x0;
	v26 =	vnsel vm15, $0x0, v26;
	v40 =	vld [tilespmem:s0+$0xFFFFFFF0]  }
0x23d: {  	[tilespmem:$0x1FE70] =	vst v34;
	v34 =	vsel vm9, $0xFFFFFFFF, v50;
	vm9 =	vmmov vm2;
	vm2 =	vlt.s32 v37, v10  }
0x23e: {  	v27 =	vsub.f32 v27, v26;
	v33 =	vmul.f32 v33, v20;
	vm3 =	vnez.u8 v52  }
0x23f: {  	v42 =	vperm.xlane v54, v6;
	vm1 =	vmmov vm3;
	vm3 =	vmmov vm0  }
0x240: {  	vm8 =	vnez.u8 v48;
	v31 =	vsel vm3, $0xFFFFFFFF, v31;
	vm3 =	vnez.u8 v24  }
0x241: {  	v56 =	vmul.f32 v38, v17;
	v57 =	vsub.s32 v40, v0;
	v58 =	vperm.xlane v40, v6;
	v35, _, _ =	vpop (xrf2)  }
0x242: {  	s18 =	sadd.s32 $0x10, s6;
	vm6 =	vne.s32 v54, v42;
	(xrf2) =	vadd.scan.msk.f32 $0xffff, v30;
	v30 =	vperm.xlane v35, v14;
	v14 =	vmovc v29;
	v29 =	vor.u32 s6, v3  }
0x243: {  	v51 =	vld [tilespmem:s17+$0x0];
	[tilespmem:$0x1FED0] =	vst v31;
	v31 =	vor.u32 s18, v3;
	vm15 =	vlt.s32 v57, v2;
	v60, _, _ =	vpop (xrf2);
	vm0 =	vlt.s32 v29, v10  }
0x244: {  	v11 =	vmovc v23;
	[tilespmem:$0x1FE90] =	vst v34;
	v29 =	vadd.s32 $0xC38, v23;
	v23 =	vld [tilespmem:s0+$0x0];
	v61 =	vperm.xlane v60, v12;
	v24 =	vnsel vm3, $0x0, v30  }
0x245: {  	s25 =	sadd.s32 $0x40, s25;
	vm7 =	vgt.s32 v57, $0xFFFFFFFF;
	v49 =	vnsel vm6, $0x80000000, v7;
	(xrf2) =	vadd.scan.msk.f32 $0xffff, v32;
	v30 =	vld [tilespmem:s17+$0xFFFFFFF0];
	v35 =	vsub.f32 v35, v24  }
0x246: {  	(xrf2) =	vadd.scan.msk.f32 $0xffff, v56;
	v12 =	vmovc v25;
	v25 =	vsub.s32 v54, v0;
	vm3 =	vlt.s32 v53, v10;
	v53 =	vld [tilespmem:s25+$0x0];
	v34 =	vnsel vm4, $0x0, v61  }
0x247: {  	v13 =	vmovc v28;
	vm7 =	vmand vm7, vm15;
	vm5 =	vgt.s32 v25, $0xFFFFFFFF;
	v44 =	vsub.f32 v60, v34;
	[tilespmem:v39+s14+$0x0] =	vst.idx.add.f32.msk vm1, v35  }
0x248: {  	v28 =	vsel vm3, $0x0, v51;
	v24 =	vadd.s32 $0xC38, v13;
	vm3 =	vlt.s32 v31, v10;
	v59 =	vld [tilespmem:s25+$0xFFFFFFF0]  }
0x249: {  	v31 =	vadd.s32 $0xC38, v22;
	vm1 =	vne.s32 v40, v58;
	v62 =	vperm.xlane v23, v6;
	[tilespmem:v55+s14+$0x0] =	vst.idx.add.f32.msk vm14, v44  }
0x24a: {  	vm4 =	vmor vm1, vm8;
	v26 =	vsel vm3, $0x0, v30;
	v30 =	vld [tilespmem:s17+$0x10];
	vm3 =	vgt.s32 v25, $0x0  }
0x24b: {  	[tilespmem:v41+s14+$0x0] =	vst.idx.add.f32.msk vm13, v27;
	vm13 =	vmor vm6, vm8;
	v50 =	vsel vm4, $0x1, v8;
	v41 =	vsub.s32 v23, v0  }
0x24c: {  	vm6 =	vlt.s32 v25, v2;
	vm4 =	vgt.s32 v57, $0x0;
	v54 =	vld [tilespmem:s0+$0xFFFFFFE0];
	v39 =	vmul.f32 v53, v28  }
0x24d: {  	v27 =	vld [tilespmem:s25+$0x10];
	v51 =	vsel vm13, $0x1, v8;
	vm13 =	vgt.s32 v41, $0xFFFFFFFF;
	vm14 =	vne.s32 v23, v62;
	v63, _, _ =	vpop (xrf2)  }
0x24e: {  	vm5 =	vmand vm5, vm6;
	v25 =	vnsel vm3, $0x0, v25;
	(xrf2) =	vadd.scan.msk.f32 $0xffff, v33;
	v23 =	vperm.xlane v63, v21  }
0x24f: {  	v56 =	vnsel vm14, $0x80000000, v7;
	v33 =	vperm.xlane v50, v9;
	v43, _, _ =	vpop (xrf2);
	v38 =	vmul.f32 v59, v26  }
0x250: {  	[tilespmem:$0x1FE80] =	vst v36;
	v34, _, _ =	vpop (xrf2);
	v36 =	vsel vm2, $0x0, v30;
	v30 =	vperm.xlane v51, v9;
	v23 =	vnsel vm10, $0x0, v23  }
0x251: {  	(xrf0) =	vmax.scan.msk.u32 $0xffff, v49;
	v55 =	vld [tilespmem:s17+$0xFFFFFFE0];
	v59 =	vperm.xlane v54, v6;
	v62 =	vperm.xlane v34, v14;
	v51 =	vadd.s32 $0xC38, v15  }
0x252: {  	v58 =	vld [tilespmem:s25+$0xFFFFFFE0];
	v52 =	vmul.f32 v27, v36;
	v27 =	vimm.s32 $0x0;
	v23 =	vsub.f32 v63, v23  }
0x253: {  	v63 =	vsub.s32 v54, v0;
	vm2 =	veq.s32 v30, $0x1;
	v27 =	vsel vm7, $0xFFFFFFFF, v27  }
0x254: {  	vm7 =	vcmask $0x3F3C;
	vm3 =	vgt.s32 v63, $0x0;
	v42 =	vnsel vm9, $0x0, v62;
	[tilespmem:$0x1FEA0] =	vst v27  }
0x255: {  	v27 =	vnsel vm4, $0x0, v57;
	vm4 =	vmor vm2, vm7;
	(xrf2) =	vadd.scan.msk.f32 $0xffff, v52;
	[tilespmem:v31+s14+$0x0] =	vst.idx.add.f32.msk vm12, v23  }
0x256: {  	vm2 =	vlt.s32 v41, v2;
	v31 =	vsel vm0, $0x0, v55;
	v23 =	vperm.xlane v43, v19;
	v55 =	vld [tilespmem:$0x1FE70]  }
0x257: {  	v57, _, _ =	vpop (xrf0);
	v47 =	vsub.f32 v34, v42;
	vm13 =	vmand vm13, vm2;
	v61 =	vmul.f32 v58, v31  }
0x258: {  	vm2 =	vmor vm14, vm8;
	v45 =	vadd.s32 $0x7FFFFFFF, v57;
	v60 =	vld [tilespmem:s28+$0x0];
	vm14 =	vmand vm5, vm4;
	v37, _, _ =	vpop (xrf2);
	(xrf2) =	vadd.scan.msk.f32 $0xffff, v39  }
0x259: {  	vm5 =	vgt.s32 v41, $0x0;
	vm0 =	vgt.u32 v57, $0x80000000;
	v30 =	vsel vm2, $0x1, v8;
	(xrf2) =	vadd.scan.msk.f32 $0xffff, v61;
	v61 =	vld [tilespmem:$0x1FED0]  }
0x25a: {  	(xrf0) =	vmax.scan.msk.u32 $0xffff, v56;
	vm2 =	vgt.s32 v45, $0x0;
	v23 =	vnsel vm11, $0x0, v23;
	v46 =	vperm.xlane v30, v9  }
0x25b: {  	v57 =	vnsel vm5, $0x0, v41;
	v30 =	vnsel vm2, $0x0, v45;
	vm6 =	vnez.u8 v55  }
0x25c: {  	v49 =	vsub.f32 v43, v23;
	v23 =	vimm.s32 $0x0;
	vm2 =	veq.s32 v46, $0x1  }
0x25d: {  	v23 =	vsel vm9, $0xFFFFFFFF, v23;
	vm15 =	vmor vm2, vm7;
	vm2 =	vne.s32 v54, v59  }
0x25e: {  	v35 =	vmul.f32 v60, v16;
	v59 =	vnsel vm1, $0x80000000, v7;
	vm1 =	vnez.u8 v61  }
0x25f: {  	vm4 =	vlt.s32 v63, v2;
	v39 =	vmin.u32 v57, $0xC37;
	[tilespmem:$0x1FEB0] =	vst v23;
	v52, _, _ =	vpop (xrf2);
	(xrf2) =	vadd.scan.msk.f32 $0xffff, v38  }
0x260: {  	v57 =	vld [tilespmem:$0x1FE90];
	v53 =	vperm.xlane v37, v12;
	v23 =	vmin.u32 v25, $0xC37;
	v50, _, _ =	vpop (xrf0);
	v48 =	vnsel vm2, $0x80000000, v7;
	(xrf2) =	vadd.scan.msk.f32 $0xffff, v35  }
0x261: {  	v16 =	vmovc v28;
	v28 =	vnsel vm3, $0x0, v63;
	vm9 =	vmmov vm6;
	(xrf0) =	vmax.scan.msk.u32 $0xffff, v48;
	[tilespmem:v29+s14+$0x0] =	vst.idx.add.f32.msk vm6, v49  }
0x262: {  	v54 =	vadd.s32 $0x7FFFFFFF, v50;
	vm2 =	vmor vm2, vm8;
	v25 =	vperm.xlane v52, v30;
	v29 =	vld [tilespmem:$0x1FE80]  }
0x263: {  	v28 =	vmin.u32 v28, $0xC37;
	vm3 =	vgt.s32 v54, $0x0;
	v56 =	vsel vm2, $0x1, v8;
	v58 =	vld [tilespmem:s28+$0x10]  }
0x264: {  	v34 =	vperm.xlane v56, v9;
	v25 =	vnsel vm0, $0x0, v25;
	[tilespmem:v51+s14+$0x0] =	vst.idx.add.f32.msk vm1, v47;
	vm1 =	vgt.s32 v63, $0xFFFFFFFF  }
0x265: {  	vm1 =	vmand vm1, vm4;
	vm4 =	vmand vm13, vm15;
	vm13 =	vnez.u8 v57  }
0x266: {  	v38 =	vnsel vm3, $0x0, v54;
	vm2 =	veq.s32 v34, $0x1;
	v60, _, _ =	vpop (xrf2);
	v32 =	vsub.f32 v52, v25  }
0x267: {  	vm3 =	vgt.u32 v50, $0x80000000;
	vm2 =	vmor vm2, vm7;
	vm8 =	vnez.u8 v29;
	v29, _, _ =	vpop (xrf0)  }
0x268: {  	v48, _, _ =	vpop (xrf2);
	v50 =	vperm.xlane v60, v38;
	[tilespmem:v23+s14+$0x0] =	vst.idx.add.f32.msk vm14, v32;
	v62 =	vnsel vm8, $0x0, v53;
	v63 =	vadd.s32 $0x7FFFFFFF, v29  }
0x269: {  	s26 =	sadd.s32 $0x40, s26;
	(xrf0) =	vmax.scan.msk.u32 $0xffff, v59;
	v43 =	vld [tilespmem:s28+$0xFFFFFFF0];
	v49 =	vmul.f32 v58, v18;
	v58 =	vadd.s32 $0x1870, v22;
	v55 =	vsub.f32 v37, v62;
	v53, _, _ =	vpop (xrf2)  }
0x26a: {  	v52 =	vld [tilespmem:s26+$0x10];
	vm15 =	vmmov vm11;
	vm11 =	vmmov vm0;
	vm5 =	vgt.s32 v63, $0x0;
	v56, _, _ =	vpop (xrf2)  }
0x26b: {  	v25 =	vnsel vm5, $0x0, v63;
	(xrf2) =	vadd.scan.msk.f32 $0xffff, v49;
	[tilespmem:v24+s14+$0x0] =	vst.idx.add.f32.msk vm13, v55;
	v24 =	vperm.xlane v56, v21  }
0x26c: {  	vm5 =	vmand vm1, vm2;
	vm1 =	vgt.u32 v29, $0x80000000;
	v29 =	vnsel vm3, $0x0, v50  }
0x26d: {  	vm2 =	veq.s32 v33, $0x1;
	v29 =	vsub.f32 v60, v29;
	v60 =	vld [tilespmem:s28+$0xFFFFFFE0];
	v24 =	vnsel vm10, $0x0, v24  }
0x26e: {  	v18 =	vmovc v36;
	v51 =	vperm.xlane v48, v25;
	vm2 =	vmor vm2, vm7;
	v33 =	vsub.f32 v56, v24;
	v24 =	vld [tilespmem:$0x1FEA0]  }
0x26f: {  	vm7 =	vmmov vm14;
	vm14 =	vmmov vm13;
	v54 =	vmul.f32 v43, v17;
	v59, _, _ =	vpop (xrf0)  }
0x270: {  	s29 =	sadd.s32 $0x4, s29;
	v17 =	vmovc v26;
	v26 =	vnsel vm1, $0x0, v51;
	v32 =	vmul.f32 v52, v18;
	v61 =	vadd.s32 $0x7FFFFFFF, v59;
	[tilespmem:v39+s14+$0x0] =	vst.idx.add.f32.msk vm4, v29  }
0x271: {  	p0 =	slt.u32 s29, $0x1FC;
	v26 =	vsub.f32 v48, v26;
	vm13 =	vmmov vm9;
	vm6 =	vgt.s32 v61, $0x0;
	v62 =	vld [tilespmem:s26+$0x0]  }
.Ltmp9:
0x272: {  	vm9 =	vmmov vm5;
	(xrf2) =	vadd.scan.msk.f32 $0xffff, v54;
	v29 =	vnsel vm6, $0x0, v61;
	vm6 =	vmmov vm3;
	(pc) =	sbr.rel @p0 .LBB2_10-.Ltmp9, $4  }
0x273: {  	[tilespmem:v28+s14+$0x0] =	vst.idx.add.f32.msk vm5, v26;
	v26 =	vperm.xlane v53, v29;
	v63 =	vmul.f32 v60, v20;
	vm0 =	vnez.u8 v24  }
0x274: {  	v22 =	vmovc v39;
	v21 =	vmovc v38;
	[tilespmem:v58+s14+$0x0] =	vst.idx.add.f32.msk vm12, v33;
	vm12 =	vmmov vm4;
	vm0 =	vmand vm0, vm2;
	vm2 =	vgt.u32 v59, $0x80000000  }
0x275: {  	s6 =	sadd.s32 $0x40, s6;
	v20 =	vmov v31;
	v24 =	vmin.u32 v27, $0xC37;
	v27, _, _ =	vpop (xrf2);
	(xrf2) =	vadd.scan.msk.f32 $0xffff, v63;
	v31 =	vnsel vm2, $0x0, v26  }
0x276: {  	s0 =	sadd.s32 $0x40, s0;
	s17 =	sadd.s32 $0x40, s17;
	s28 =	sadd.s32 $0x40, s28;
	v33 =	vld [tilespmem:s26+$0xFFFFFFE0];
	v26 =	vperm.xlane v27, v19;
	v19 =	vmovc v30;
	v30 =	vmul.f32 v62, v16;
	v31 =	vsub.f32 v53, v31  }
0x277: {  	_ =	sdelay $0x4  }
0x278: {  	[tilespmem:v24+s14+$0x0] =	vst.idx.add.f32.msk vm0, v31  }
0x279: {  	v10 =	vld [tilespmem:s26+$0xFFFFFFF0];
	_ =	sdelay $0x2  }
0x27a: {  	(xrf2) =	vadd.scan.msk.f32 $0xffff, v30  }
0x27b: {  	(xrf2) =	vadd.scan.msk.f32 $0xffff, v32  }
0x27c: {  	v10 =	vmul.f32 v10, v17;
	_ =	sdelay $0x1  }
0x27d: {  	(xrf2) =	vadd.scan.msk.f32 $0xffff, v10;
	v10 =	vmul.f32 v33, v20;
	_ =	sdelay $0x1  }
0x27e: {  	(xrf2) =	vadd.scan.msk.f32 $0xffff, v10;
	_ =	sdelay $0x1  }
0x27f: {  	v10, _, _ =	vpop (xrf2)  }
0x280: {  	v59, _, _ =	vpop (xrf2)  }
0x281: {  	v60, _, _ =	vpop (xrf2)  }
0x282: {  	v62 =	vadd.s32 $0xC38, v22;
	v61 =	vperm.xlane v60, v21;
	v34, _, _ =	vpop (xrf2)  }
0x283: {  	v35 =	vadd.s32 $0xC38, v23;
	v36 =	vperm.xlane v34, v19  }
0x284: {  	v32 =	vnsel vm6, $0x0, v61  }
0x285: {  	vm3 =	vmmov vm0;
	v37, _, _ =	vpop (xrf2);
	v31 =	vsub.f32 v60, v32;
	v36 =	vnsel vm11, $0x0, v36  }
0x286: {  	v38 =	vadd.s32 $0xC38, v24;
	v63 =	vperm.xlane v37, v29;
	v34 =	vsub.f32 v34, v36  }
0x287: {  	vm0 =	vmmov vm2;
	[tilespmem:v62+s14+$0x0] =	vst.idx.add.f32.msk vm12, v31;
	v39, _, _ =	vpop (xrf2)  }
0x288: {  	v40 =	vadd.s32 $0xC38, v28;
	v32 =	vnsel vm0, $0x0, v63;
	[tilespmem:v35+s14+$0x0] =	vst.idx.add.f32.msk vm7, v34;
	v41 =	vperm.xlane v39, v25  }
0x289: {  	vm1 =	vmmov vm1;
	v42 =	vld [tilespmem:s28+$0x0];
	v32 =	vsub.f32 v37, v32  }
0x28a: {  	v44 =	vld [tilespmem:s28+$0x10];
	v43 =	vnsel vm1, $0x0, v41  }
0x28b: {  	[tilespmem:v38+s14+$0x0] =	vst.idx.add.f32.msk vm3, v32;
	v31 =	vsub.f32 v39, v43  }
0x28c: {  	v45 =	vld [tilespmem:s28+$0xFFFFFFF0]  }
0x28d: {  	[tilespmem:v40+s14+$0x0] =	vst.idx.add.f32.msk vm9, v31  }
0x28e: {  	v31 =	vld [tilespmem:s28+$0xFFFFFFE0]  }
0x28f: {  	v16 =	vmul.f32 v42, v16  }
0x290: {  	v46 =	vmul.f32 v44, v18  }
0x291: {  	(xrf2) =	vadd.scan.msk.f32 $0xffff, v16;
	v47 =	vmul.f32 v45, v17  }
0x292: {  	(xrf2) =	vadd.scan.msk.f32 $0xffff, v46  }
0x293: {  	v49 =	vld [tilespmem:$0x1FED0];
	(xrf2) =	vadd.scan.msk.f32 $0xffff, v47;
	v48 =	vmul.f32 v31, v20;
	_ =	sdelay $0x1  }
0x294: {  	(xrf2) =	vadd.scan.msk.f32 $0xffff, v48  }
0x295: {  	v50 =	vld [tilespmem:$0x1FEB0]  }
0x296: {  	vm10 =	vmmov vm8  }
0x297: {  	v15 =	vadd.s32 $0x1870, v15;
	v13 =	vadd.s32 $0x1870, v13;
	vm4 =	vnez.u8 v49  }
0x298: {  	v11 =	vadd.s32 $0x1870, v11;
	v12 =	vperm.xlane v59, v12;
	vm4 =	vmmov vm4  }
0x299: {  	v54 =	vadd.s32 $0x1870, v22;
	v58 =	vadd.s32 $0x1870, v24;
	v14 =	vperm.xlane v10, v14  }
0x29a: {  	v52 =	vnsel vm15, $0x0, v26;
	v12 =	vnsel vm10, $0x0, v12;
	vm5 =	vnez.u8 v50;
	v51, _, _ =	vpop (xrf2)  }
0x29b: {  	vm10 =	vmmov vm11;
	v12 =	vsub.f32 v59, v12;
	v14 =	vnsel vm5, $0x0, v14;
	v55, _, _ =	vpop (xrf2)  }
0x29c: {  	vm3 =	vmmov vm3;
	v10 =	vsub.f32 v10, v14;
	v53 =	vperm.xlane v51, v21;
	v56, _, _ =	vpop (xrf2)  }
0x29d: {  	v59 =	vadd.s32 $0x1870, v23;
	v16 =	vsub.f32 v27, v52;
	v57 =	vperm.xlane v56, v29  }
0x29e: {  	v61 =	vadd.s32 $0x1870, v28;
	[tilespmem:v15+s14+$0x0] =	vst.idx.add.f32.msk vm4, v10;
	v10 =	vperm.xlane v55, v19;
	v17 =	vnsel vm6, $0x0, v53;
	v60, _, _ =	vpop (xrf2)  }
0x29f: {  	[tilespmem:v11+s14+$0x0] =	vst.idx.add.f32.msk vm13, v16;
	v14 =	vsub.f32 v51, v17;
	v11 =	vnsel vm0, $0x0, v57;
	v62 =	vperm.xlane v60, v25  }
.Ltmp10:
0x2a0: {  	vm15 =	vmmov vm1;
	[tilespmem:v13+s14+$0x0] =	vst.idx.add.f32.msk vm14, v12;
	v10 =	vnsel vm10, $0x0, v10;
	v11 =	vsub.f32 v56, v11;
	(pc) =	sbr.rel .LBB2_12-.Ltmp10, $4  }
0x2a1: {  	v10 =	vsub.f32 v55, v10;
	[tilespmem:v54+s14+$0x0] =	vst.idx.add.f32.msk vm12, v14;
	v63 =	vnsel vm15, $0x0, v62  }
0x2a2: {  	[tilespmem:v58+s14+$0x0] =	vst.idx.add.f32.msk vm3, v11;
	v11 =	vsub.f32 v60, v63  }
0x2a3: {  	[tilespmem:v59+s14+$0x0] =	vst.idx.add.f32.msk vm7, v10  }
0x2a4: {  	vm8 =	vmmov vm7;
	vm11 =	vmmov vm9;
	[tilespmem:v61+s14+$0x0] =	vst.idx.add.f32.msk vm9, v11  }
.LBB2_14:
0x2a5: {  	_ =	sfence.sel $0x180000  }
0x2a6: {  	[bflag:$0x0] =	sbarrier.arrive $0xFFFF  }
0x2a7: {  	_ =	strace $0x90000047  }
0x2a8: {  	s0 =	stileid.u32;
	[bflag:$0x2] =	sbarrier.arrive $0xFFFF  }
0x2a9: {  	p0 =	sne.s32 s0, $0x0;
	s0 =	rddreg [dreg:$0x6]  }
0x2aa: {  	s0 =	sadd.s32 @!p0 $0x100000, s0  }
0x2ab: {  	[sflag:s0] =	ssyncadd.tile.s32 @!p0 $0x1;
	_ =	shalt  }
.Lfunc_end2:
_tile_overlayer_lowered:
.L_overlay_start_2:
0x2ac: {  	(tag) =	ssettag $0x2  }
0x2ad: {  	s0 =	rddreg [dreg:$0x0];
	s2 =	stileid.u32  }
0x2ae: {  	s1 =	rddreg [dreg:$0x1];
	p0 =	sne.s32 s2, $0x0  }
0x2af: {  	s3 =	rddreg [dreg:$0x2];
	[bflag:$0x3] =	sbarrier.arrive $0xFFFF;
	s2 =	simm.s32 @!p0 $0x1C04  }
0x2b0: {  	[timem:s3], [sflag:s2] =	dma.local @!p0 [hbm:s0], s1  }
0x2b1: {  	s0 =	simm.s32 @!p0 $0x4  }
0x2b2: {  	_ =	swait.ge @!p0 [sflag:s0], s1  }
0x2b3: {  	s1 =	ssub.s32 @!p0 $0x0, s1;
	[sflag:s0] =	ssyncset.done @!p0 $0x0  }
0x2b4: {  	[sflag:s0] =	ssyncadd.s32 @!p0 s1  }
0x2b5: {  	[bflag:$0x3] =	sbarrier.arrive $0xFFFF  }
0x2b6: {  	_ =	shalt  }

</sc_bundles>
